<compile_context>
chip_gen: v7x
topology: tpu7x:2x2x1
jax: 0.10.2.dev20260603
libtpu: 0.0.44.dev20260713+nightly
codegen_flags: <defaults>
</compile_context>

<pallas_src>
import functools

import jax
import jax.numpy as jnp
from jax import lax
from jax.experimental import pallas as pl
from jax.experimental.pallas import tpu as pltpu
from jax.experimental.pallas import tpu_sc as plsc

_N = 10000
_E = 320000
_D = 128
_NG = 64

_NCORE = 2
_NSUB = 16
_NW = _NCORE * _NSUB

_CHUNK = 128
_CPT = 80
_EPT = _CHUNK * _CPT
_EP = _EPT * _NW
_NPAD = 10112
_ZRPT = _NPAD // _NSUB
_DEGW = 16

_R = 1000
_GRID = _N // _R


def _sc_mesh():
    return plsc.VectorSubcoreMesh(
        core_axis_name="c", subcore_axis_name="s",
        num_cores=_NCORE, num_subcores=_NSUB)


@functools.partial(
    pl.kernel,
    out_type=jax.ShapeDtypeStruct((_NCORE, _NPAD, _D), jnp.float32),
    mesh=_sc_mesh(),
    scratch_types=[
        pltpu.VMEM((_CPT, _CHUNK), jnp.int32),
        pltpu.VMEM((_CHUNK, _D), jnp.float32),
        pltpu.VMEM_SHARED((_NPAD, _D), jnp.float32),
        pltpu.SemaphoreType.DMA,
        pltpu.SemaphoreType.DMA,
    ],
)
def _sc_deg(dst_hbm, zeros_hbm, ones_hbm, out_hbm, dst_v, ones_v, acc,
            sem, psem):
    cid = lax.axis_index("c")
    sid = lax.axis_index("s")
    wid = sid * _NCORE + cid
    pltpu.async_copy(zeros_hbm.at[pl.ds(sid * _ZRPT, _ZRPT)],
                     acc.at[pl.ds(sid * _ZRPT, _ZRPT)], psem)
    pltpu.async_copy(ones_hbm, ones_v, sem)
    pltpu.async_copy(dst_hbm.at[wid], dst_v, sem)
    pltpu.make_async_copy(ones_hbm, ones_v, sem).wait()
    pltpu.make_async_copy(dst_hbm.at[wid], dst_v, sem).wait()
    pltpu.make_async_copy(zeros_hbm.at[pl.ds(sid * _ZRPT, _ZRPT)],
                          acc.at[pl.ds(sid * _ZRPT, _ZRPT)], psem).wait()
    plsc.subcore_barrier()

    @pl.loop(0, _CPT // 8)
    def _(g):
        for u in range(8):
            pltpu.async_copy(ones_v, acc.at[dst_v.at[8 * g + u]], sem,
                             add=True)
        for u in range(8):
            pltpu.make_async_copy(ones_v, acc.at[dst_v.at[0]], sem).wait()

    plsc.subcore_barrier()
    pltpu.sync_copy(acc.at[pl.ds(sid * _ZRPT, _ZRPT)],
                    out_hbm.at[cid, pl.ds(sid * _ZRPT, _ZRPT)])


@functools.partial(
    pl.kernel,
    out_type=jax.ShapeDtypeStruct((_NCORE, _NPAD, _D), jnp.float32),
    mesh=_sc_mesh(),
    scratch_types=[
        pltpu.VMEM((_CPT, _CHUNK), jnp.int32),
        pltpu.VMEM((_CPT // 2, _CHUNK), jnp.int32),
        pltpu.VMEM((_CHUNK, _D), jnp.float32),
        pltpu.VMEM((_CHUNK, _D), jnp.float32),
        pltpu.VMEM_SHARED((_NPAD, _D), jnp.float32),
        pltpu.SemaphoreType.DMA,
        pltpu.SemaphoreType.DMA,
        pltpu.SemaphoreType.DMA,
    ],
)
def _sc_msg(z_hbm, src_hbm, dst_hbm, zeros_hbm, out_hbm,
            src_v, dst_v, rows_a, rows_b, acc, sem_a, sem_b, psem):
    cid = lax.axis_index("c")
    sid = lax.axis_index("s")
    wid = sid * _NCORE + cid
    half = _CPT // 2
    pltpu.async_copy(zeros_hbm.at[pl.ds(sid * _ZRPT, _ZRPT)],
                     acc.at[pl.ds(sid * _ZRPT, _ZRPT)], psem)
    pltpu.async_copy(src_hbm.at[wid], src_v, sem_a)
    pltpu.async_copy(dst_hbm.at[wid, pl.ds(0, half)], dst_v, sem_b)
    pltpu.make_async_copy(src_hbm.at[wid], src_v, sem_a).wait()
    pltpu.make_async_copy(dst_hbm.at[wid, pl.ds(0, half)], dst_v,
                          sem_b).wait()

    def start(i, buf, sem):
        pltpu.async_copy(z_hbm.at[src_v.at[i]], buf, sem)

    def drain(buf, sem):
        pltpu.make_async_copy(z_hbm.at[pl.ds(0, _CHUNK)], buf, sem).wait()

    start(0, rows_a, sem_a)
    start(1, rows_b, sem_b)
    pltpu.make_async_copy(zeros_hbm.at[pl.ds(sid * _ZRPT, _ZRPT)],
                          acc.at[pl.ds(sid * _ZRPT, _ZRPT)], psem).wait()
    plsc.subcore_barrier()

    for phase in range(2):
        base_c = phase * half

        @pl.loop(0, half // 2)
        def _(j):
            i = base_c + 2 * j
            k = 2 * j
            drain(rows_a, sem_a)
            pltpu.sync_copy(rows_a, acc.at[dst_v.at[k]], add=True)

            @pl.when(i + 2 < _CPT)
            def _():
                start(i + 2, rows_a, sem_a)

            drain(rows_b, sem_b)
            pltpu.sync_copy(rows_b, acc.at[dst_v.at[k + 1]], add=True)

            @pl.when(i + 3 < _CPT)
            def _():
                start(i + 3, rows_b, sem_b)

        if phase == 0:
            pltpu.sync_copy(dst_hbm.at[wid, pl.ds(half, half)], dst_v)

    plsc.subcore_barrier()
    pltpu.sync_copy(acc.at[pl.ds(sid * _ZRPT, _ZRPT)],
                    out_hbm.at[cid, pl.ds(sid * _ZRPT, _ZRPT)])


def _dot(a, b):
    return lax.dot_general(a, b, (((1,), (0,)), ((), ())),
                           preferred_element_type=jnp.float32,
                           precision=lax.Precision.DEFAULT)


def _mm_body(x_ref, w_ref, o_ref):
    o_ref[...] = _dot(x_ref[...], w_ref[...])


_tc_mm = pl.pallas_call(
    _mm_body,
    grid=(_GRID,),
    in_specs=[pl.BlockSpec((_R, _D), lambda i: (i, 0)),
              pl.BlockSpec((_D, _D), lambda i: (0, 0))],
    out_specs=pl.BlockSpec((_R, _D), lambda i: (i, 0)),
    out_shape=jax.ShapeDtypeStruct((_N, _D), jnp.float32),
)


def _prep_body(d0_ref, d1_ref, y_ref, dis_ref, z_ref):
    deg = d0_ref[...][:, 0:1] + d1_ref[...][:, 0:1] + 1.0
    dis = lax.rsqrt(deg)
    dis_ref[...] = jnp.broadcast_to(dis, (_R, _DEGW))
    z_ref[...] = y_ref[...] * dis


_tc_prep = pl.pallas_call(
    _prep_body,
    grid=(_GRID,),
    in_specs=[pl.BlockSpec((_R, _D), lambda i: (i, 0)),
              pl.BlockSpec((_R, _D), lambda i: (i, 0)),
              pl.BlockSpec((_R, _D), lambda i: (i, 0))],
    out_specs=[pl.BlockSpec((_R, _DEGW), lambda i: (i, 0)),
               pl.BlockSpec((_R, _D), lambda i: (i, 0))],
    out_shape=[jax.ShapeDtypeStruct((_N, _DEGW), jnp.float32),
               jax.ShapeDtypeStruct((_N, _D), jnp.float32)],
)


def _elu(h):
    return jnp.where(h > 0.0, h, jnp.exp(jnp.minimum(h, 0.0)) - 1.0)


def _layer_body(a0_ref, a1_ref, z_ref, dis_ref, b_ref, w_ref, o_ref):
    dis = dis_ref[...][:, 0:1]
    h = dis * (a0_ref[...] + a1_ref[...] + z_ref[...]) + b_ref[...]
    u = _elu(h)
    o_ref[...] = dis * _dot(u, w_ref[...])


_tc_layer = pl.pallas_call(
    _layer_body,
    grid=(_GRID,),
    in_specs=[pl.BlockSpec((_R, _D), lambda i: (i, 0)),
              pl.BlockSpec((_R, _D), lambda i: (i, 0)),
              pl.BlockSpec((_R, _D), lambda i: (i, 0)),
              pl.BlockSpec((_R, _DEGW), lambda i: (i, 0)),
              pl.BlockSpec((1, _D), lambda i: (0, 0)),
              pl.BlockSpec((_D, _D), lambda i: (0, 0))],
    out_specs=pl.BlockSpec((_R, _D), lambda i: (i, 0)),
    out_shape=jax.ShapeDtypeStruct((_N, _D), jnp.float32),
)


def _final_body(a0_ref, a1_ref, z_ref, dis_ref, b_ref, bat_ref,
                wc_ref, bc_ref, wr_ref, br_ref,
                pooled_ref, cls_ref, reg_ref, ps_ref, cnt_ref):
    i = pl.program_id(0)

    @pl.when(i == 0)
    def _():
        ps_ref[...] = jnp.zeros_like(ps_ref)
        cnt_ref[...] = jnp.zeros_like(cnt_ref)

    dis = dis_ref[...][:, 0:1]
    h = dis * (a0_ref[...] + a1_ref[...] + z_ref[...]) + b_ref[...]
    gids = lax.broadcasted_iota(jnp.int32, (_R, _NG), 1).astype(jnp.float32)
    oh = (bat_ref[...][:, 0:1] == gids).astype(jnp.float32)
    ps_ref[...] += lax.dot_general(oh, h, (((0,), (0,)), ((), ())),
                                   preferred_element_type=jnp.float32,
                                   precision=lax.Precision.HIGHEST)
    ones = jnp.ones((_R, _DEGW), jnp.float32)
    cnt_ref[...] += lax.dot_general(oh, ones, (((0,), (0,)), ((), ())),
                                    preferred_element_type=jnp.float32,
                                    precision=lax.Precision.HIGHEST)

    @pl.when(i == _GRID - 1)
    def _():
        pooled = ps_ref[...] / jnp.maximum(cnt_ref[...][:, 0:1], 1.0)
        pooled_ref[...] = pooled
        cls_ref[...] = _dot(pooled, wc_ref[...]) + bc_ref[...]
        reg_ref[...] = _dot(pooled, wr_ref[...]) + br_ref[...]


_tc_final = pl.pallas_call(
    _final_body,
    grid=(_GRID,),
    in_specs=[pl.BlockSpec((_R, _D), lambda i: (i, 0)),
              pl.BlockSpec((_R, _D), lambda i: (i, 0)),
              pl.BlockSpec((_R, _D), lambda i: (i, 0)),
              pl.BlockSpec((_R, _DEGW), lambda i: (i, 0)),
              pl.BlockSpec((1, _D), lambda i: (0, 0)),
              pl.BlockSpec((_R, _DEGW), lambda i: (i, 0)),
              pl.BlockSpec((_D, 16), lambda i: (0, 0)),
              pl.BlockSpec((1, 16), lambda i: (0, 0)),
              pl.BlockSpec((_D, 4), lambda i: (0, 0)),
              pl.BlockSpec((1, 4), lambda i: (0, 0))],
    out_specs=[pl.BlockSpec((_NG, _D), lambda i: (0, 0)),
               pl.BlockSpec((_NG, 16), lambda i: (0, 0)),
               pl.BlockSpec((_NG, 4), lambda i: (0, 0))],
    out_shape=[jax.ShapeDtypeStruct((_NG, _D), jnp.float32),
               jax.ShapeDtypeStruct((_NG, 16), jnp.float32),
               jax.ShapeDtypeStruct((_NG, 4), jnp.float32)],
    scratch_shapes=[pltpu.VMEM((_NG, _D), jnp.float32),
                    pltpu.VMEM((_NG, _DEGW), jnp.float32)],
)


def kernel(x, edge_index, batch, W1, b1, W2, b2, W3, b3, Wc, bc, Wr, br):
    src = edge_index[0]
    dst = edge_index[1]
    pad = _EP - _E
    ar = jnp.arange(pad, dtype=jnp.int32)
    srcp = jnp.concatenate([src, (ar * 8) % _N]).reshape(_NW, _CPT, _CHUNK)
    dstp = jnp.concatenate([dst, _N + (ar % (_NPAD - _N))]
                           ).reshape(_NW, _CPT, _CHUNK)

    zeros128 = jnp.zeros((_NPAD, _D), jnp.float32)
    ones_c = jnp.ones((_CHUNK, _D), jnp.float32)
    bat16 = jnp.broadcast_to(
        batch.astype(jnp.float32)[:, None], (_N, _DEGW))

    degp = _sc_deg(dstp, zeros128, ones_c)
    y1 = _tc_mm(x, W1)
    dis16, z1 = _tc_prep(degp[0, :_N], degp[1, :_N], y1)

    a1 = _sc_msg(z1, srcp, dstp, zeros128)
    z2 = _tc_layer(a1[0, :_N], a1[1, :_N], z1, dis16, b1.reshape(1, _D), W2)
    a2 = _sc_msg(z2, srcp, dstp, zeros128)
    z3 = _tc_layer(a2[0, :_N], a2[1, :_N], z2, dis16, b2.reshape(1, _D), W3)
    a3 = _sc_msg(z3, srcp, dstp, zeros128)

    pooled, cls_o, reg_o = _tc_final(
        a3[0, :_N], a3[1, :_N], z3, dis16, b3.reshape(1, _D), bat16,
        Wc, bc.reshape(1, 16), Wr, br.reshape(1, 4))
    return pooled, cls_o, reg_o

# --- scband reference (transcript-rebuilt; emitter-appended) ---
"""Pipeline reference for scband-graph-network-18751827214892 (READ-ONLY COPY).

The authoritative reference and input builder live on the scoring server;
editing this copy changes nothing except your own understanding.
"""

import jax, jax.numpy as jnp
import numpy as np

N = 10000
E = 320000
D = 128
H = 128
NC = 16
NR = 4
NG = 64


def _gcn_conv(x, W, b, src, dst, n):
    # GCNConv: x' = D^{-1/2} (A + I) D^{-1/2} x W + b
    x = x @ W
    loop = jnp.arange(n, dtype=src.dtype)
    src2 = jnp.concatenate([src, loop])
    dst2 = jnp.concatenate([dst, loop])
    ew = jnp.ones(src2.shape[0], dtype=x.dtype)
    deg = jax.ops.segment_sum(ew, dst2, num_segments=n)
    dis = jnp.where(deg > 0, jax.lax.rsqrt(jnp.maximum(deg, 1e-12)), 0.0)
    norm = dis[src2] * ew * dis[dst2]
    msg = jnp.take(x, src2, axis=0) * norm[:, None]
    out = jax.ops.segment_sum(msg, dst2, num_segments=n)
    return out + b


def setup_inputs(seed: int = 0) -> dict:
    key = jax.random.key(seed)
    ks = jax.random.split(key, 16)
    inp = {}
    inp["x"] = jax.random.normal(ks[0], (N, D), dtype=jnp.float32)
    inp["edge_index"] = jax.random.randint(ks[1], (2, E), 0, N, dtype=jnp.int32)
    inp["batch"] = jnp.sort(jax.random.randint(ks[2], (N,), 0, NG, dtype=jnp.int32))
    s1 = float(1.0 / np.sqrt(D))
    s2 = float(1.0 / np.sqrt(H))
    inp["W1"] = jax.random.uniform(ks[3], (D, H), jnp.float32, -s1, s1)
    inp["b1"] = jnp.zeros((H,), jnp.float32)
    inp["W2"] = jax.random.uniform(ks[4], (H, H), jnp.float32, -s2, s2)
    inp["b2"] = jnp.zeros((H,), jnp.float32)
    inp["W3"] = jax.random.uniform(ks[5], (H, H), jnp.float32, -s2, s2)
    inp["b3"] = jnp.zeros((H,), jnp.float32)
    inp["Wc"] = jax.random.uniform(ks[6], (H, NC), jnp.float32, -s2, s2)
    inp["bc"] = jnp.zeros((NC,), jnp.float32)
    inp["Wr"] = jax.random.uniform(ks[7], (H, NR), jnp.float32, -s2, s2)
    inp["br"] = jnp.zeros((NR,), jnp.float32)
    return inp


def reference(x, edge_index, batch, W1, b1, W2, b2, W3, b3, Wc, bc, Wr, br):
    src = edge_index[0]
    dst = edge_index[1]
    n = x.shape[0]
    h = _gcn_conv(x, W1, b1, src, dst, n)
    h = _gcn_conv(jax.nn.elu(h), W2, b2, src, dst, n)
    h = _gcn_conv(jax.nn.elu(h), W3, b3, src, dst, n)
    # global_mean_pool over batch assignment
    sums = jax.ops.segment_sum(h, batch, num_segments=NG)
    cnt = jax.ops.segment_sum(jnp.ones((n,), h.dtype), batch, num_segments=NG)
    pooled = sums / jnp.maximum(cnt, 1.0)[:, None]
    cls_out = pooled @ Wc + bc
    reg_out = pooled @ Wr + br
    return (pooled, cls_out, reg_out)

if __name__ == "__main__":
    import jax
    _d = setup_inputs()
    print(jax.jit(kernel)(*tuple(_d.values())))

</pallas_src>

<mosaic_0001>
#map = affine_map<(d0, d1) -> (0, 0, 0)>
#map1 = affine_map<(d0, d1) -> (0, 0)>
module attributes {stable_mosaic.version = 14 : i64} {
  func.func @_sc_deg(%arg0: i32, %arg1: i32, %arg2: memref<32x80x128xi32, #tpu.memory_space<hbm>>, %arg3: memref<10112x128xf32, #tpu.memory_space<hbm>>, %arg4: memref<128x128xf32, #tpu.memory_space<hbm>>, %arg5: memref<2x10112x128xf32, #tpu.memory_space<hbm>>, %arg6: memref<80x128xi32, #tpu.memory_space<vmem>>, %arg7: memref<128x128xf32, #tpu.memory_space<vmem>>, %arg8: memref<10112x128xf32, #tpu.memory_space<vmem_shared>>, %arg9: memref<!tpu.dma_semaphore, #tpu.memory_space<semaphore_mem>>, %arg10: memref<!tpu.dma_semaphore, #tpu.memory_space<semaphore_mem>>) attributes {dimension_semantics = [#tpu.dimension_semantics<core_parallel>, #tpu.dimension_semantics<subcore_parallel>], iteration_bounds = array<i64: 2, 16>, scalar_prefetch = 0 : i64, scratch_operands = 5 : i64, tpu.core_type = #tpu.core_type<sc_vector_subcore>, window_params = [{transform_indices = #map}, {transform_indices = #map1}, {transform_indices = #map1}, {transform_indices = #map}]} {
    %mul3A = arith.constant 2 : i32
    %mul3A_0 = arith.muli %arg1, %mul3A : i32
    %add3A = arith.addi %mul3A_0, %arg0 : i32
    %mul3A_1 = arith.constant 632 : i32
    %mul3A_2 = arith.muli %arg1, %mul3A_1 : i32
    %mul3A_3 = arith.constant 632 : i32
    %mul3A_4 = arith.muli %arg1, %mul3A_3 : i32
    %dma_start3A = arith.constant 0 : i32
    %dma_start3A_5 = tpu.memref_slice %arg8[%mul3A_4, %dma_start3A] : memref<10112x128xf32, #tpu.memory_space<vmem_shared>> -> memref<632x128xf32, #tpu.memory_space<vmem_shared>>
    %dma_start3A_6 = arith.constant 0 : i32
    %dma_start3A_7 = tpu.memref_slice %arg3[%mul3A_2, %dma_start3A_6] : memref<10112x128xf32, #tpu.memory_space<hbm>> -> memref<632x128xf32, #tpu.memory_space<hbm>>
    tpu.enqueue_dma source(%dma_start3A_7 : memref<632x128xf32, #tpu.memory_space<hbm>>) target(%dma_start3A_5 : memref<632x128xf32, #tpu.memory_space<vmem_shared>>) target_semaphore(%arg10 : memref<!tpu.dma_semaphore, #tpu.memory_space<semaphore_mem>>)
    tpu.enqueue_dma source(%arg4 : memref<128x128xf32, #tpu.memory_space<hbm>>) target(%arg7 : memref<128x128xf32, #tpu.memory_space<vmem>>) target_semaphore(%arg9 : memref<!tpu.dma_semaphore, #tpu.memory_space<semaphore_mem>>)
    %dma_start3A_8 = arith.constant 0 : i32
    %dma_start3A_9 = arith.constant 0 : i32
    %dma_start3A_10 = tpu.memref_slice %arg2[%add3A, %dma_start3A_8, %dma_start3A_9] : memref<32x80x128xi32, #tpu.memory_space<hbm>> -> memref<1x80x128xi32, #tpu.memory_space<hbm>>
    %dma_start3A_11 = tpu.memref_squeeze %dma_start3A_10 : memref<1x80x128xi32, #tpu.memory_space<hbm>> -> memref<80x128xi32, #tpu.memory_space<hbm>>
    %dma_start3A_12 = arith.constant 0 : i32
    %dma_start3A_13 = arith.constant 0 : i32
    %dma_start3A_14 = tpu.memref_slice %arg2[%add3A, %dma_start3A_12, %dma_start3A_13] : memref<32x80x128xi32, #tpu.memory_space<hbm>> -> memref<1x80x128xi32, #tpu.memory_space<hbm>>
    %dma_start3A_15 = tpu.memref_squeeze %dma_start3A_14 : memref<1x80x128xi32, #tpu.memory_space<hbm>> -> memref<80x128xi32, #tpu.memory_space<hbm>>
    tpu.enqueue_dma source(%dma_start3A_15 : memref<80x128xi32, #tpu.memory_space<hbm>>) target(%arg6 : memref<80x128xi32, #tpu.memory_space<vmem>>) target_semaphore(%arg9 : memref<!tpu.dma_semaphore, #tpu.memory_space<semaphore_mem>>)
    tpu.wait_dma2 semaphore(%arg9 : memref<!tpu.dma_semaphore, #tpu.memory_space<semaphore_mem>>) src(%arg4 : memref<128x128xf32, #tpu.memory_space<hbm>>) dst(%arg7 : memref<128x128xf32, #tpu.memory_space<vmem>>)
    %dma_wait3A = arith.constant 0 : i32
    %dma_wait3A_16 = arith.constant 0 : i32
    %dma_wait3A_17 = tpu.memref_slice %arg2[%add3A, %dma_wait3A, %dma_wait3A_16] : memref<32x80x128xi32, #tpu.memory_space<hbm>> -> memref<1x80x128xi32, #tpu.memory_space<hbm>>
    %dma_wait3A_18 = tpu.memref_squeeze %dma_wait3A_17 : memref<1x80x128xi32, #tpu.memory_space<hbm>> -> memref<80x128xi32, #tpu.memory_space<hbm>>
    %dma_wait3A_19 = arith.constant 0 : i32
    %dma_wait3A_20 = arith.constant 0 : i32
    %dma_wait3A_21 = tpu.memref_slice %arg2[%add3A, %dma_wait3A_19, %dma_wait3A_20] : memref<32x80x128xi32, #tpu.memory_space<hbm>> -> memref<1x80x128xi32, #tpu.memory_space<hbm>>
    %dma_wait3A_22 = tpu.memref_squeeze %dma_wait3A_21 : memref<1x80x128xi32, #tpu.memory_space<hbm>> -> memref<80x128xi32, #tpu.memory_space<hbm>>
    tpu.wait_dma2 semaphore(%arg9 : memref<!tpu.dma_semaphore, #tpu.memory_space<semaphore_mem>>) src(%dma_wait3A_22 : memref<80x128xi32, #tpu.memory_space<hbm>>) dst(%arg6 : memref<80x128xi32, #tpu.memory_space<vmem>>)
    %mul3A_23 = arith.constant 632 : i32
    %mul3A_24 = arith.muli %arg1, %mul3A_23 : i32
    %mul3A_25 = arith.constant 632 : i32
    %mul3A_26 = arith.muli %arg1, %mul3A_25 : i32
    %dma_wait3A_27 = arith.constant 0 : i32
    %dma_wait3A_28 = tpu.memref_slice %arg8[%mul3A_26, %dma_wait3A_27] : memref<10112x128xf32, #tpu.memory_space<vmem_shared>> -> memref<632x128xf32, #tpu.memory_space<vmem_shared>>
    %dma_wait3A_29 = arith.constant 0 : i32
    %dma_wait3A_30 = tpu.memref_slice %arg3[%mul3A_24, %dma_wait3A_29] : memref<10112x128xf32, #tpu.memory_space<hbm>> -> memref<632x128xf32, #tpu.memory_space<hbm>>
    tpu.wait_dma2 semaphore(%arg10 : memref<!tpu.dma_semaphore, #tpu.memory_space<semaphore_mem>>) src(%dma_wait3A_30 : memref<632x128xf32, #tpu.memory_space<hbm>>) dst(%dma_wait3A_28 : memref<632x128xf32, #tpu.memory_space<vmem_shared>>)
    %barrier3A = arith.constant 0 : index
    tpu.barrier barrier_id(%barrier3A)
    %scan3A = arith.constant 0 : i32
    %scan3A_31 = arith.constant 10 : i32
    %scan3A_32 = arith.addi %scan3A, %scan3A_31 : i32
    %scan3A_33 = arith.constant 1 : i32
    scf.for %scan3A_40 = %scan3A to %scan3A_32 step %scan3A_33  : i32 {
      %mul3A_41 = arith.constant 1 : i32
      %mul3A_42 = arith.muli %scan3A_40, %mul3A_41 : i32
      %add3A_43 = arith.constant 0 : i32
      %add3A_44 = arith.addi %add3A_43, %mul3A_42 : i32
      %mul3A_45 = arith.constant 8 : i32
      %mul3A_46 = arith.muli %mul3A_45, %add3A_44 : i32
      %add3A_47 = arith.constant 0 : i32
      %add3A_48 = arith.addi %mul3A_46, %add3A_47 : i32
      %dma_start3A_49 = arith.constant 0 : i32
      %dma_start3A_50 = tpu.memref_slice %arg6[%add3A_48, %dma_start3A_49] : memref<80x128xi32, #tpu.memory_space<vmem>> -> memref<1x128xi32, #tpu.memory_space<vmem>>
      %dma_start3A_51 = tpu.memref_squeeze %dma_start3A_50 : memref<1x128xi32, #tpu.memory_space<vmem>> -> memref<128xi32, #tpu.memory_space<vmem>>
      %dma_start3A_52 = arith.constant 0 : i32
      %dma_start3A_53 = arith.constant 0 : i32
      %dma_start3A_54 = tpu.memref_slice %arg8[%dma_start3A_52, %dma_start3A_53] : memref<10112x128xf32, #tpu.memory_space<vmem_shared>> -> memref<10112x128xf32, #tpu.memory_space<vmem_shared>>
      tpu.enqueue_indirect_dma source(%arg7 : memref<128x128xf32, #tpu.memory_space<vmem>>) target(%dma_start3A_54 : memref<10112x128xf32, #tpu.memory_space<vmem_shared>>) offsets(%dma_start3A_51 : memref<128xi32, #tpu.memory_space<vmem>>) semaphore(%arg9 : memref<!tpu.dma_semaphore, #tpu.memory_space<semaphore_mem>>) {add = true}
      %mul3A_55 = arith.constant 8 : i32
      %mul3A_56 = arith.muli %mul3A_55, %add3A_44 : i32
      %add3A_57 = arith.constant 1 : i32
      %add3A_58 = arith.addi %mul3A_56, %add3A_57 : i32
      %dma_start3A_59 = arith.constant 0 : i32
      %dma_start3A_60 = tpu.memref_slice %arg6[%add3A_58, %dma_start3A_59] : memref<80x128xi32, #tpu.memory_space<vmem>> -> memref<1x128xi32, #tpu.memory_space<vmem>>
      %dma_start3A_61 = tpu.memref_squeeze %dma_start3A_60 : memref<1x128xi32, #tpu.memory_space<vmem>> -> memref<128xi32, #tpu.memory_space<vmem>>
      %dma_start3A_62 = arith.constant 0 : i32
      %dma_start3A_63 = arith.constant 0 : i32
      %dma_start3A_64 = tpu.memref_slice %arg8[%dma_start3A_62, %dma_start3A_63] : memref<10112x128xf32, #tpu.memory_space<vmem_shared>> -> memref<10112x128xf32, #tpu.memory_space<vmem_shared>>
      tpu.enqueue_indirect_dma source(%arg7 : memref<128x128xf32, #tpu.memory_space<vmem>>) target(%dma_start3A_64 : memref<10112x128xf32, #tpu.memory_space<vmem_shared>>) offsets(%dma_start3A_61 : memref<128xi32, #tpu.memory_space<vmem>>) semaphore(%arg9 : memref<!tpu.dma_semaphore, #tpu.memory_space<semaphore_mem>>) {add = true}
      %mul3A_65 = arith.constant 8 : i32
      %mul3A_66 = arith.muli %mul3A_65, %add3A_44 : i32
      %add3A_67 = arith.constant 2 : i32
      %add3A_68 = arith.addi %mul3A_66, %add3A_67 : i32
      %dma_start3A_69 = arith.constant 0 : i32
      %dma_start3A_70 = tpu.memref_slice %arg6[%add3A_68, %dma_start3A_69] : memref<80x128xi32, #tpu.memory_space<vmem>> -> memref<1x128xi32, #tpu.memory_space<vmem>>
      %dma_start3A_71 = tpu.memref_squeeze %dma_start3A_70 : memref<1x128xi32, #tpu.memory_space<vmem>> -> memref<128xi32, #tpu.memory_space<vmem>>
      %dma_start3A_72 = arith.constant 0 : i32
      %dma_start3A_73 = arith.constant 0 : i32
      %dma_start3A_74 = tpu.memref_slice %arg8[%dma_start3A_72, %dma_start3A_73] : memref<10112x128xf32, #tpu.memory_space<vmem_shared>> -> memref<10112x128xf32, #tpu.memory_space<vmem_shared>>
      tpu.enqueue_indirect_dma source(%arg7 : memref<128x128xf32, #tpu.memory_space<vmem>>) target(%dma_start3A_74 : memref<10112x128xf32, #tpu.memory_space<vmem_shared>>) offsets(%dma_start3A_71 : memref<128xi32, #tpu.memory_space<vmem>>) semaphore(%arg9 : memref<!tpu.dma_semaphore, #tpu.memory_space<semaphore_mem>>) {add = true}
      %mul3A_75 = arith.constant 8 : i32
      %mul3A_76 = arith.muli %mul3A_75, %add3A_44 : i32
      %add3A_77 = arith.constant 3 : i32
      %add3A_78 = arith.addi %mul3A_76, %add3A_77 : i32
      %dma_start3A_79 = arith.constant 0 : i32
      %dma_start3A_80 = tpu.memref_slice %arg6[%add3A_78, %dma_start3A_79] : memref<80x128xi32, #tpu.memory_space<vmem>> -> memref<1x128xi32, #tpu.memory_space<vmem>>
      %dma_start3A_81 = tpu.memref_squeeze %dma_start3A_80 : memref<1x128xi32, #tpu.memory_space<vmem>> -> memref<128xi32, #tpu.memory_space<vmem>>
      %dma_start3A_82 = arith.constant 0 : i32
      %dma_start3A_83 = arith.constant 0 : i32
      %dma_start3A_84 = tpu.memref_slice %arg8[%dma_start3A_82, %dma_start3A_83] : memref<10112x128xf32, #tpu.memory_space<vmem_shared>> -> memref<10112x128xf32, #tpu.memory_space<vmem_shared>>
      tpu.enqueue_indirect_dma source(%arg7 : memref<128x128xf32, #tpu.memory_space<vmem>>) target(%dma_start3A_84 : memref<10112x128xf32, #tpu.memory_space<vmem_shared>>) offsets(%dma_start3A_81 : memref<128xi32, #tpu.memory_space<vmem>>) semaphore(%arg9 : memref<!tpu.dma_semaphore, #tpu.memory_space<semaphore_mem>>) {add = true}
      %mul3A_85 = arith.constant 8 : i32
      %mul3A_86 = arith.muli %mul3A_85, %add3A_44 : i32
      %add3A_87 = arith.constant 4 : i32
      %add3A_88 = arith.addi %mul3A_86, %add3A_87 : i32
      %dma_start3A_89 = arith.constant 0 : i32
      %dma_start3A_90 = tpu.memref_slice %arg6[%add3A_88, %dma_start3A_89] : memref<80x128xi32, #tpu.memory_space<vmem>> -> memref<1x128xi32, #tpu.memory_space<vmem>>
      %dma_start3A_91 = tpu.memref_squeeze %dma_start3A_90 : memref<1x128xi32, #tpu.memory_space<vmem>> -> memref<128xi32, #tpu.memory_space<vmem>>
      %dma_start3A_92 = arith.constant 0 : i32
      %dma_start3A_93 = arith.constant 0 : i32
      %dma_start3A_94 = tpu.memref_slice %arg8[%dma_start3A_92, %dma_start3A_93] : memref<10112x128xf32, #tpu.memory_space<vmem_shared>> -> memref<10112x128xf32, #tpu.memory_space<vmem_shared>>
      tpu.enqueue_indirect_dma source(%arg7 : memref<128x128xf32, #tpu.memory_space<vmem>>) target(%dma_start3A_94 : memref<10112x128xf32, #tpu.memory_space<vmem_shared>>) offsets(%dma_start3A_91 : memref<128xi32, #tpu.memory_space<vmem>>) semaphore(%arg9 : memref<!tpu.dma_semaphore, #tpu.memory_space<semaphore_mem>>) {add = true}
      %mul3A_95 = arith.constant 8 : i32
      %mul3A_96 = arith.muli %mul3A_95, %add3A_44 : i32
      %add3A_97 = arith.constant 5 : i32
      %add3A_98 = arith.addi %mul3A_96, %add3A_97 : i32
      %dma_start3A_99 = arith.constant 0 : i32
      %dma_start3A_100 = tpu.memref_slice %arg6[%add3A_98, %dma_start3A_99] : memref<80x128xi32, #tpu.memory_space<vmem>> -> memref<1x128xi32, #tpu.memory_space<vmem>>
      %dma_start3A_101 = tpu.memref_squeeze %dma_start3A_100 : memref<1x128xi32, #tpu.memory_space<vmem>> -> memref<128xi32, #tpu.memory_space<vmem>>
      %dma_start3A_102 = arith.constant 0 : i32
      %dma_start3A_103 = arith.constant 0 : i32
      %dma_start3A_104 = tpu.memref_slice %arg8[%dma_start3A_102, %dma_start3A_103] : memref<10112x128xf32, #tpu.memory_space<vmem_shared>> -> memref<10112x128xf32, #tpu.memory_space<vmem_shared>>
      tpu.enqueue_indirect_dma source(%arg7 : memref<128x128xf32, #tpu.memory_space<vmem>>) target(%dma_start3A_104 : memref<10112x128xf32, #tpu.memory_space<vmem_shared>>) offsets(%dma_start3A_101 : memref<128xi32, #tpu.memory_space<vmem>>) semaphore(%arg9 : memref<!tpu.dma_semaphore, #tpu.memory_space<semaphore_mem>>) {add = true}
      %mul3A_105 = arith.constant 8 : i32
      %mul3A_106 = arith.muli %mul3A_105, %add3A_44 : i32
      %add3A_107 = arith.constant 6 : i32
      %add3A_108 = arith.addi %mul3A_106, %add3A_107 : i32
      %dma_start3A_109 = arith.constant 0 : i32
      %dma_start3A_110 = tpu.memref_slice %arg6[%add3A_108, %dma_start3A_109] : memref<80x128xi32, #tpu.memory_space<vmem>> -> memref<1x128xi32, #tpu.memory_space<vmem>>
      %dma_start3A_111 = tpu.memref_squeeze %dma_start3A_110 : memref<1x128xi32, #tpu.memory_space<vmem>> -> memref<128xi32, #tpu.memory_space<vmem>>
      %dma_start3A_112 = arith.constant 0 : i32
      %dma_start3A_113 = arith.constant 0 : i32
      %dma_start3A_114 = tpu.memref_slice %arg8[%dma_start3A_112, %dma_start3A_113] : memref<10112x128xf32, #tpu.memory_space<vmem_shared>> -> memref<10112x128xf32, #tpu.memory_space<vmem_shared>>
      tpu.enqueue_indirect_dma source(%arg7 : memref<128x128xf32, #tpu.memory_space<vmem>>) target(%dma_start3A_114 : memref<10112x128xf32, #tpu.memory_space<vmem_shared>>) offsets(%dma_start3A_111 : memref<128xi32, #tpu.memory_space<vmem>>) semaphore(%arg9 : memref<!tpu.dma_semaphore, #tpu.memory_space<semaphore_mem>>) {add = true}
      %mul3A_115 = arith.constant 8 : i32
      %mul3A_116 = arith.muli %mul3A_115, %add3A_44 : i32
      %add3A_117 = arith.constant 7 : i32
      %add3A_118 = arith.addi %mul3A_116, %add3A_117 : i32
      %dma_start3A_119 = arith.constant 0 : i32
      %dma_start3A_120 = tpu.memref_slice %arg6[%add3A_118, %dma_start3A_119] : memref<80x128xi32, #tpu.memory_space<vmem>> -> memref<1x128xi32, #tpu.memory_space<vmem>>
      %dma_start3A_121 = tpu.memref_squeeze %dma_start3A_120 : memref<1x128xi32, #tpu.memory_space<vmem>> -> memref<128xi32, #tpu.memory_space<vmem>>
      %dma_start3A_122 = arith.constant 0 : i32
      %dma_start3A_123 = arith.constant 0 : i32
      %dma_start3A_124 = tpu.memref_slice %arg8[%dma_start3A_122, %dma_start3A_123] : memref<10112x128xf32, #tpu.memory_space<vmem_shared>> -> memref<10112x128xf32, #tpu.memory_space<vmem_shared>>
      tpu.enqueue_indirect_dma source(%arg7 : memref<128x128xf32, #tpu.memory_space<vmem>>) target(%dma_start3A_124 : memref<10112x128xf32, #tpu.memory_space<vmem_shared>>) offsets(%dma_start3A_121 : memref<128xi32, #tpu.memory_space<vmem>>) semaphore(%arg9 : memref<!tpu.dma_semaphore, #tpu.memory_space<semaphore_mem>>) {add = true}
      %dma_wait3A_125 = arith.constant 0 : i32
      %dma_wait3A_126 = arith.constant 0 : i32
      %dma_wait3A_127 = tpu.memref_slice %arg6[%dma_wait3A_125, %dma_wait3A_126] : memref<80x128xi32, #tpu.memory_space<vmem>> -> memref<1x128xi32, #tpu.memory_space<vmem>>
      %dma_wait3A_128 = tpu.memref_squeeze %dma_wait3A_127 : memref<1x128xi32, #tpu.memory_space<vmem>> -> memref<128xi32, #tpu.memory_space<vmem>>
      %dma_wait3A_129 = arith.constant 0 : i32
      %dma_wait3A_130 = arith.constant 0 : i32
      %dma_wait3A_131 = tpu.memref_slice %arg8[%dma_wait3A_129, %dma_wait3A_130] : memref<10112x128xf32, #tpu.memory_space<vmem_shared>> -> memref<10112x128xf32, #tpu.memory_space<vmem_shared>>
      tpu.wait_indirect_dma semaphore(%arg9 : memref<!tpu.dma_semaphore, #tpu.memory_space<semaphore_mem>>) src(%arg7 : memref<128x128xf32, #tpu.memory_space<vmem>>) dst(%dma_wait3A_131 : memref<10112x128xf32, #tpu.memory_space<vmem_shared>>)
      %dma_wait3A_132 = arith.constant 0 : i32
      %dma_wait3A_133 = arith.constant 0 : i32
      %dma_wait3A_134 = tpu.memref_slice %arg6[%dma_wait3A_132, %dma_wait3A_133] : memref<80x128xi32, #tpu.memory_space<vmem>> -> memref<1x128xi32, #tpu.memory_space<vmem>>
      %dma_wait3A_135 = tpu.memref_squeeze %dma_wait3A_134 : memref<1x128xi32, #tpu.memory_space<vmem>> -> memref<128xi32, #tpu.memory_space<vmem>>
      %dma_wait3A_136 = arith.constant 0 : i32
      %dma_wait3A_137 = arith.constant 0 : i32
      %dma_wait3A_138 = tpu.memref_slice %arg8[%dma_wait3A_136, %dma_wait3A_137] : memref<10112x128xf32, #tpu.memory_space<vmem_shared>> -> memref<10112x128xf32, #tpu.memory_space<vmem_shared>>
      tpu.wait_indirect_dma semaphore(%arg9 : memref<!tpu.dma_semaphore, #tpu.memory_space<semaphore_mem>>) src(%arg7 : memref<128x128xf32, #tpu.memory_space<vmem>>) dst(%dma_wait3A_138 : memref<10112x128xf32, #tpu.memory_space<vmem_shared>>)
      %dma_wait3A_139 = arith.constant 0 : i32
      %dma_wait3A_140 = arith.constant 0 : i32
      %dma_wait3A_141 = tpu.memref_slice %arg6[%dma_wait3A_139, %dma_wait3A_140] : memref<80x128xi32, #tpu.memory_space<vmem>> -> memref<1x128xi32, #tpu.memory_space<vmem>>
      %dma_wait3A_142 = tpu.memref_squeeze %dma_wait3A_141 : memref<1x128xi32, #tpu.memory_space<vmem>> -> memref<128xi32, #tpu.memory_space<vmem>>
      %dma_wait3A_143 = arith.constant 0 : i32
      %dma_wait3A_144 = arith.constant 0 : i32
      %dma_wait3A_145 = tpu.memref_slice %arg8[%dma_wait3A_143, %dma_wait3A_144] : memref<10112x128xf32, #tpu.memory_space<vmem_shared>> -> memref<10112x128xf32, #tpu.memory_space<vmem_shared>>
      tpu.wait_indirect_dma semaphore(%arg9 : memref<!tpu.dma_semaphore, #tpu.memory_space<semaphore_mem>>) src(%arg7 : memref<128x128xf32, #tpu.memory_space<vmem>>) dst(%dma_wait3A_145 : memref<10112x128xf32, #tpu.memory_space<vmem_shared>>)
      %dma_wait3A_146 = arith.constant 0 : i32
      %dma_wait3A_147 = arith.constant 0 : i32
      %dma_wait3A_148 = tpu.memref_slice %arg6[%dma_wait3A_146, %dma_wait3A_147] : memref<80x128xi32, #tpu.memory_space<vmem>> -> memref<1x128xi32, #tpu.memory_space<vmem>>
      %dma_wait3A_149 = tpu.memref_squeeze %dma_wait3A_148 : memref<1x128xi32, #tpu.memory_space<vmem>> -> memref<128xi32, #tpu.memory_space<vmem>>
      %dma_wait3A_150 = arith.constant 0 : i32
      %dma_wait3A_151 = arith.constant 0 : i32
      %dma_wait3A_152 = tpu.memref_slice %arg8[%dma_wait3A_150, %dma_wait3A_151] : memref<10112x128xf32, #tpu.memory_space<vmem_shared>> -> memref<10112x128xf32, #tpu.memory_space<vmem_shared>>
      tpu.wait_indirect_dma semaphore(%arg9 : memref<!tpu.dma_semaphore, #tpu.memory_space<semaphore_mem>>) src(%arg7 : memref<128x128xf32, #tpu.memory_space<vmem>>) dst(%dma_wait3A_152 : memref<10112x128xf32, #tpu.memory_space<vmem_shared>>)
      %dma_wait3A_153 = arith.constant 0 : i32
      %dma_wait3A_154 = arith.constant 0 : i32
      %dma_wait3A_155 = tpu.memref_slice %arg6[%dma_wait3A_153, %dma_wait3A_154] : memref<80x128xi32, #tpu.memory_space<vmem>> -> memref<1x128xi32, #tpu.memory_space<vmem>>
      %dma_wait3A_156 = tpu.memref_squeeze %dma_wait3A_155 : memref<1x128xi32, #tpu.memory_space<vmem>> -> memref<128xi32, #tpu.memory_space<vmem>>
      %dma_wait3A_157 = arith.constant 0 : i32
      %dma_wait3A_158 = arith.constant 0 : i32
      %dma_wait3A_159 = tpu.memref_slice %arg8[%dma_wait3A_157, %dma_wait3A_158] : memref<10112x128xf32, #tpu.memory_space<vmem_shared>> -> memref<10112x128xf32, #tpu.memory_space<vmem_shared>>
      tpu.wait_indirect_dma semaphore(%arg9 : memref<!tpu.dma_semaphore, #tpu.memory_space<semaphore_mem>>) src(%arg7 : memref<128x128xf32, #tpu.memory_space<vmem>>) dst(%dma_wait3A_159 : memref<10112x128xf32, #tpu.memory_space<vmem_shared>>)
      %dma_wait3A_160 = arith.constant 0 : i32
      %dma_wait3A_161 = arith.constant 0 : i32
      %dma_wait3A_162 = tpu.memref_slice %arg6[%dma_wait3A_160, %dma_wait3A_161] : memref<80x128xi32, #tpu.memory_space<vmem>> -> memref<1x128xi32, #tpu.memory_space<vmem>>
      %dma_wait3A_163 = tpu.memref_squeeze %dma_wait3A_162 : memref<1x128xi32, #tpu.memory_space<vmem>> -> memref<128xi32, #tpu.memory_space<vmem>>
      %dma_wait3A_164 = arith.constant 0 : i32
      %dma_wait3A_165 = arith.constant 0 : i32
      %dma_wait3A_166 = tpu.memref_slice %arg8[%dma_wait3A_164, %dma_wait3A_165] : memref<10112x128xf32, #tpu.memory_space<vmem_shared>> -> memref<10112x128xf32, #tpu.memory_space<vmem_shared>>
      tpu.wait_indirect_dma semaphore(%arg9 : memref<!tpu.dma_semaphore, #tpu.memory_space<semaphore_mem>>) src(%arg7 : memref<128x128xf32, #tpu.memory_space<vmem>>) dst(%dma_wait3A_166 : memref<10112x128xf32, #tpu.memory_space<vmem_shared>>)
      %dma_wait3A_167 = arith.constant 0 : i32
      %dma_wait3A_168 = arith.constant 0 : i32
      %dma_wait3A_169 = tpu.memref_slice %arg6[%dma_wait3A_167, %dma_wait3A_168] : memref<80x128xi32, #tpu.memory_space<vmem>> -> memref<1x128xi32, #tpu.memory_space<vmem>>
      %dma_wait3A_170 = tpu.memref_squeeze %dma_wait3A_169 : memref<1x128xi32, #tpu.memory_space<vmem>> -> memref<128xi32, #tpu.memory_space<vmem>>
      %dma_wait3A_171 = arith.constant 0 : i32
      %dma_wait3A_172 = arith.constant 0 : i32
      %dma_wait3A_173 = tpu.memref_slice %arg8[%dma_wait3A_171, %dma_wait3A_172] : memref<10112x128xf32, #tpu.memory_space<vmem_shared>> -> memref<10112x128xf32, #tpu.memory_space<vmem_shared>>
      tpu.wait_indirect_dma semaphore(%arg9 : memref<!tpu.dma_semaphore, #tpu.memory_space<semaphore_mem>>) src(%arg7 : memref<128x128xf32, #tpu.memory_space<vmem>>) dst(%dma_wait3A_173 : memref<10112x128xf32, #tpu.memory_space<vmem_shared>>)
      %dma_wait3A_174 = arith.constant 0 : i32
      %dma_wait3A_175 = arith.constant 0 : i32
      %dma_wait3A_176 = tpu.memref_slice %arg6[%dma_wait3A_174, %dma_wait3A_175] : memref<80x128xi32, #tpu.memory_space<vmem>> -> memref<1x128xi32, #tpu.memory_space<vmem>>
      %dma_wait3A_177 = tpu.memref_squeeze %dma_wait3A_176 : memref<1x128xi32, #tpu.memory_space<vmem>> -> memref<128xi32, #tpu.memory_space<vmem>>
      %dma_wait3A_178 = arith.constant 0 : i32
      %dma_wait3A_179 = arith.constant 0 : i32
      %dma_wait3A_180 = tpu.memref_slice %arg8[%dma_wait3A_178, %dma_wait3A_179] : memref<10112x128xf32, #tpu.memory_space<vmem_shared>> -> memref<10112x128xf32, #tpu.memory_space<vmem_shared>>
      tpu.wait_indirect_dma semaphore(%arg9 : memref<!tpu.dma_semaphore, #tpu.memory_space<semaphore_mem>>) src(%arg7 : memref<128x128xf32, #tpu.memory_space<vmem>>) dst(%dma_wait3A_180 : memref<10112x128xf32, #tpu.memory_space<vmem_shared>>)
    }
    %scan3A_34 = arith.constant 10 : i32
    %barrier3A_35 = arith.constant 0 : index
    tpu.barrier barrier_id(%barrier3A_35)
    %mul3A_36 = arith.constant 632 : i32
    %mul3A_37 = arith.muli %arg1, %mul3A_36 : i32
    %mul3A_38 = arith.constant 632 : i32
    %mul3A_39 = arith.muli %arg1, %mul3A_38 : i32
    "tpu.region"() ({
      %run_scoped3A = tpu.sem_alloc : memref<!tpu.dma_semaphore, #tpu.memory_space<semaphore_mem>>
      %dma_start3A_40 = arith.constant 0 : i32
      %dma_start3A_41 = tpu.memref_slice %arg5[%arg0, %mul3A_39, %dma_start3A_40] : memref<2x10112x128xf32, #tpu.memory_space<hbm>> -> memref<1x632x128xf32, #tpu.memory_space<hbm>>
      %dma_start3A_42 = tpu.memref_squeeze %dma_start3A_41 : memref<1x632x128xf32, #tpu.memory_space<hbm>> -> memref<632x128xf32, #tpu.memory_space<hbm>>
      %dma_start3A_43 = arith.constant 0 : i32
      %dma_start3A_44 = tpu.memref_slice %arg8[%mul3A_37, %dma_start3A_43] : memref<10112x128xf32, #tpu.memory_space<vmem_shared>> -> memref<632x128xf32, #tpu.memory_space<vmem_shared>>
      tpu.enqueue_dma source(%dma_start3A_44 : memref<632x128xf32, #tpu.memory_space<vmem_shared>>) target(%dma_start3A_42 : memref<632x128xf32, #tpu.memory_space<hbm>>) target_semaphore(%run_scoped3A : memref<!tpu.dma_semaphore, #tpu.memory_space<semaphore_mem>>)
      %dma_wait3A_45 = arith.constant 0 : i32
      %dma_wait3A_46 = tpu.memref_slice %arg5[%arg0, %mul3A_39, %dma_wait3A_45] : memref<2x10112x128xf32, #tpu.memory_space<hbm>> -> memref<1x632x128xf32, #tpu.memory_space<hbm>>
      %dma_wait3A_47 = tpu.memref_squeeze %dma_wait3A_46 : memref<1x632x128xf32, #tpu.memory_space<hbm>> -> memref<632x128xf32, #tpu.memory_space<hbm>>
      %dma_wait3A_48 = arith.constant 0 : i32
      %dma_wait3A_49 = tpu.memref_slice %arg8[%mul3A_37, %dma_wait3A_48] : memref<10112x128xf32, #tpu.memory_space<vmem_shared>> -> memref<632x128xf32, #tpu.memory_space<vmem_shared>>
      tpu.wait_dma2 semaphore(%run_scoped3A : memref<!tpu.dma_semaphore, #tpu.memory_space<semaphore_mem>>) src(%dma_wait3A_49 : memref<632x128xf32, #tpu.memory_space<vmem_shared>>) dst(%dma_wait3A_47 : memref<632x128xf32, #tpu.memory_space<hbm>>)
      tpu.yield
    }) : () -> ()
    return
  }
}

#map = affine_map<(d0, d1) -> (0, 0)>
#map1 = affine_map<(d0, d1) -> (0, 0, 0)>
module attributes {stable_mosaic.version = 14 : i64} {
  func.func @_sc_msg(%arg0: i32, %arg1: i32, %arg2: memref<10000x128xf32, #tpu.memory_space<hbm>>, %arg3: memref<32x80x128xi32, #tpu.memory_space<hbm>>, %arg4: memref<32x80x128xi32, #tpu.memory_space<hbm>>, %arg5: memref<10112x128xf32, #tpu.memory_space<hbm>>, %arg6: memref<2x10112x128xf32, #tpu.memory_space<hbm>>, %arg7: memref<80x128xi32, #tpu.memory_space<vmem>>, %arg8: memref<40x128xi32, #tpu.memory_space<vmem>>, %arg9: memref<128x128xf32, #tpu.memory_space<vmem>>, %arg10: memref<128x128xf32, #tpu.memory_space<vmem>>, %arg11: memref<10112x128xf32, #tpu.memory_space<vmem_shared>>, %arg12: memref<!tpu.dma_semaphore, #tpu.memory_space<semaphore_mem>>, %arg13: memref<!tpu.dma_semaphore, #tpu.memory_space<semaphore_mem>>, %arg14: memref<!tpu.dma_semaphore, #tpu.memory_space<semaphore_mem>>) attributes {dimension_semantics = [#tpu.dimension_semantics<core_parallel>, #tpu.dimension_semantics<subcore_parallel>], iteration_bounds = array<i64: 2, 16>, scalar_prefetch = 0 : i64, scratch_operands = 8 : i64, tpu.core_type = #tpu.core_type<sc_vector_subcore>, window_params = [{transform_indices = #map}, {transform_indices = #map1}, {transform_indices = #map1}, {transform_indices = #map}, {transform_indices = #map1}]} {
    %mul3A = arith.constant 2 : i32
    %mul3A_0 = arith.muli %arg1, %mul3A : i32
    %add3A = arith.addi %mul3A_0, %arg0 : i32
    %mul3A_1 = arith.constant 632 : i32
    %mul3A_2 = arith.muli %arg1, %mul3A_1 : i32
    %mul3A_3 = arith.constant 632 : i32
    %mul3A_4 = arith.muli %arg1, %mul3A_3 : i32
    %dma_start3A = arith.constant 0 : i32
    %dma_start3A_5 = tpu.memref_slice %arg11[%mul3A_4, %dma_start3A] : memref<10112x128xf32, #tpu.memory_space<vmem_shared>> -> memref<632x128xf32, #tpu.memory_space<vmem_shared>>
    %dma_start3A_6 = arith.constant 0 : i32
    %dma_start3A_7 = tpu.memref_slice %arg5[%mul3A_2, %dma_start3A_6] : memref<10112x128xf32, #tpu.memory_space<hbm>> -> memref<632x128xf32, #tpu.memory_space<hbm>>
    tpu.enqueue_dma source(%dma_start3A_7 : memref<632x128xf32, #tpu.memory_space<hbm>>) target(%dma_start3A_5 : memref<632x128xf32, #tpu.memory_space<vmem_shared>>) target_semaphore(%arg14 : memref<!tpu.dma_semaphore, #tpu.memory_space<semaphore_mem>>)
    %dma_start3A_8 = arith.constant 0 : i32
    %dma_start3A_9 = arith.constant 0 : i32
    %dma_start3A_10 = tpu.memref_slice %arg3[%add3A, %dma_start3A_8, %dma_start3A_9] : memref<32x80x128xi32, #tpu.memory_space<hbm>> -> memref<1x80x128xi32, #tpu.memory_space<hbm>>
    %dma_start3A_11 = tpu.memref_squeeze %dma_start3A_10 : memref<1x80x128xi32, #tpu.memory_space<hbm>> -> memref<80x128xi32, #tpu.memory_space<hbm>>
    %dma_start3A_12 = arith.constant 0 : i32
    %dma_start3A_13 = arith.constant 0 : i32
    %dma_start3A_14 = tpu.memref_slice %arg3[%add3A, %dma_start3A_12, %dma_start3A_13] : memref<32x80x128xi32, #tpu.memory_space<hbm>> -> memref<1x80x128xi32, #tpu.memory_space<hbm>>
    %dma_start3A_15 = tpu.memref_squeeze %dma_start3A_14 : memref<1x80x128xi32, #tpu.memory_space<hbm>> -> memref<80x128xi32, #tpu.memory_space<hbm>>
    tpu.enqueue_dma source(%dma_start3A_15 : memref<80x128xi32, #tpu.memory_space<hbm>>) target(%arg7 : memref<80x128xi32, #tpu.memory_space<vmem>>) target_semaphore(%arg12 : memref<!tpu.dma_semaphore, #tpu.memory_space<semaphore_mem>>)
    %dma_start3A_16 = arith.constant 0 : i32
    %dma_start3A_17 = arith.constant 0 : i32
    %dma_start3A_18 = tpu.memref_slice %arg4[%add3A, %dma_start3A_16, %dma_start3A_17] : memref<32x80x128xi32, #tpu.memory_space<hbm>> -> memref<1x40x128xi32, #tpu.memory_space<hbm>>
    %dma_start3A_19 = tpu.memref_squeeze %dma_start3A_18 : memref<1x40x128xi32, #tpu.memory_space<hbm>> -> memref<40x128xi32, #tpu.memory_space<hbm>>
    %dma_start3A_20 = arith.constant 0 : i32
    %dma_start3A_21 = arith.constant 0 : i32
    %dma_start3A_22 = tpu.memref_slice %arg4[%add3A, %dma_start3A_20, %dma_start3A_21] : memref<32x80x128xi32, #tpu.memory_space<hbm>> -> memref<1x40x128xi32, #tpu.memory_space<hbm>>
    %dma_start3A_23 = tpu.memref_squeeze %dma_start3A_22 : memref<1x40x128xi32, #tpu.memory_space<hbm>> -> memref<40x128xi32, #tpu.memory_space<hbm>>
    tpu.enqueue_dma source(%dma_start3A_23 : memref<40x128xi32, #tpu.memory_space<hbm>>) target(%arg8 : memref<40x128xi32, #tpu.memory_space<vmem>>) target_semaphore(%arg13 : memref<!tpu.dma_semaphore, #tpu.memory_space<semaphore_mem>>)
    %dma_wait3A = arith.constant 0 : i32
    %dma_wait3A_24 = arith.constant 0 : i32
    %dma_wait3A_25 = tpu.memref_slice %arg3[%add3A, %dma_wait3A, %dma_wait3A_24] : memref<32x80x128xi32, #tpu.memory_space<hbm>> -> memref<1x80x128xi32, #tpu.memory_space<hbm>>
    %dma_wait3A_26 = tpu.memref_squeeze %dma_wait3A_25 : memref<1x80x128xi32, #tpu.memory_space<hbm>> -> memref<80x128xi32, #tpu.memory_space<hbm>>
    %dma_wait3A_27 = arith.constant 0 : i32
    %dma_wait3A_28 = arith.constant 0 : i32
    %dma_wait3A_29 = tpu.memref_slice %arg3[%add3A, %dma_wait3A_27, %dma_wait3A_28] : memref<32x80x128xi32, #tpu.memory_space<hbm>> -> memref<1x80x128xi32, #tpu.memory_space<hbm>>
    %dma_wait3A_30 = tpu.memref_squeeze %dma_wait3A_29 : memref<1x80x128xi32, #tpu.memory_space<hbm>> -> memref<80x128xi32, #tpu.memory_space<hbm>>
    tpu.wait_dma2 semaphore(%arg12 : memref<!tpu.dma_semaphore, #tpu.memory_space<semaphore_mem>>) src(%dma_wait3A_30 : memref<80x128xi32, #tpu.memory_space<hbm>>) dst(%arg7 : memref<80x128xi32, #tpu.memory_space<vmem>>)
    %dma_wait3A_31 = arith.constant 0 : i32
    %dma_wait3A_32 = arith.constant 0 : i32
    %dma_wait3A_33 = tpu.memref_slice %arg4[%add3A, %dma_wait3A_31, %dma_wait3A_32] : memref<32x80x128xi32, #tpu.memory_space<hbm>> -> memref<1x40x128xi32, #tpu.memory_space<hbm>>
    %dma_wait3A_34 = tpu.memref_squeeze %dma_wait3A_33 : memref<1x40x128xi32, #tpu.memory_space<hbm>> -> memref<40x128xi32, #tpu.memory_space<hbm>>
    %dma_wait3A_35 = arith.constant 0 : i32
    %dma_wait3A_36 = arith.constant 0 : i32
    %dma_wait3A_37 = tpu.memref_slice %arg4[%add3A, %dma_wait3A_35, %dma_wait3A_36] : memref<32x80x128xi32, #tpu.memory_space<hbm>> -> memref<1x40x128xi32, #tpu.memory_space<hbm>>
    %dma_wait3A_38 = tpu.memref_squeeze %dma_wait3A_37 : memref<1x40x128xi32, #tpu.memory_space<hbm>> -> memref<40x128xi32, #tpu.memory_space<hbm>>
    tpu.wait_dma2 semaphore(%arg13 : memref<!tpu.dma_semaphore, #tpu.memory_space<semaphore_mem>>) src(%dma_wait3A_38 : memref<40x128xi32, #tpu.memory_space<hbm>>) dst(%arg8 : memref<40x128xi32, #tpu.memory_space<vmem>>)
    %dma_start3A_39 = arith.constant 0 : i32
    %dma_start3A_40 = arith.constant 0 : i32
    %dma_start3A_41 = tpu.memref_slice %arg7[%dma_start3A_39, %dma_start3A_40] : memref<80x128xi32, #tpu.memory_space<vmem>> -> memref<1x128xi32, #tpu.memory_space<vmem>>
    %dma_start3A_42 = tpu.memref_squeeze %dma_start3A_41 : memref<1x128xi32, #tpu.memory_space<vmem>> -> memref<128xi32, #tpu.memory_space<vmem>>
    %dma_start3A_43 = arith.constant 0 : i32
    %dma_start3A_44 = arith.constant 0 : i32
    %dma_start3A_45 = tpu.memref_slice %arg2[%dma_start3A_43, %dma_start3A_44] : memref<10000x128xf32, #tpu.memory_space<hbm>> -> memref<10000x128xf32, #tpu.memory_space<hbm>>
    tpu.enqueue_indirect_dma source(%dma_start3A_45 : memref<10000x128xf32, #tpu.memory_space<hbm>>) target(%arg9 : memref<128x128xf32, #tpu.memory_space<vmem>>) offsets(%dma_start3A_42 : memref<128xi32, #tpu.memory_space<vmem>>) semaphore(%arg12 : memref<!tpu.dma_semaphore, #tpu.memory_space<semaphore_mem>>)
    %dma_start3A_46 = arith.constant 1 : i32
    %dma_start3A_47 = arith.constant 0 : i32
    %dma_start3A_48 = tpu.memref_slice %arg7[%dma_start3A_46, %dma_start3A_47] : memref<80x128xi32, #tpu.memory_space<vmem>> -> memref<1x128xi32, #tpu.memory_space<vmem>>
    %dma_start3A_49 = tpu.memref_squeeze %dma_start3A_48 : memref<1x128xi32, #tpu.memory_space<vmem>> -> memref<128xi32, #tpu.memory_space<vmem>>
    %dma_start3A_50 = arith.constant 0 : i32
    %dma_start3A_51 = arith.constant 0 : i32
    %dma_start3A_52 = tpu.memref_slice %arg2[%dma_start3A_50, %dma_start3A_51] : memref<10000x128xf32, #tpu.memory_space<hbm>> -> memref<10000x128xf32, #tpu.memory_space<hbm>>
    tpu.enqueue_indirect_dma source(%dma_start3A_52 : memref<10000x128xf32, #tpu.memory_space<hbm>>) target(%arg10 : memref<128x128xf32, #tpu.memory_space<vmem>>) offsets(%dma_start3A_49 : memref<128xi32, #tpu.memory_space<vmem>>) semaphore(%arg13 : memref<!tpu.dma_semaphore, #tpu.memory_space<semaphore_mem>>)
    %mul3A_53 = arith.constant 632 : i32
    %mul3A_54 = arith.muli %arg1, %mul3A_53 : i32
    %mul3A_55 = arith.constant 632 : i32
    %mul3A_56 = arith.muli %arg1, %mul3A_55 : i32
    %dma_wait3A_57 = arith.constant 0 : i32
    %dma_wait3A_58 = tpu.memref_slice %arg11[%mul3A_56, %dma_wait3A_57] : memref<10112x128xf32, #tpu.memory_space<vmem_shared>> -> memref<632x128xf32, #tpu.memory_space<vmem_shared>>
    %dma_wait3A_59 = arith.constant 0 : i32
    %dma_wait3A_60 = tpu.memref_slice %arg5[%mul3A_54, %dma_wait3A_59] : memref<10112x128xf32, #tpu.memory_space<hbm>> -> memref<632x128xf32, #tpu.memory_space<hbm>>
    tpu.wait_dma2 semaphore(%arg14 : memref<!tpu.dma_semaphore, #tpu.memory_space<semaphore_mem>>) src(%dma_wait3A_60 : memref<632x128xf32, #tpu.memory_space<hbm>>) dst(%dma_wait3A_58 : memref<632x128xf32, #tpu.memory_space<vmem_shared>>)
    %barrier3A = arith.constant 0 : index
    tpu.barrier barrier_id(%barrier3A)
    %scan3A = arith.constant 0 : i32
    %scan3A_61 = arith.constant 20 : i32
    %scan3A_62 = arith.addi %scan3A, %scan3A_61 : i32
    %scan3A_63 = arith.constant 1 : i32
    scf.for %scan3A_75 = %scan3A to %scan3A_62 step %scan3A_63  : i32 {
      %mul3A_76 = arith.constant 1 : i32
      %mul3A_77 = arith.muli %scan3A_75, %mul3A_76 : i32
      %add3A_78 = arith.constant 0 : i32
      %add3A_79 = arith.addi %add3A_78, %mul3A_77 : i32
      %mul3A_80 = arith.constant 2 : i32
      %mul3A_81 = arith.muli %mul3A_80, %add3A_79 : i32
      %add3A_82 = arith.constant 0 : i32
      %add3A_83 = arith.addi %add3A_82, %mul3A_81 : i32
      %mul3A_84 = arith.constant 2 : i32
      %mul3A_85 = arith.muli %mul3A_84, %add3A_79 : i32
      %dma_wait3A_86 = arith.constant 0 : i32
      %dma_wait3A_87 = arith.constant 0 : i32
      %dma_wait3A_88 = tpu.memref_slice %arg2[%dma_wait3A_86, %dma_wait3A_87] : memref<10000x128xf32, #tpu.memory_space<hbm>> -> memref<128x128xf32, #tpu.memory_space<hbm>>
      %dma_wait3A_89 = arith.constant 0 : i32
      %dma_wait3A_90 = arith.constant 0 : i32
      %dma_wait3A_91 = tpu.memref_slice %arg2[%dma_wait3A_89, %dma_wait3A_90] : memref<10000x128xf32, #tpu.memory_space<hbm>> -> memref<128x128xf32, #tpu.memory_space<hbm>>
      tpu.wait_dma2 semaphore(%arg12 : memref<!tpu.dma_semaphore, #tpu.memory_space<semaphore_mem>>) src(%dma_wait3A_91 : memref<128x128xf32, #tpu.memory_space<hbm>>) dst(%arg9 : memref<128x128xf32, #tpu.memory_space<vmem>>)
      "tpu.region"() ({
        %run_scoped3A = tpu.sem_alloc : memref<!tpu.dma_semaphore, #tpu.memory_space<semaphore_mem>>
        %dma_start3A_111 = arith.constant 0 : i32
        %dma_start3A_112 = tpu.memref_slice %arg8[%mul3A_85, %dma_start3A_111] : memref<40x128xi32, #tpu.memory_space<vmem>> -> memref<1x128xi32, #tpu.memory_space<vmem>>
        %dma_start3A_113 = tpu.memref_squeeze %dma_start3A_112 : memref<1x128xi32, #tpu.memory_space<vmem>> -> memref<128xi32, #tpu.memory_space<vmem>>
        %dma_start3A_114 = arith.constant 0 : i32
        %dma_start3A_115 = arith.constant 0 : i32
        %dma_start3A_116 = tpu.memref_slice %arg11[%dma_start3A_114, %dma_start3A_115] : memref<10112x128xf32, #tpu.memory_space<vmem_shared>> -> memref<10112x128xf32, #tpu.memory_space<vmem_shared>>
        tpu.enqueue_indirect_dma source(%arg9 : memref<128x128xf32, #tpu.memory_space<vmem>>) target(%dma_start3A_116 : memref<10112x128xf32, #tpu.memory_space<vmem_shared>>) offsets(%dma_start3A_113 : memref<128xi32, #tpu.memory_space<vmem>>) semaphore(%run_scoped3A : memref<!tpu.dma_semaphore, #tpu.memory_space<semaphore_mem>>) {add = true}
        %dma_wait3A_117 = arith.constant 0 : i32
        %dma_wait3A_118 = tpu.memref_slice %arg8[%mul3A_85, %dma_wait3A_117] : memref<40x128xi32, #tpu.memory_space<vmem>> -> memref<1x128xi32, #tpu.memory_space<vmem>>
        %dma_wait3A_119 = tpu.memref_squeeze %dma_wait3A_118 : memref<1x128xi32, #tpu.memory_space<vmem>> -> memref<128xi32, #tpu.memory_space<vmem>>
        %dma_wait3A_120 = arith.constant 0 : i32
        %dma_wait3A_121 = arith.constant 0 : i32
        %dma_wait3A_122 = tpu.memref_slice %arg11[%dma_wait3A_120, %dma_wait3A_121] : memref<10112x128xf32, #tpu.memory_space<vmem_shared>> -> memref<10112x128xf32, #tpu.memory_space<vmem_shared>>
        tpu.wait_indirect_dma semaphore(%run_scoped3A : memref<!tpu.dma_semaphore, #tpu.memory_space<semaphore_mem>>) src(%arg9 : memref<128x128xf32, #tpu.memory_space<vmem>>) dst(%dma_wait3A_122 : memref<10112x128xf32, #tpu.memory_space<vmem_shared>>)
        tpu.yield
      }) : () -> ()
      %add3A_92 = arith.constant 2 : i32
      %add3A_93 = arith.addi %add3A_83, %add3A_92 : i32
      %lt3A = arith.constant 80 : i32
      %lt3A_94 = arith.cmpi slt, %add3A_93, %lt3A : i32
      %convert_element_type3A = arith.extui %lt3A_94 : i1 to i32
      %cond3A = arith.constant 0 : i32
      %cond3A_95 = arith.cmpi ne, %convert_element_type3A, %cond3A : i32
      scf.if %cond3A_95 {
        %add3A_111 = arith.constant 2 : i32
        %add3A_112 = arith.addi %add3A_83, %add3A_111 : i32
        %dma_start3A_113 = arith.constant 0 : i32
        %dma_start3A_114 = tpu.memref_slice %arg7[%add3A_112, %dma_start3A_113] : memref<80x128xi32, #tpu.memory_space<vmem>> -> memref<1x128xi32, #tpu.memory_space<vmem>>
        %dma_start3A_115 = tpu.memref_squeeze %dma_start3A_114 : memref<1x128xi32, #tpu.memory_space<vmem>> -> memref<128xi32, #tpu.memory_space<vmem>>
        %dma_start3A_116 = arith.constant 0 : i32
        %dma_start3A_117 = arith.constant 0 : i32
        %dma_start3A_118 = tpu.memref_slice %arg2[%dma_start3A_116, %dma_start3A_117] : memref<10000x128xf32, #tpu.memory_space<hbm>> -> memref<10000x128xf32, #tpu.memory_space<hbm>>
        tpu.enqueue_indirect_dma source(%dma_start3A_118 : memref<10000x128xf32, #tpu.memory_space<hbm>>) target(%arg9 : memref<128x128xf32, #tpu.memory_space<vmem>>) offsets(%dma_start3A_115 : memref<128xi32, #tpu.memory_space<vmem>>) semaphore(%arg12 : memref<!tpu.dma_semaphore, #tpu.memory_space<semaphore_mem>>)
      } else {
      }
      %dma_wait3A_96 = arith.constant 0 : i32
      %dma_wait3A_97 = arith.constant 0 : i32
      %dma_wait3A_98 = tpu.memref_slice %arg2[%dma_wait3A_96, %dma_wait3A_97] : memref<10000x128xf32, #tpu.memory_space<hbm>> -> memref<128x128xf32, #tpu.memory_space<hbm>>
      %dma_wait3A_99 = arith.constant 0 : i32
      %dma_wait3A_100 = arith.constant 0 : i32
      %dma_wait3A_101 = tpu.memref_slice %arg2[%dma_wait3A_99, %dma_wait3A_100] : memref<10000x128xf32, #tpu.memory_space<hbm>> -> memref<128x128xf32, #tpu.memory_space<hbm>>
      tpu.wait_dma2 semaphore(%arg13 : memref<!tpu.dma_semaphore, #tpu.memory_space<semaphore_mem>>) src(%dma_wait3A_101 : memref<128x128xf32, #tpu.memory_space<hbm>>) dst(%arg10 : memref<128x128xf32, #tpu.memory_space<vmem>>)
      %add3A_102 = arith.constant 1 : i32
      %add3A_103 = arith.addi %mul3A_85, %add3A_102 : i32
      "tpu.region"() ({
        %run_scoped3A = tpu.sem_alloc : memref<!tpu.dma_semaphore, #tpu.memory_space<semaphore_mem>>
        %dma_start3A_111 = arith.constant 0 : i32
        %dma_start3A_112 = tpu.memref_slice %arg8[%add3A_103, %dma_start3A_111] : memref<40x128xi32, #tpu.memory_space<vmem>> -> memref<1x128xi32, #tpu.memory_space<vmem>>
        %dma_start3A_113 = tpu.memref_squeeze %dma_start3A_112 : memref<1x128xi32, #tpu.memory_space<vmem>> -> memref<128xi32, #tpu.memory_space<vmem>>
        %dma_start3A_114 = arith.constant 0 : i32
        %dma_start3A_115 = arith.constant 0 : i32
        %dma_start3A_116 = tpu.memref_slice %arg11[%dma_start3A_114, %dma_start3A_115] : memref<10112x128xf32, #tpu.memory_space<vmem_shared>> -> memref<10112x128xf32, #tpu.memory_space<vmem_shared>>
        tpu.enqueue_indirect_dma source(%arg10 : memref<128x128xf32, #tpu.memory_space<vmem>>) target(%dma_start3A_116 : memref<10112x128xf32, #tpu.memory_space<vmem_shared>>) offsets(%dma_start3A_113 : memref<128xi32, #tpu.memory_space<vmem>>) semaphore(%run_scoped3A : memref<!tpu.dma_semaphore, #tpu.memory_space<semaphore_mem>>) {add = true}
        %dma_wait3A_117 = arith.constant 0 : i32
        %dma_wait3A_118 = tpu.memref_slice %arg8[%add3A_103, %dma_wait3A_117] : memref<40x128xi32, #tpu.memory_space<vmem>> -> memref<1x128xi32, #tpu.memory_space<vmem>>
        %dma_wait3A_119 = tpu.memref_squeeze %dma_wait3A_118 : memref<1x128xi32, #tpu.memory_space<vmem>> -> memref<128xi32, #tpu.memory_space<vmem>>
        %dma_wait3A_120 = arith.constant 0 : i32
        %dma_wait3A_121 = arith.constant 0 : i32
        %dma_wait3A_122 = tpu.memref_slice %arg11[%dma_wait3A_120, %dma_wait3A_121] : memref<10112x128xf32, #tpu.memory_space<vmem_shared>> -> memref<10112x128xf32, #tpu.memory_space<vmem_shared>>
        tpu.wait_indirect_dma semaphore(%run_scoped3A : memref<!tpu.dma_semaphore, #tpu.memory_space<semaphore_mem>>) src(%arg10 : memref<128x128xf32, #tpu.memory_space<vmem>>) dst(%dma_wait3A_122 : memref<10112x128xf32, #tpu.memory_space<vmem_shared>>)
        tpu.yield
      }) : () -> ()
      %add3A_104 = arith.constant 3 : i32
      %add3A_105 = arith.addi %add3A_83, %add3A_104 : i32
      %lt3A_106 = arith.constant 80 : i32
      %lt3A_107 = arith.cmpi slt, %add3A_105, %lt3A_106 : i32
      %convert_element_type3A_108 = arith.extui %lt3A_107 : i1 to i32
      %cond3A_109 = arith.constant 0 : i32
      %cond3A_110 = arith.cmpi ne, %convert_element_type3A_108, %cond3A_109 : i32
      scf.if %cond3A_110 {
        %add3A_111 = arith.constant 3 : i32
        %add3A_112 = arith.addi %add3A_83, %add3A_111 : i32
        %dma_start3A_113 = arith.constant 0 : i32
        %dma_start3A_114 = tpu.memref_slice %arg7[%add3A_112, %dma_start3A_113] : memref<80x128xi32, #tpu.memory_space<vmem>> -> memref<1x128xi32, #tpu.memory_space<vmem>>
        %dma_start3A_115 = tpu.memref_squeeze %dma_start3A_114 : memref<1x128xi32, #tpu.memory_space<vmem>> -> memref<128xi32, #tpu.memory_space<vmem>>
        %dma_start3A_116 = arith.constant 0 : i32
        %dma_start3A_117 = arith.constant 0 : i32
        %dma_start3A_118 = tpu.memref_slice %arg2[%dma_start3A_116, %dma_start3A_117] : memref<10000x128xf32, #tpu.memory_space<hbm>> -> memref<10000x128xf32, #tpu.memory_space<hbm>>
        tpu.enqueue_indirect_dma source(%dma_start3A_118 : memref<10000x128xf32, #tpu.memory_space<hbm>>) target(%arg10 : memref<128x128xf32, #tpu.memory_space<vmem>>) offsets(%dma_start3A_115 : memref<128xi32, #tpu.memory_space<vmem>>) semaphore(%arg13 : memref<!tpu.dma_semaphore, #tpu.memory_space<semaphore_mem>>)
      } else {
      }
    }
    %scan3A_64 = arith.constant 20 : i32
    "tpu.region"() ({
      %run_scoped3A = tpu.sem_alloc : memref<!tpu.dma_semaphore, #tpu.memory_space<semaphore_mem>>
      %dma_start3A_75 = arith.constant 40 : i32
      %dma_start3A_76 = arith.constant 0 : i32
      %dma_start3A_77 = tpu.memref_slice %arg4[%add3A, %dma_start3A_75, %dma_start3A_76] : memref<32x80x128xi32, #tpu.memory_space<hbm>> -> memref<1x40x128xi32, #tpu.memory_space<hbm>>
      %dma_start3A_78 = tpu.memref_squeeze %dma_start3A_77 : memref<1x40x128xi32, #tpu.memory_space<hbm>> -> memref<40x128xi32, #tpu.memory_space<hbm>>
      %dma_start3A_79 = arith.constant 40 : i32
      %dma_start3A_80 = arith.constant 0 : i32
      %dma_start3A_81 = tpu.memref_slice %arg4[%add3A, %dma_start3A_79, %dma_start3A_80] : memref<32x80x128xi32, #tpu.memory_space<hbm>> -> memref<1x40x128xi32, #tpu.memory_space<hbm>>
      %dma_start3A_82 = tpu.memref_squeeze %dma_start3A_81 : memref<1x40x128xi32, #tpu.memory_space<hbm>> -> memref<40x128xi32, #tpu.memory_space<hbm>>
      tpu.enqueue_dma source(%dma_start3A_82 : memref<40x128xi32, #tpu.memory_space<hbm>>) target(%arg8 : memref<40x128xi32, #tpu.memory_space<vmem>>) target_semaphore(%run_scoped3A : memref<!tpu.dma_semaphore, #tpu.memory_space<semaphore_mem>>)
      %dma_wait3A_83 = arith.constant 40 : i32
      %dma_wait3A_84 = arith.constant 0 : i32
      %dma_wait3A_85 = tpu.memref_slice %arg4[%add3A, %dma_wait3A_83, %dma_wait3A_84] : memref<32x80x128xi32, #tpu.memory_space<hbm>> -> memref<1x40x128xi32, #tpu.memory_space<hbm>>
      %dma_wait3A_86 = tpu.memref_squeeze %dma_wait3A_85 : memref<1x40x128xi32, #tpu.memory_space<hbm>> -> memref<40x128xi32, #tpu.memory_space<hbm>>
      %dma_wait3A_87 = arith.constant 40 : i32
      %dma_wait3A_88 = arith.constant 0 : i32
      %dma_wait3A_89 = tpu.memref_slice %arg4[%add3A, %dma_wait3A_87, %dma_wait3A_88] : memref<32x80x128xi32, #tpu.memory_space<hbm>> -> memref<1x40x128xi32, #tpu.memory_space<hbm>>
      %dma_wait3A_90 = tpu.memref_squeeze %dma_wait3A_89 : memref<1x40x128xi32, #tpu.memory_space<hbm>> -> memref<40x128xi32, #tpu.memory_space<hbm>>
      tpu.wait_dma2 semaphore(%run_scoped3A : memref<!tpu.dma_semaphore, #tpu.memory_space<semaphore_mem>>) src(%dma_wait3A_90 : memref<40x128xi32, #tpu.memory_space<hbm>>) dst(%arg8 : memref<40x128xi32, #tpu.memory_space<vmem>>)
      tpu.yield
    }) : () -> ()
    %scan3A_65 = arith.constant 0 : i32
    %scan3A_66 = arith.constant 20 : i32
    %scan3A_67 = arith.addi %scan3A_65, %scan3A_66 : i32
    %scan3A_68 = arith.constant 1 : i32
    scf.for %scan3A_75 = %scan3A_65 to %scan3A_67 step %scan3A_68  : i32 {
      %mul3A_76 = arith.constant 1 : i32
      %mul3A_77 = arith.muli %scan3A_75, %mul3A_76 : i32
      %add3A_78 = arith.constant 0 : i32
      %add3A_79 = arith.addi %add3A_78, %mul3A_77 : i32
      %mul3A_80 = arith.constant 2 : i32
      %mul3A_81 = arith.muli %mul3A_80, %add3A_79 : i32
      %add3A_82 = arith.constant 40 : i32
      %add3A_83 = arith.addi %add3A_82, %mul3A_81 : i32
      %mul3A_84 = arith.constant 2 : i32
      %mul3A_85 = arith.muli %mul3A_84, %add3A_79 : i32
      %dma_wait3A_86 = arith.constant 0 : i32
      %dma_wait3A_87 = arith.constant 0 : i32
      %dma_wait3A_88 = tpu.memref_slice %arg2[%dma_wait3A_86, %dma_wait3A_87] : memref<10000x128xf32, #tpu.memory_space<hbm>> -> memref<128x128xf32, #tpu.memory_space<hbm>>
      %dma_wait3A_89 = arith.constant 0 : i32
      %dma_wait3A_90 = arith.constant 0 : i32
      %dma_wait3A_91 = tpu.memref_slice %arg2[%dma_wait3A_89, %dma_wait3A_90] : memref<10000x128xf32, #tpu.memory_space<hbm>> -> memref<128x128xf32, #tpu.memory_space<hbm>>
      tpu.wait_dma2 semaphore(%arg12 : memref<!tpu.dma_semaphore, #tpu.memory_space<semaphore_mem>>) src(%dma_wait3A_91 : memref<128x128xf32, #tpu.memory_space<hbm>>) dst(%arg9 : memref<128x128xf32, #tpu.memory_space<vmem>>)
      "tpu.region"() ({
        %run_scoped3A = tpu.sem_alloc : memref<!tpu.dma_semaphore, #tpu.memory_space<semaphore_mem>>
        %dma_start3A_111 = arith.constant 0 : i32
        %dma_start3A_112 = tpu.memref_slice %arg8[%mul3A_85, %dma_start3A_111] : memref<40x128xi32, #tpu.memory_space<vmem>> -> memref<1x128xi32, #tpu.memory_space<vmem>>
        %dma_start3A_113 = tpu.memref_squeeze %dma_start3A_112 : memref<1x128xi32, #tpu.memory_space<vmem>> -> memref<128xi32, #tpu.memory_space<vmem>>
        %dma_start3A_114 = arith.constant 0 : i32
        %dma_start3A_115 = arith.constant 0 : i32
        %dma_start3A_116 = tpu.memref_slice %arg11[%dma_start3A_114, %dma_start3A_115] : memref<10112x128xf32, #tpu.memory_space<vmem_shared>> -> memref<10112x128xf32, #tpu.memory_space<vmem_shared>>
        tpu.enqueue_indirect_dma source(%arg9 : memref<128x128xf32, #tpu.memory_space<vmem>>) target(%dma_start3A_116 : memref<10112x128xf32, #tpu.memory_space<vmem_shared>>) offsets(%dma_start3A_113 : memref<128xi32, #tpu.memory_space<vmem>>) semaphore(%run_scoped3A : memref<!tpu.dma_semaphore, #tpu.memory_space<semaphore_mem>>) {add = true}
        %dma_wait3A_117 = arith.constant 0 : i32
        %dma_wait3A_118 = tpu.memref_slice %arg8[%mul3A_85, %dma_wait3A_117] : memref<40x128xi32, #tpu.memory_space<vmem>> -> memref<1x128xi32, #tpu.memory_space<vmem>>
        %dma_wait3A_119 = tpu.memref_squeeze %dma_wait3A_118 : memref<1x128xi32, #tpu.memory_space<vmem>> -> memref<128xi32, #tpu.memory_space<vmem>>
        %dma_wait3A_120 = arith.constant 0 : i32
        %dma_wait3A_121 = arith.constant 0 : i32
        %dma_wait3A_122 = tpu.memref_slice %arg11[%dma_wait3A_120, %dma_wait3A_121] : memref<10112x128xf32, #tpu.memory_space<vmem_shared>> -> memref<10112x128xf32, #tpu.memory_space<vmem_shared>>
        tpu.wait_indirect_dma semaphore(%run_scoped3A : memref<!tpu.dma_semaphore, #tpu.memory_space<semaphore_mem>>) src(%arg9 : memref<128x128xf32, #tpu.memory_space<vmem>>) dst(%dma_wait3A_122 : memref<10112x128xf32, #tpu.memory_space<vmem_shared>>)
        tpu.yield
      }) : () -> ()
      %add3A_92 = arith.constant 2 : i32
      %add3A_93 = arith.addi %add3A_83, %add3A_92 : i32
      %lt3A = arith.constant 80 : i32
      %lt3A_94 = arith.cmpi slt, %add3A_93, %lt3A : i32
      %convert_element_type3A = arith.extui %lt3A_94 : i1 to i32
      %cond3A = arith.constant 0 : i32
      %cond3A_95 = arith.cmpi ne, %convert_element_type3A, %cond3A : i32
      scf.if %cond3A_95 {
        %add3A_111 = arith.constant 2 : i32
        %add3A_112 = arith.addi %add3A_83, %add3A_111 : i32
        %dma_start3A_113 = arith.constant 0 : i32
        %dma_start3A_114 = tpu.memref_slice %arg7[%add3A_112, %dma_start3A_113] : memref<80x128xi32, #tpu.memory_space<vmem>> -> memref<1x128xi32, #tpu.memory_space<vmem>>
        %dma_start3A_115 = tpu.memref_squeeze %dma_start3A_114 : memref<1x128xi32, #tpu.memory_space<vmem>> -> memref<128xi32, #tpu.memory_space<vmem>>
        %dma_start3A_116 = arith.constant 0 : i32
        %dma_start3A_117 = arith.constant 0 : i32
        %dma_start3A_118 = tpu.memref_slice %arg2[%dma_start3A_116, %dma_start3A_117] : memref<10000x128xf32, #tpu.memory_space<hbm>> -> memref<10000x128xf32, #tpu.memory_space<hbm>>
        tpu.enqueue_indirect_dma source(%dma_start3A_118 : memref<10000x128xf32, #tpu.memory_space<hbm>>) target(%arg9 : memref<128x128xf32, #tpu.memory_space<vmem>>) offsets(%dma_start3A_115 : memref<128xi32, #tpu.memory_space<vmem>>) semaphore(%arg12 : memref<!tpu.dma_semaphore, #tpu.memory_space<semaphore_mem>>)
      } else {
      }
      %dma_wait3A_96 = arith.constant 0 : i32
      %dma_wait3A_97 = arith.constant 0 : i32
      %dma_wait3A_98 = tpu.memref_slice %arg2[%dma_wait3A_96, %dma_wait3A_97] : memref<10000x128xf32, #tpu.memory_space<hbm>> -> memref<128x128xf32, #tpu.memory_space<hbm>>
      %dma_wait3A_99 = arith.constant 0 : i32
      %dma_wait3A_100 = arith.constant 0 : i32
      %dma_wait3A_101 = tpu.memref_slice %arg2[%dma_wait3A_99, %dma_wait3A_100] : memref<10000x128xf32, #tpu.memory_space<hbm>> -> memref<128x128xf32, #tpu.memory_space<hbm>>
      tpu.wait_dma2 semaphore(%arg13 : memref<!tpu.dma_semaphore, #tpu.memory_space<semaphore_mem>>) src(%dma_wait3A_101 : memref<128x128xf32, #tpu.memory_space<hbm>>) dst(%arg10 : memref<128x128xf32, #tpu.memory_space<vmem>>)
      %add3A_102 = arith.constant 1 : i32
      %add3A_103 = arith.addi %mul3A_85, %add3A_102 : i32
      "tpu.region"() ({
        %run_scoped3A = tpu.sem_alloc : memref<!tpu.dma_semaphore, #tpu.memory_space<semaphore_mem>>
        %dma_start3A_111 = arith.constant 0 : i32
        %dma_start3A_112 = tpu.memref_slice %arg8[%add3A_103, %dma_start3A_111] : memref<40x128xi32, #tpu.memory_space<vmem>> -> memref<1x128xi32, #tpu.memory_space<vmem>>
        %dma_start3A_113 = tpu.memref_squeeze %dma_start3A_112 : memref<1x128xi32, #tpu.memory_space<vmem>> -> memref<128xi32, #tpu.memory_space<vmem>>
        %dma_start3A_114 = arith.constant 0 : i32
        %dma_start3A_115 = arith.constant 0 : i32
        %dma_start3A_116 = tpu.memref_slice %arg11[%dma_start3A_114, %dma_start3A_115] : memref<10112x128xf32, #tpu.memory_space<vmem_shared>> -> memref<10112x128xf32, #tpu.memory_space<vmem_shared>>
        tpu.enqueue_indirect_dma source(%arg10 : memref<128x128xf32, #tpu.memory_space<vmem>>) target(%dma_start3A_116 : memref<10112x128xf32, #tpu.memory_space<vmem_shared>>) offsets(%dma_start3A_113 : memref<128xi32, #tpu.memory_space<vmem>>) semaphore(%run_scoped3A : memref<!tpu.dma_semaphore, #tpu.memory_space<semaphore_mem>>) {add = true}
        %dma_wait3A_117 = arith.constant 0 : i32
        %dma_wait3A_118 = tpu.memref_slice %arg8[%add3A_103, %dma_wait3A_117] : memref<40x128xi32, #tpu.memory_space<vmem>> -> memref<1x128xi32, #tpu.memory_space<vmem>>
        %dma_wait3A_119 = tpu.memref_squeeze %dma_wait3A_118 : memref<1x128xi32, #tpu.memory_space<vmem>> -> memref<128xi32, #tpu.memory_space<vmem>>
        %dma_wait3A_120 = arith.constant 0 : i32
        %dma_wait3A_121 = arith.constant 0 : i32
        %dma_wait3A_122 = tpu.memref_slice %arg11[%dma_wait3A_120, %dma_wait3A_121] : memref<10112x128xf32, #tpu.memory_space<vmem_shared>> -> memref<10112x128xf32, #tpu.memory_space<vmem_shared>>
        tpu.wait_indirect_dma semaphore(%run_scoped3A : memref<!tpu.dma_semaphore, #tpu.memory_space<semaphore_mem>>) src(%arg10 : memref<128x128xf32, #tpu.memory_space<vmem>>) dst(%dma_wait3A_122 : memref<10112x128xf32, #tpu.memory_space<vmem_shared>>)
        tpu.yield
      }) : () -> ()
      %add3A_104 = arith.constant 3 : i32
      %add3A_105 = arith.addi %add3A_83, %add3A_104 : i32
      %lt3A_106 = arith.constant 80 : i32
      %lt3A_107 = arith.cmpi slt, %add3A_105, %lt3A_106 : i32
      %convert_element_type3A_108 = arith.extui %lt3A_107 : i1 to i32
      %cond3A_109 = arith.constant 0 : i32
      %cond3A_110 = arith.cmpi ne, %convert_element_type3A_108, %cond3A_109 : i32
      scf.if %cond3A_110 {
        %add3A_111 = arith.constant 3 : i32
        %add3A_112 = arith.addi %add3A_83, %add3A_111 : i32
        %dma_start3A_113 = arith.constant 0 : i32
        %dma_start3A_114 = tpu.memref_slice %arg7[%add3A_112, %dma_start3A_113] : memref<80x128xi32, #tpu.memory_space<vmem>> -> memref<1x128xi32, #tpu.memory_space<vmem>>
        %dma_start3A_115 = tpu.memref_squeeze %dma_start3A_114 : memref<1x128xi32, #tpu.memory_space<vmem>> -> memref<128xi32, #tpu.memory_space<vmem>>
        %dma_start3A_116 = arith.constant 0 : i32
        %dma_start3A_117 = arith.constant 0 : i32
        %dma_start3A_118 = tpu.memref_slice %arg2[%dma_start3A_116, %dma_start3A_117] : memref<10000x128xf32, #tpu.memory_space<hbm>> -> memref<10000x128xf32, #tpu.memory_space<hbm>>
        tpu.enqueue_indirect_dma source(%dma_start3A_118 : memref<10000x128xf32, #tpu.memory_space<hbm>>) target(%arg10 : memref<128x128xf32, #tpu.memory_space<vmem>>) offsets(%dma_start3A_115 : memref<128xi32, #tpu.memory_space<vmem>>) semaphore(%arg13 : memref<!tpu.dma_semaphore, #tpu.memory_space<semaphore_mem>>)
      } else {
      }
    }
    %scan3A_69 = arith.constant 20 : i32
    %barrier3A_70 = arith.constant 0 : index
    tpu.barrier barrier_id(%barrier3A_70)
    %mul3A_71 = arith.constant 632 : i32
    %mul3A_72 = arith.muli %arg1, %mul3A_71 : i32
    %mul3A_73 = arith.constant 632 : i32
    %mul3A_74 = arith.muli %arg1, %mul3A_73 : i32
    "tpu.region"() ({
      %run_scoped3A = tpu.sem_alloc : memref<!tpu.dma_semaphore, #tpu.memory_space<semaphore_mem>>
      %dma_start3A_75 = arith.constant 0 : i32
      %dma_start3A_76 = tpu.memref_slice %arg6[%arg0, %mul3A_74, %dma_start3A_75] : memref<2x10112x128xf32, #tpu.memory_space<hbm>> -> memref<1x632x128xf32, #tpu.memory_space<hbm>>
      %dma_start3A_77 = tpu.memref_squeeze %dma_start3A_76 : memref<1x632x128xf32, #tpu.memory_space<hbm>> -> memref<632x128xf32, #tpu.memory_space<hbm>>
      %dma_start3A_78 = arith.constant 0 : i32
      %dma_start3A_79 = tpu.memref_slice %arg11[%mul3A_72, %dma_start3A_78] : memref<10112x128xf32, #tpu.memory_space<vmem_shared>> -> memref<632x128xf32, #tpu.memory_space<vmem_shared>>
      tpu.enqueue_dma source(%dma_start3A_79 : memref<632x128xf32, #tpu.memory_space<vmem_shared>>) target(%dma_start3A_77 : memref<632x128xf32, #tpu.memory_space<hbm>>) target_semaphore(%run_scoped3A : memref<!tpu.dma_semaphore, #tpu.memory_space<semaphore_mem>>)
      %dma_wait3A_80 = arith.constant 0 : i32
      %dma_wait3A_81 = tpu.memref_slice %arg6[%arg0, %mul3A_74, %dma_wait3A_80] : memref<2x10112x128xf32, #tpu.memory_space<hbm>> -> memref<1x632x128xf32, #tpu.memory_space<hbm>>
      %dma_wait3A_82 = tpu.memref_squeeze %dma_wait3A_81 : memref<1x632x128xf32, #tpu.memory_space<hbm>> -> memref<632x128xf32, #tpu.memory_space<hbm>>
      %dma_wait3A_83 = arith.constant 0 : i32
      %dma_wait3A_84 = tpu.memref_slice %arg11[%mul3A_72, %dma_wait3A_83] : memref<10112x128xf32, #tpu.memory_space<vmem_shared>> -> memref<632x128xf32, #tpu.memory_space<vmem_shared>>
      tpu.wait_dma2 semaphore(%run_scoped3A : memref<!tpu.dma_semaphore, #tpu.memory_space<semaphore_mem>>) src(%dma_wait3A_84 : memref<632x128xf32, #tpu.memory_space<vmem_shared>>) dst(%dma_wait3A_82 : memref<632x128xf32, #tpu.memory_space<hbm>>)
      tpu.yield
    }) : () -> ()
    return
  }
}

#map = affine_map<(d0, d1) -> (0, 0)>
#map1 = affine_map<(d0, d1) -> (0, 0, 0)>
module attributes {stable_mosaic.version = 14 : i64} {
  func.func @_sc_msg(%arg0: i32, %arg1: i32, %arg2: memref<10000x128xf32, #tpu.memory_space<hbm>>, %arg3: memref<32x80x128xi32, #tpu.memory_space<hbm>>, %arg4: memref<32x80x128xi32, #tpu.memory_space<hbm>>, %arg5: memref<10112x128xf32, #tpu.memory_space<hbm>>, %arg6: memref<2x10112x128xf32, #tpu.memory_space<hbm>>, %arg7: memref<80x128xi32, #tpu.memory_space<vmem>>, %arg8: memref<40x128xi32, #tpu.memory_space<vmem>>, %arg9: memref<128x128xf32, #tpu.memory_space<vmem>>, %arg10: memref<128x128xf32, #tpu.memory_space<vmem>>, %arg11: memref<10112x128xf32, #tpu.memory_space<vmem_shared>>, %arg12: memref<!tpu.dma_semaphore, #tpu.memory_space<semaphore_mem>>, %arg13: memref<!tpu.dma_semaphore, #tpu.memory_space<semaphore_mem>>, %arg14: memref<!tpu.dma_semaphore, #tpu.memory_space<semaphore_mem>>) attributes {dimension_semantics = [#tpu.dimension_semantics<core_parallel>, #tpu.dimension_semantics<subcore_parallel>], iteration_bounds = array<i64: 2, 16>, scalar_prefetch = 0 : i64, scratch_operands = 8 : i64, tpu.core_type = #tpu.core_type<sc_vector_subcore>, window_params = [{transform_indices = #map}, {transform_indices = #map1}, {transform_indices = #map1}, {transform_indices = #map}, {transform_indices = #map1}]} {
    %mul3A = arith.constant 2 : i32
    %mul3A_0 = arith.muli %arg1, %mul3A : i32
    %add3A = arith.addi %mul3A_0, %arg0 : i32
    %mul3A_1 = arith.constant 632 : i32
    %mul3A_2 = arith.muli %arg1, %mul3A_1 : i32
    %mul3A_3 = arith.constant 632 : i32
    %mul3A_4 = arith.muli %arg1, %mul3A_3 : i32
    %dma_start3A = arith.constant 0 : i32
    %dma_start3A_5 = tpu.memref_slice %arg11[%mul3A_4, %dma_start3A] : memref<10112x128xf32, #tpu.memory_space<vmem_shared>> -> memref<632x128xf32, #tpu.memory_space<vmem_shared>>
    %dma_start3A_6 = arith.constant 0 : i32
    %dma_start3A_7 = tpu.memref_slice %arg5[%mul3A_2, %dma_start3A_6] : memref<10112x128xf32, #tpu.memory_space<hbm>> -> memref<632x128xf32, #tpu.memory_space<hbm>>
    tpu.enqueue_dma source(%dma_start3A_7 : memref<632x128xf32, #tpu.memory_space<hbm>>) target(%dma_start3A_5 : memref<632x128xf32, #tpu.memory_space<vmem_shared>>) target_semaphore(%arg14 : memref<!tpu.dma_semaphore, #tpu.memory_space<semaphore_mem>>)
    %dma_start3A_8 = arith.constant 0 : i32
    %dma_start3A_9 = arith.constant 0 : i32
    %dma_start3A_10 = tpu.memref_slice %arg3[%add3A, %dma_start3A_8, %dma_start3A_9] : memref<32x80x128xi32, #tpu.memory_space<hbm>> -> memref<1x80x128xi32, #tpu.memory_space<hbm>>
    %dma_start3A_11 = tpu.memref_squeeze %dma_start3A_10 : memref<1x80x128xi32, #tpu.memory_space<hbm>> -> memref<80x128xi32, #tpu.memory_space<hbm>>
    %dma_start3A_12 = arith.constant 0 : i32
    %dma_start3A_13 = arith.constant 0 : i32
    %dma_start3A_14 = tpu.memref_slice %arg3[%add3A, %dma_start3A_12, %dma_start3A_13] : memref<32x80x128xi32, #tpu.memory_space<hbm>> -> memref<1x80x128xi32, #tpu.memory_space<hbm>>
    %dma_start3A_15 = tpu.memref_squeeze %dma_start3A_14 : memref<1x80x128xi32, #tpu.memory_space<hbm>> -> memref<80x128xi32, #tpu.memory_space<hbm>>
    tpu.enqueue_dma source(%dma_start3A_15 : memref<80x128xi32, #tpu.memory_space<hbm>>) target(%arg7 : memref<80x128xi32, #tpu.memory_space<vmem>>) target_semaphore(%arg12 : memref<!tpu.dma_semaphore, #tpu.memory_space<semaphore_mem>>)
    %dma_start3A_16 = arith.constant 0 : i32
    %dma_start3A_17 = arith.constant 0 : i32
    %dma_start3A_18 = tpu.memref_slice %arg4[%add3A, %dma_start3A_16, %dma_start3A_17] : memref<32x80x128xi32, #tpu.memory_space<hbm>> -> memref<1x40x128xi32, #tpu.memory_space<hbm>>
    %dma_start3A_19 = tpu.memref_squeeze %dma_start3A_18 : memref<1x40x128xi32, #tpu.memory_space<hbm>> -> memref<40x128xi32, #tpu.memory_space<hbm>>
    %dma_start3A_20 = arith.constant 0 : i32
    %dma_start3A_21 = arith.constant 0 : i32
    %dma_start3A_22 = tpu.memref_slice %arg4[%add3A, %dma_start3A_20, %dma_start3A_21] : memref<32x80x128xi32, #tpu.memory_space<hbm>> -> memref<1x40x128xi32, #tpu.memory_space<hbm>>
    %dma_start3A_23 = tpu.memref_squeeze %dma_start3A_22 : memref<1x40x128xi32, #tpu.memory_space<hbm>> -> memref<40x128xi32, #tpu.memory_space<hbm>>
    tpu.enqueue_dma source(%dma_start3A_23 : memref<40x128xi32, #tpu.memory_space<hbm>>) target(%arg8 : memref<40x128xi32, #tpu.memory_space<vmem>>) target_semaphore(%arg13 : memref<!tpu.dma_semaphore, #tpu.memory_space<semaphore_mem>>)
    %dma_wait3A = arith.constant 0 : i32
    %dma_wait3A_24 = arith.constant 0 : i32
    %dma_wait3A_25 = tpu.memref_slice %arg3[%add3A, %dma_wait3A, %dma_wait3A_24] : memref<32x80x128xi32, #tpu.memory_space<hbm>> -> memref<1x80x128xi32, #tpu.memory_space<hbm>>
    %dma_wait3A_26 = tpu.memref_squeeze %dma_wait3A_25 : memref<1x80x128xi32, #tpu.memory_space<hbm>> -> memref<80x128xi32, #tpu.memory_space<hbm>>
    %dma_wait3A_27 = arith.constant 0 : i32
    %dma_wait3A_28 = arith.constant 0 : i32
    %dma_wait3A_29 = tpu.memref_slice %arg3[%add3A, %dma_wait3A_27, %dma_wait3A_28] : memref<32x80x128xi32, #tpu.memory_space<hbm>> -> memref<1x80x128xi32, #tpu.memory_space<hbm>>
    %dma_wait3A_30 = tpu.memref_squeeze %dma_wait3A_29 : memref<1x80x128xi32, #tpu.memory_space<hbm>> -> memref<80x128xi32, #tpu.memory_space<hbm>>
    tpu.wait_dma2 semaphore(%arg12 : memref<!tpu.dma_semaphore, #tpu.memory_space<semaphore_mem>>) src(%dma_wait3A_30 : memref<80x128xi32, #tpu.memory_space<hbm>>) dst(%arg7 : memref<80x128xi32, #tpu.memory_space<vmem>>)
    %dma_wait3A_31 = arith.constant 0 : i32
    %dma_wait3A_32 = arith.constant 0 : i32
    %dma_wait3A_33 = tpu.memref_slice %arg4[%add3A, %dma_wait3A_31, %dma_wait3A_32] : memref<32x80x128xi32, #tpu.memory_space<hbm>> -> memref<1x40x128xi32, #tpu.memory_space<hbm>>
    %dma_wait3A_34 = tpu.memref_squeeze %dma_wait3A_33 : memref<1x40x128xi32, #tpu.memory_space<hbm>> -> memref<40x128xi32, #tpu.memory_space<hbm>>
    %dma_wait3A_35 = arith.constant 0 : i32
    %dma_wait3A_36 = arith.constant 0 : i32
    %dma_wait3A_37 = tpu.memref_slice %arg4[%add3A, %dma_wait3A_35, %dma_wait3A_36] : memref<32x80x128xi32, #tpu.memory_space<hbm>> -> memref<1x40x128xi32, #tpu.memory_space<hbm>>
    %dma_wait3A_38 = tpu.memref_squeeze %dma_wait3A_37 : memref<1x40x128xi32, #tpu.memory_space<hbm>> -> memref<40x128xi32, #tpu.memory_space<hbm>>
    tpu.wait_dma2 semaphore(%arg13 : memref<!tpu.dma_semaphore, #tpu.memory_space<semaphore_mem>>) src(%dma_wait3A_38 : memref<40x128xi32, #tpu.memory_space<hbm>>) dst(%arg8 : memref<40x128xi32, #tpu.memory_space<vmem>>)
    %dma_start3A_39 = arith.constant 0 : i32
    %dma_start3A_40 = arith.constant 0 : i32
    %dma_start3A_41 = tpu.memref_slice %arg7[%dma_start3A_39, %dma_start3A_40] : memref<80x128xi32, #tpu.memory_space<vmem>> -> memref<1x128xi32, #tpu.memory_space<vmem>>
    %dma_start3A_42 = tpu.memref_squeeze %dma_start3A_41 : memref<1x128xi32, #tpu.memory_space<vmem>> -> memref<128xi32, #tpu.memory_space<vmem>>
    %dma_start3A_43 = arith.constant 0 : i32
    %dma_start3A_44 = arith.constant 0 : i32
    %dma_start3A_45 = tpu.memref_slice %arg2[%dma_start3A_43, %dma_start3A_44] : memref<10000x128xf32, #tpu.memory_space<hbm>> -> memref<10000x128xf32, #tpu.memory_space<hbm>>
    tpu.enqueue_indirect_dma source(%dma_start3A_45 : memref<10000x128xf32, #tpu.memory_space<hbm>>) target(%arg9 : memref<128x128xf32, #tpu.memory_space<vmem>>) offsets(%dma_start3A_42 : memref<128xi32, #tpu.memory_space<vmem>>) semaphore(%arg12 : memref<!tpu.dma_semaphore, #tpu.memory_space<semaphore_mem>>)
    %dma_start3A_46 = arith.constant 1 : i32
    %dma_start3A_47 = arith.constant 0 : i32
    %dma_start3A_48 = tpu.memref_slice %arg7[%dma_start3A_46, %dma_start3A_47] : memref<80x128xi32, #tpu.memory_space<vmem>> -> memref<1x128xi32, #tpu.memory_space<vmem>>
    %dma_start3A_49 = tpu.memref_squeeze %dma_start3A_48 : memref<1x128xi32, #tpu.memory_space<vmem>> -> memref<128xi32, #tpu.memory_space<vmem>>
    %dma_start3A_50 = arith.constant 0 : i32
    %dma_start3A_51 = arith.constant 0 : i32
    %dma_start3A_52 = tpu.memref_slice %arg2[%dma_start3A_50, %dma_start3A_51] : memref<10000x128xf32, #tpu.memory_space<hbm>> -> memref<10000x128xf32, #tpu.memory_space<hbm>>
    tpu.enqueue_indirect_dma source(%dma_start3A_52 : memref<10000x128xf32, #tpu.memory_space<hbm>>) target(%arg10 : memref<128x128xf32, #tpu.memory_space<vmem>>) offsets(%dma_start3A_49 : memref<128xi32, #tpu.memory_space<vmem>>) semaphore(%arg13 : memref<!tpu.dma_semaphore, #tpu.memory_space<semaphore_mem>>)
    %mul3A_53 = arith.constant 632 : i32
    %mul3A_54 = arith.muli %arg1, %mul3A_53 : i32
    %mul3A_55 = arith.constant 632 : i32
    %mul3A_56 = arith.muli %arg1, %mul3A_55 : i32
    %dma_wait3A_57 = arith.constant 0 : i32
    %dma_wait3A_58 = tpu.memref_slice %arg11[%mul3A_56, %dma_wait3A_57] : memref<10112x128xf32, #tpu.memory_space<vmem_shared>> -> memref<632x128xf32, #tpu.memory_space<vmem_shared>>
    %dma_wait3A_59 = arith.constant 0 : i32
    %dma_wait3A_60 = tpu.memref_slice %arg5[%mul3A_54, %dma_wait3A_59] : memref<10112x128xf32, #tpu.memory_space<hbm>> -> memref<632x128xf32, #tpu.memory_space<hbm>>
    tpu.wait_dma2 semaphore(%arg14 : memref<!tpu.dma_semaphore, #tpu.memory_space<semaphore_mem>>) src(%dma_wait3A_60 : memref<632x128xf32, #tpu.memory_space<hbm>>) dst(%dma_wait3A_58 : memref<632x128xf32, #tpu.memory_space<vmem_shared>>)
    %barrier3A = arith.constant 0 : index
    tpu.barrier barrier_id(%barrier3A)
    %scan3A = arith.constant 0 : i32
    %scan3A_61 = arith.constant 20 : i32
    %scan3A_62 = arith.addi %scan3A, %scan3A_61 : i32
    %scan3A_63 = arith.constant 1 : i32
    scf.for %scan3A_75 = %scan3A to %scan3A_62 step %scan3A_63  : i32 {
      %mul3A_76 = arith.constant 1 : i32
      %mul3A_77 = arith.muli %scan3A_75, %mul3A_76 : i32
      %add3A_78 = arith.constant 0 : i32
      %add3A_79 = arith.addi %add3A_78, %mul3A_77 : i32
      %mul3A_80 = arith.constant 2 : i32
      %mul3A_81 = arith.muli %mul3A_80, %add3A_79 : i32
      %add3A_82 = arith.constant 0 : i32
      %add3A_83 = arith.addi %add3A_82, %mul3A_81 : i32
      %mul3A_84 = arith.constant 2 : i32
      %mul3A_85 = arith.muli %mul3A_84, %add3A_79 : i32
      %dma_wait3A_86 = arith.constant 0 : i32
      %dma_wait3A_87 = arith.constant 0 : i32
      %dma_wait3A_88 = tpu.memref_slice %arg2[%dma_wait3A_86, %dma_wait3A_87] : memref<10000x128xf32, #tpu.memory_space<hbm>> -> memref<128x128xf32, #tpu.memory_space<hbm>>
      %dma_wait3A_89 = arith.constant 0 : i32
      %dma_wait3A_90 = arith.constant 0 : i32
      %dma_wait3A_91 = tpu.memref_slice %arg2[%dma_wait3A_89, %dma_wait3A_90] : memref<10000x128xf32, #tpu.memory_space<hbm>> -> memref<128x128xf32, #tpu.memory_space<hbm>>
      tpu.wait_dma2 semaphore(%arg12 : memref<!tpu.dma_semaphore, #tpu.memory_space<semaphore_mem>>) src(%dma_wait3A_91 : memref<128x128xf32, #tpu.memory_space<hbm>>) dst(%arg9 : memref<128x128xf32, #tpu.memory_space<vmem>>)
      "tpu.region"() ({
        %run_scoped3A = tpu.sem_alloc : memref<!tpu.dma_semaphore, #tpu.memory_space<semaphore_mem>>
        %dma_start3A_111 = arith.constant 0 : i32
        %dma_start3A_112 = tpu.memref_slice %arg8[%mul3A_85, %dma_start3A_111] : memref<40x128xi32, #tpu.memory_space<vmem>> -> memref<1x128xi32, #tpu.memory_space<vmem>>
        %dma_start3A_113 = tpu.memref_squeeze %dma_start3A_112 : memref<1x128xi32, #tpu.memory_space<vmem>> -> memref<128xi32, #tpu.memory_space<vmem>>
        %dma_start3A_114 = arith.constant 0 : i32
        %dma_start3A_115 = arith.constant 0 : i32
        %dma_start3A_116 = tpu.memref_slice %arg11[%dma_start3A_114, %dma_start3A_115] : memref<10112x128xf32, #tpu.memory_space<vmem_shared>> -> memref<10112x128xf32, #tpu.memory_space<vmem_shared>>
        tpu.enqueue_indirect_dma source(%arg9 : memref<128x128xf32, #tpu.memory_space<vmem>>) target(%dma_start3A_116 : memref<10112x128xf32, #tpu.memory_space<vmem_shared>>) offsets(%dma_start3A_113 : memref<128xi32, #tpu.memory_space<vmem>>) semaphore(%run_scoped3A : memref<!tpu.dma_semaphore, #tpu.memory_space<semaphore_mem>>) {add = true}
        %dma_wait3A_117 = arith.constant 0 : i32
        %dma_wait3A_118 = tpu.memref_slice %arg8[%mul3A_85, %dma_wait3A_117] : memref<40x128xi32, #tpu.memory_space<vmem>> -> memref<1x128xi32, #tpu.memory_space<vmem>>
        %dma_wait3A_119 = tpu.memref_squeeze %dma_wait3A_118 : memref<1x128xi32, #tpu.memory_space<vmem>> -> memref<128xi32, #tpu.memory_space<vmem>>
        %dma_wait3A_120 = arith.constant 0 : i32
        %dma_wait3A_121 = arith.constant 0 : i32
        %dma_wait3A_122 = tpu.memref_slice %arg11[%dma_wait3A_120, %dma_wait3A_121] : memref<10112x128xf32, #tpu.memory_space<vmem_shared>> -> memref<10112x128xf32, #tpu.memory_space<vmem_shared>>
        tpu.wait_indirect_dma semaphore(%run_scoped3A : memref<!tpu.dma_semaphore, #tpu.memory_space<semaphore_mem>>) src(%arg9 : memref<128x128xf32, #tpu.memory_space<vmem>>) dst(%dma_wait3A_122 : memref<10112x128xf32, #tpu.memory_space<vmem_shared>>)
        tpu.yield
      }) : () -> ()
      %add3A_92 = arith.constant 2 : i32
      %add3A_93 = arith.addi %add3A_83, %add3A_92 : i32
      %lt3A = arith.constant 80 : i32
      %lt3A_94 = arith.cmpi slt, %add3A_93, %lt3A : i32
      %convert_element_type3A = arith.extui %lt3A_94 : i1 to i32
      %cond3A = arith.constant 0 : i32
      %cond3A_95 = arith.cmpi ne, %convert_element_type3A, %cond3A : i32
      scf.if %cond3A_95 {
        %add3A_111 = arith.constant 2 : i32
        %add3A_112 = arith.addi %add3A_83, %add3A_111 : i32
        %dma_start3A_113 = arith.constant 0 : i32
        %dma_start3A_114 = tpu.memref_slice %arg7[%add3A_112, %dma_start3A_113] : memref<80x128xi32, #tpu.memory_space<vmem>> -> memref<1x128xi32, #tpu.memory_space<vmem>>
        %dma_start3A_115 = tpu.memref_squeeze %dma_start3A_114 : memref<1x128xi32, #tpu.memory_space<vmem>> -> memref<128xi32, #tpu.memory_space<vmem>>
        %dma_start3A_116 = arith.constant 0 : i32
        %dma_start3A_117 = arith.constant 0 : i32
        %dma_start3A_118 = tpu.memref_slice %arg2[%dma_start3A_116, %dma_start3A_117] : memref<10000x128xf32, #tpu.memory_space<hbm>> -> memref<10000x128xf32, #tpu.memory_space<hbm>>
        tpu.enqueue_indirect_dma source(%dma_start3A_118 : memref<10000x128xf32, #tpu.memory_space<hbm>>) target(%arg9 : memref<128x128xf32, #tpu.memory_space<vmem>>) offsets(%dma_start3A_115 : memref<128xi32, #tpu.memory_space<vmem>>) semaphore(%arg12 : memref<!tpu.dma_semaphore, #tpu.memory_space<semaphore_mem>>)
      } else {
      }
      %dma_wait3A_96 = arith.constant 0 : i32
      %dma_wait3A_97 = arith.constant 0 : i32
      %dma_wait3A_98 = tpu.memref_slice %arg2[%dma_wait3A_96, %dma_wait3A_97] : memref<10000x128xf32, #tpu.memory_space<hbm>> -> memref<128x128xf32, #tpu.memory_space<hbm>>
      %dma_wait3A_99 = arith.constant 0 : i32
      %dma_wait3A_100 = arith.constant 0 : i32
      %dma_wait3A_101 = tpu.memref_slice %arg2[%dma_wait3A_99, %dma_wait3A_100] : memref<10000x128xf32, #tpu.memory_space<hbm>> -> memref<128x128xf32, #tpu.memory_space<hbm>>
      tpu.wait_dma2 semaphore(%arg13 : memref<!tpu.dma_semaphore, #tpu.memory_space<semaphore_mem>>) src(%dma_wait3A_101 : memref<128x128xf32, #tpu.memory_space<hbm>>) dst(%arg10 : memref<128x128xf32, #tpu.memory_space<vmem>>)
      %add3A_102 = arith.constant 1 : i32
      %add3A_103 = arith.addi %mul3A_85, %add3A_102 : i32
      "tpu.region"() ({
        %run_scoped3A = tpu.sem_alloc : memref<!tpu.dma_semaphore, #tpu.memory_space<semaphore_mem>>
        %dma_start3A_111 = arith.constant 0 : i32
        %dma_start3A_112 = tpu.memref_slice %arg8[%add3A_103, %dma_start3A_111] : memref<40x128xi32, #tpu.memory_space<vmem>> -> memref<1x128xi32, #tpu.memory_space<vmem>>
        %dma_start3A_113 = tpu.memref_squeeze %dma_start3A_112 : memref<1x128xi32, #tpu.memory_space<vmem>> -> memref<128xi32, #tpu.memory_space<vmem>>
        %dma_start3A_114 = arith.constant 0 : i32
        %dma_start3A_115 = arith.constant 0 : i32
        %dma_start3A_116 = tpu.memref_slice %arg11[%dma_start3A_114, %dma_start3A_115] : memref<10112x128xf32, #tpu.memory_space<vmem_shared>> -> memref<10112x128xf32, #tpu.memory_space<vmem_shared>>
        tpu.enqueue_indirect_dma source(%arg10 : memref<128x128xf32, #tpu.memory_space<vmem>>) target(%dma_start3A_116 : memref<10112x128xf32, #tpu.memory_space<vmem_shared>>) offsets(%dma_start3A_113 : memref<128xi32, #tpu.memory_space<vmem>>) semaphore(%run_scoped3A : memref<!tpu.dma_semaphore, #tpu.memory_space<semaphore_mem>>) {add = true}
        %dma_wait3A_117 = arith.constant 0 : i32
        %dma_wait3A_118 = tpu.memref_slice %arg8[%add3A_103, %dma_wait3A_117] : memref<40x128xi32, #tpu.memory_space<vmem>> -> memref<1x128xi32, #tpu.memory_space<vmem>>
        %dma_wait3A_119 = tpu.memref_squeeze %dma_wait3A_118 : memref<1x128xi32, #tpu.memory_space<vmem>> -> memref<128xi32, #tpu.memory_space<vmem>>
        %dma_wait3A_120 = arith.constant 0 : i32
        %dma_wait3A_121 = arith.constant 0 : i32
        %dma_wait3A_122 = tpu.memref_slice %arg11[%dma_wait3A_120, %dma_wait3A_121] : memref<10112x128xf32, #tpu.memory_space<vmem_shared>> -> memref<10112x128xf32, #tpu.memory_space<vmem_shared>>
        tpu.wait_indirect_dma semaphore(%run_scoped3A : memref<!tpu.dma_semaphore, #tpu.memory_space<semaphore_mem>>) src(%arg10 : memref<128x128xf32, #tpu.memory_space<vmem>>) dst(%dma_wait3A_122 : memref<10112x128xf32, #tpu.memory_space<vmem_shared>>)
        tpu.yield
      }) : () -> ()
      %add3A_104 = arith.constant 3 : i32
      %add3A_105 = arith.addi %add3A_83, %add3A_104 : i32
      %lt3A_106 = arith.constant 80 : i32
      %lt3A_107 = arith.cmpi slt, %add3A_105, %lt3A_106 : i32
      %convert_element_type3A_108 = arith.extui %lt3A_107 : i1 to i32
      %cond3A_109 = arith.constant 0 : i32
      %cond3A_110 = arith.cmpi ne, %convert_element_type3A_108, %cond3A_109 : i32
      scf.if %cond3A_110 {
        %add3A_111 = arith.constant 3 : i32
        %add3A_112 = arith.addi %add3A_83, %add3A_111 : i32
        %dma_start3A_113 = arith.constant 0 : i32
        %dma_start3A_114 = tpu.memref_slice %arg7[%add3A_112, %dma_start3A_113] : memref<80x128xi32, #tpu.memory_space<vmem>> -> memref<1x128xi32, #tpu.memory_space<vmem>>
        %dma_start3A_115 = tpu.memref_squeeze %dma_start3A_114 : memref<1x128xi32, #tpu.memory_space<vmem>> -> memref<128xi32, #tpu.memory_space<vmem>>
        %dma_start3A_116 = arith.constant 0 : i32
        %dma_start3A_117 = arith.constant 0 : i32
        %dma_start3A_118 = tpu.memref_slice %arg2[%dma_start3A_116, %dma_start3A_117] : memref<10000x128xf32, #tpu.memory_space<hbm>> -> memref<10000x128xf32, #tpu.memory_space<hbm>>
        tpu.enqueue_indirect_dma source(%dma_start3A_118 : memref<10000x128xf32, #tpu.memory_space<hbm>>) target(%arg10 : memref<128x128xf32, #tpu.memory_space<vmem>>) offsets(%dma_start3A_115 : memref<128xi32, #tpu.memory_space<vmem>>) semaphore(%arg13 : memref<!tpu.dma_semaphore, #tpu.memory_space<semaphore_mem>>)
      } else {
      }
    }
    %scan3A_64 = arith.constant 20 : i32
    "tpu.region"() ({
      %run_scoped3A = tpu.sem_alloc : memref<!tpu.dma_semaphore, #tpu.memory_space<semaphore_mem>>
      %dma_start3A_75 = arith.constant 40 : i32
      %dma_start3A_76 = arith.constant 0 : i32
      %dma_start3A_77 = tpu.memref_slice %arg4[%add3A, %dma_start3A_75, %dma_start3A_76] : memref<32x80x128xi32, #tpu.memory_space<hbm>> -> memref<1x40x128xi32, #tpu.memory_space<hbm>>
      %dma_start3A_78 = tpu.memref_squeeze %dma_start3A_77 : memref<1x40x128xi32, #tpu.memory_space<hbm>> -> memref<40x128xi32, #tpu.memory_space<hbm>>
      %dma_start3A_79 = arith.constant 40 : i32
      %dma_start3A_80 = arith.constant 0 : i32
      %dma_start3A_81 = tpu.memref_slice %arg4[%add3A, %dma_start3A_79, %dma_start3A_80] : memref<32x80x128xi32, #tpu.memory_space<hbm>> -> memref<1x40x128xi32, #tpu.memory_space<hbm>>
      %dma_start3A_82 = tpu.memref_squeeze %dma_start3A_81 : memref<1x40x128xi32, #tpu.memory_space<hbm>> -> memref<40x128xi32, #tpu.memory_space<hbm>>
      tpu.enqueue_dma source(%dma_start3A_82 : memref<40x128xi32, #tpu.memory_space<hbm>>) target(%arg8 : memref<40x128xi32, #tpu.memory_space<vmem>>) target_semaphore(%run_scoped3A : memref<!tpu.dma_semaphore, #tpu.memory_space<semaphore_mem>>)
      %dma_wait3A_83 = arith.constant 40 : i32
      %dma_wait3A_84 = arith.constant 0 : i32
      %dma_wait3A_85 = tpu.memref_slice %arg4[%add3A, %dma_wait3A_83, %dma_wait3A_84] : memref<32x80x128xi32, #tpu.memory_space<hbm>> -> memref<1x40x128xi32, #tpu.memory_space<hbm>>
      %dma_wait3A_86 = tpu.memref_squeeze %dma_wait3A_85 : memref<1x40x128xi32, #tpu.memory_space<hbm>> -> memref<40x128xi32, #tpu.memory_space<hbm>>
      %dma_wait3A_87 = arith.constant 40 : i32
      %dma_wait3A_88 = arith.constant 0 : i32
      %dma_wait3A_89 = tpu.memref_slice %arg4[%add3A, %dma_wait3A_87, %dma_wait3A_88] : memref<32x80x128xi32, #tpu.memory_space<hbm>> -> memref<1x40x128xi32, #tpu.memory_space<hbm>>
      %dma_wait3A_90 = tpu.memref_squeeze %dma_wait3A_89 : memref<1x40x128xi32, #tpu.memory_space<hbm>> -> memref<40x128xi32, #tpu.memory_space<hbm>>
      tpu.wait_dma2 semaphore(%run_scoped3A : memref<!tpu.dma_semaphore, #tpu.memory_space<semaphore_mem>>) src(%dma_wait3A_90 : memref<40x128xi32, #tpu.memory_space<hbm>>) dst(%arg8 : memref<40x128xi32, #tpu.memory_space<vmem>>)
      tpu.yield
    }) : () -> ()
    %scan3A_65 = arith.constant 0 : i32
    %scan3A_66 = arith.constant 20 : i32
    %scan3A_67 = arith.addi %scan3A_65, %scan3A_66 : i32
    %scan3A_68 = arith.constant 1 : i32
    scf.for %scan3A_75 = %scan3A_65 to %scan3A_67 step %scan3A_68  : i32 {
      %mul3A_76 = arith.constant 1 : i32
      %mul3A_77 = arith.muli %scan3A_75, %mul3A_76 : i32
      %add3A_78 = arith.constant 0 : i32
      %add3A_79 = arith.addi %add3A_78, %mul3A_77 : i32
      %mul3A_80 = arith.constant 2 : i32
      %mul3A_81 = arith.muli %mul3A_80, %add3A_79 : i32
      %add3A_82 = arith.constant 40 : i32
      %add3A_83 = arith.addi %add3A_82, %mul3A_81 : i32
      %mul3A_84 = arith.constant 2 : i32
      %mul3A_85 = arith.muli %mul3A_84, %add3A_79 : i32
      %dma_wait3A_86 = arith.constant 0 : i32
      %dma_wait3A_87 = arith.constant 0 : i32
      %dma_wait3A_88 = tpu.memref_slice %arg2[%dma_wait3A_86, %dma_wait3A_87] : memref<10000x128xf32, #tpu.memory_space<hbm>> -> memref<128x128xf32, #tpu.memory_space<hbm>>
      %dma_wait3A_89 = arith.constant 0 : i32
      %dma_wait3A_90 = arith.constant 0 : i32
      %dma_wait3A_91 = tpu.memref_slice %arg2[%dma_wait3A_89, %dma_wait3A_90] : memref<10000x128xf32, #tpu.memory_space<hbm>> -> memref<128x128xf32, #tpu.memory_space<hbm>>
      tpu.wait_dma2 semaphore(%arg12 : memref<!tpu.dma_semaphore, #tpu.memory_space<semaphore_mem>>) src(%dma_wait3A_91 : memref<128x128xf32, #tpu.memory_space<hbm>>) dst(%arg9 : memref<128x128xf32, #tpu.memory_space<vmem>>)
      "tpu.region"() ({
        %run_scoped3A = tpu.sem_alloc : memref<!tpu.dma_semaphore, #tpu.memory_space<semaphore_mem>>
        %dma_start3A_111 = arith.constant 0 : i32
        %dma_start3A_112 = tpu.memref_slice %arg8[%mul3A_85, %dma_start3A_111] : memref<40x128xi32, #tpu.memory_space<vmem>> -> memref<1x128xi32, #tpu.memory_space<vmem>>
        %dma_start3A_113 = tpu.memref_squeeze %dma_start3A_112 : memref<1x128xi32, #tpu.memory_space<vmem>> -> memref<128xi32, #tpu.memory_space<vmem>>
        %dma_start3A_114 = arith.constant 0 : i32
        %dma_start3A_115 = arith.constant 0 : i32
        %dma_start3A_116 = tpu.memref_slice %arg11[%dma_start3A_114, %dma_start3A_115] : memref<10112x128xf32, #tpu.memory_space<vmem_shared>> -> memref<10112x128xf32, #tpu.memory_space<vmem_shared>>
        tpu.enqueue_indirect_dma source(%arg9 : memref<128x128xf32, #tpu.memory_space<vmem>>) target(%dma_start3A_116 : memref<10112x128xf32, #tpu.memory_space<vmem_shared>>) offsets(%dma_start3A_113 : memref<128xi32, #tpu.memory_space<vmem>>) semaphore(%run_scoped3A : memref<!tpu.dma_semaphore, #tpu.memory_space<semaphore_mem>>) {add = true}
        %dma_wait3A_117 = arith.constant 0 : i32
        %dma_wait3A_118 = tpu.memref_slice %arg8[%mul3A_85, %dma_wait3A_117] : memref<40x128xi32, #tpu.memory_space<vmem>> -> memref<1x128xi32, #tpu.memory_space<vmem>>
        %dma_wait3A_119 = tpu.memref_squeeze %dma_wait3A_118 : memref<1x128xi32, #tpu.memory_space<vmem>> -> memref<128xi32, #tpu.memory_space<vmem>>
        %dma_wait3A_120 = arith.constant 0 : i32
        %dma_wait3A_121 = arith.constant 0 : i32
        %dma_wait3A_122 = tpu.memref_slice %arg11[%dma_wait3A_120, %dma_wait3A_121] : memref<10112x128xf32, #tpu.memory_space<vmem_shared>> -> memref<10112x128xf32, #tpu.memory_space<vmem_shared>>
        tpu.wait_indirect_dma semaphore(%run_scoped3A : memref<!tpu.dma_semaphore, #tpu.memory_space<semaphore_mem>>) src(%arg9 : memref<128x128xf32, #tpu.memory_space<vmem>>) dst(%dma_wait3A_122 : memref<10112x128xf32, #tpu.memory_space<vmem_shared>>)
        tpu.yield
      }) : () -> ()
      %add3A_92 = arith.constant 2 : i32
      %add3A_93 = arith.addi %add3A_83, %add3A_92 : i32
      %lt3A = arith.constant 80 : i32
      %lt3A_94 = arith.cmpi slt, %add3A_93, %lt3A : i32
      %convert_element_type3A = arith.extui %lt3A_94 : i1 to i32
      %cond3A = arith.constant 0 : i32
      %cond3A_95 = arith.cmpi ne, %convert_element_type3A, %cond3A : i32
      scf.if %cond3A_95 {
        %add3A_111 = arith.constant 2 : i32
        %add3A_112 = arith.addi %add3A_83, %add3A_111 : i32
        %dma_start3A_113 = arith.constant 0 : i32
        %dma_start3A_114 = tpu.memref_slice %arg7[%add3A_112, %dma_start3A_113] : memref<80x128xi32, #tpu.memory_space<vmem>> -> memref<1x128xi32, #tpu.memory_space<vmem>>
        %dma_start3A_115 = tpu.memref_squeeze %dma_start3A_114 : memref<1x128xi32, #tpu.memory_space<vmem>> -> memref<128xi32, #tpu.memory_space<vmem>>
        %dma_start3A_116 = arith.constant 0 : i32
        %dma_start3A_117 = arith.constant 0 : i32
        %dma_start3A_118 = tpu.memref_slice %arg2[%dma_start3A_116, %dma_start3A_117] : memref<10000x128xf32, #tpu.memory_space<hbm>> -> memref<10000x128xf32, #tpu.memory_space<hbm>>
        tpu.enqueue_indirect_dma source(%dma_start3A_118 : memref<10000x128xf32, #tpu.memory_space<hbm>>) target(%arg9 : memref<128x128xf32, #tpu.memory_space<vmem>>) offsets(%dma_start3A_115 : memref<128xi32, #tpu.memory_space<vmem>>) semaphore(%arg12 : memref<!tpu.dma_semaphore, #tpu.memory_space<semaphore_mem>>)
      } else {
      }
      %dma_wait3A_96 = arith.constant 0 : i32
      %dma_wait3A_97 = arith.constant 0 : i32
      %dma_wait3A_98 = tpu.memref_slice %arg2[%dma_wait3A_96, %dma_wait3A_97] : memref<10000x128xf32, #tpu.memory_space<hbm>> -> memref<128x128xf32, #tpu.memory_space<hbm>>
      %dma_wait3A_99 = arith.constant 0 : i32
      %dma_wait3A_100 = arith.constant 0 : i32
      %dma_wait3A_101 = tpu.memref_slice %arg2[%dma_wait3A_99, %dma_wait3A_100] : memref<10000x128xf32, #tpu.memory_space<hbm>> -> memref<128x128xf32, #tpu.memory_space<hbm>>
      tpu.wait_dma2 semaphore(%arg13 : memref<!tpu.dma_semaphore, #tpu.memory_space<semaphore_mem>>) src(%dma_wait3A_101 : memref<128x128xf32, #tpu.memory_space<hbm>>) dst(%arg10 : memref<128x128xf32, #tpu.memory_space<vmem>>)
      %add3A_102 = arith.constant 1 : i32
      %add3A_103 = arith.addi %mul3A_85, %add3A_102 : i32
      "tpu.region"() ({
        %run_scoped3A = tpu.sem_alloc : memref<!tpu.dma_semaphore, #tpu.memory_space<semaphore_mem>>
        %dma_start3A_111 = arith.constant 0 : i32
        %dma_start3A_112 = tpu.memref_slice %arg8[%add3A_103, %dma_start3A_111] : memref<40x128xi32, #tpu.memory_space<vmem>> -> memref<1x128xi32, #tpu.memory_space<vmem>>
        %dma_start3A_113 = tpu.memref_squeeze %dma_start3A_112 : memref<1x128xi32, #tpu.memory_space<vmem>> -> memref<128xi32, #tpu.memory_space<vmem>>
        %dma_start3A_114 = arith.constant 0 : i32
        %dma_start3A_115 = arith.constant 0 : i32
        %dma_start3A_116 = tpu.memref_slice %arg11[%dma_start3A_114, %dma_start3A_115] : memref<10112x128xf32, #tpu.memory_space<vmem_shared>> -> memref<10112x128xf32, #tpu.memory_space<vmem_shared>>
        tpu.enqueue_indirect_dma source(%arg10 : memref<128x128xf32, #tpu.memory_space<vmem>>) target(%dma_start3A_116 : memref<10112x128xf32, #tpu.memory_space<vmem_shared>>) offsets(%dma_start3A_113 : memref<128xi32, #tpu.memory_space<vmem>>) semaphore(%run_scoped3A : memref<!tpu.dma_semaphore, #tpu.memory_space<semaphore_mem>>) {add = true}
        %dma_wait3A_117 = arith.constant 0 : i32
        %dma_wait3A_118 = tpu.memref_slice %arg8[%add3A_103, %dma_wait3A_117] : memref<40x128xi32, #tpu.memory_space<vmem>> -> memref<1x128xi32, #tpu.memory_space<vmem>>
        %dma_wait3A_119 = tpu.memref_squeeze %dma_wait3A_118 : memref<1x128xi32, #tpu.memory_space<vmem>> -> memref<128xi32, #tpu.memory_space<vmem>>
        %dma_wait3A_120 = arith.constant 0 : i32
        %dma_wait3A_121 = arith.constant 0 : i32
        %dma_wait3A_122 = tpu.memref_slice %arg11[%dma_wait3A_120, %dma_wait3A_121] : memref<10112x128xf32, #tpu.memory_space<vmem_shared>> -> memref<10112x128xf32, #tpu.memory_space<vmem_shared>>
        tpu.wait_indirect_dma semaphore(%run_scoped3A : memref<!tpu.dma_semaphore, #tpu.memory_space<semaphore_mem>>) src(%arg10 : memref<128x128xf32, #tpu.memory_space<vmem>>) dst(%dma_wait3A_122 : memref<10112x128xf32, #tpu.memory_space<vmem_shared>>)
        tpu.yield
      }) : () -> ()
      %add3A_104 = arith.constant 3 : i32
      %add3A_105 = arith.addi %add3A_83, %add3A_104 : i32
      %lt3A_106 = arith.constant 80 : i32
      %lt3A_107 = arith.cmpi slt, %add3A_105, %lt3A_106 : i32
      %convert_element_type3A_108 = arith.extui %lt3A_107 : i1 to i32
      %cond3A_109 = arith.constant 0 : i32
      %cond3A_110 = arith.cmpi ne, %convert_element_type3A_108, %cond3A_109 : i32
      scf.if %cond3A_110 {
        %add3A_111 = arith.constant 3 : i32
        %add3A_112 = arith.addi %add3A_83, %add3A_111 : i32
        %dma_start3A_113 = arith.constant 0 : i32
        %dma_start3A_114 = tpu.memref_slice %arg7[%add3A_112, %dma_start3A_113] : memref<80x128xi32, #tpu.memory_space<vmem>> -> memref<1x128xi32, #tpu.memory_space<vmem>>
        %dma_start3A_115 = tpu.memref_squeeze %dma_start3A_114 : memref<1x128xi32, #tpu.memory_space<vmem>> -> memref<128xi32, #tpu.memory_space<vmem>>
        %dma_start3A_116 = arith.constant 0 : i32
        %dma_start3A_117 = arith.constant 0 : i32
        %dma_start3A_118 = tpu.memref_slice %arg2[%dma_start3A_116, %dma_start3A_117] : memref<10000x128xf32, #tpu.memory_space<hbm>> -> memref<10000x128xf32, #tpu.memory_space<hbm>>
        tpu.enqueue_indirect_dma source(%dma_start3A_118 : memref<10000x128xf32, #tpu.memory_space<hbm>>) target(%arg10 : memref<128x128xf32, #tpu.memory_space<vmem>>) offsets(%dma_start3A_115 : memref<128xi32, #tpu.memory_space<vmem>>) semaphore(%arg13 : memref<!tpu.dma_semaphore, #tpu.memory_space<semaphore_mem>>)
      } else {
      }
    }
    %scan3A_69 = arith.constant 20 : i32
    %barrier3A_70 = arith.constant 0 : index
    tpu.barrier barrier_id(%barrier3A_70)
    %mul3A_71 = arith.constant 632 : i32
    %mul3A_72 = arith.muli %arg1, %mul3A_71 : i32
    %mul3A_73 = arith.constant 632 : i32
    %mul3A_74 = arith.muli %arg1, %mul3A_73 : i32
    "tpu.region"() ({
      %run_scoped3A = tpu.sem_alloc : memref<!tpu.dma_semaphore, #tpu.memory_space<semaphore_mem>>
      %dma_start3A_75 = arith.constant 0 : i32
      %dma_start3A_76 = tpu.memref_slice %arg6[%arg0, %mul3A_74, %dma_start3A_75] : memref<2x10112x128xf32, #tpu.memory_space<hbm>> -> memref<1x632x128xf32, #tpu.memory_space<hbm>>
      %dma_start3A_77 = tpu.memref_squeeze %dma_start3A_76 : memref<1x632x128xf32, #tpu.memory_space<hbm>> -> memref<632x128xf32, #tpu.memory_space<hbm>>
      %dma_start3A_78 = arith.constant 0 : i32
      %dma_start3A_79 = tpu.memref_slice %arg11[%mul3A_72, %dma_start3A_78] : memref<10112x128xf32, #tpu.memory_space<vmem_shared>> -> memref<632x128xf32, #tpu.memory_space<vmem_shared>>
      tpu.enqueue_dma source(%dma_start3A_79 : memref<632x128xf32, #tpu.memory_space<vmem_shared>>) target(%dma_start3A_77 : memref<632x128xf32, #tpu.memory_space<hbm>>) target_semaphore(%run_scoped3A : memref<!tpu.dma_semaphore, #tpu.memory_space<semaphore_mem>>)
      %dma_wait3A_80 = arith.constant 0 : i32
      %dma_wait3A_81 = tpu.memref_slice %arg6[%arg0, %mul3A_74, %dma_wait3A_80] : memref<2x10112x128xf32, #tpu.memory_space<hbm>> -> memref<1x632x128xf32, #tpu.memory_space<hbm>>
      %dma_wait3A_82 = tpu.memref_squeeze %dma_wait3A_81 : memref<1x632x128xf32, #tpu.memory_space<hbm>> -> memref<632x128xf32, #tpu.memory_space<hbm>>
      %dma_wait3A_83 = arith.constant 0 : i32
      %dma_wait3A_84 = tpu.memref_slice %arg11[%mul3A_72, %dma_wait3A_83] : memref<10112x128xf32, #tpu.memory_space<vmem_shared>> -> memref<632x128xf32, #tpu.memory_space<vmem_shared>>
      tpu.wait_dma2 semaphore(%run_scoped3A : memref<!tpu.dma_semaphore, #tpu.memory_space<semaphore_mem>>) src(%dma_wait3A_84 : memref<632x128xf32, #tpu.memory_space<vmem_shared>>) dst(%dma_wait3A_82 : memref<632x128xf32, #tpu.memory_space<hbm>>)
      tpu.yield
    }) : () -> ()
    return
  }
}

#map = affine_map<(d0, d1) -> (0, 0)>
#map1 = affine_map<(d0, d1) -> (0, 0, 0)>
module attributes {stable_mosaic.version = 14 : i64} {
  func.func @_sc_msg(%arg0: i32, %arg1: i32, %arg2: memref<10000x128xf32, #tpu.memory_space<hbm>>, %arg3: memref<32x80x128xi32, #tpu.memory_space<hbm>>, %arg4: memref<32x80x128xi32, #tpu.memory_space<hbm>>, %arg5: memref<10112x128xf32, #tpu.memory_space<hbm>>, %arg6: memref<2x10112x128xf32, #tpu.memory_space<hbm>>, %arg7: memref<80x128xi32, #tpu.memory_space<vmem>>, %arg8: memref<40x128xi32, #tpu.memory_space<vmem>>, %arg9: memref<128x128xf32, #tpu.memory_space<vmem>>, %arg10: memref<128x128xf32, #tpu.memory_space<vmem>>, %arg11: memref<10112x128xf32, #tpu.memory_space<vmem_shared>>, %arg12: memref<!tpu.dma_semaphore, #tpu.memory_space<semaphore_mem>>, %arg13: memref<!tpu.dma_semaphore, #tpu.memory_space<semaphore_mem>>, %arg14: memref<!tpu.dma_semaphore, #tpu.memory_space<semaphore_mem>>) attributes {dimension_semantics = [#tpu.dimension_semantics<core_parallel>, #tpu.dimension_semantics<subcore_parallel>], iteration_bounds = array<i64: 2, 16>, scalar_prefetch = 0 : i64, scratch_operands = 8 : i64, tpu.core_type = #tpu.core_type<sc_vector_subcore>, window_params = [{transform_indices = #map}, {transform_indices = #map1}, {transform_indices = #map1}, {transform_indices = #map}, {transform_indices = #map1}]} {
    %mul3A = arith.constant 2 : i32
    %mul3A_0 = arith.muli %arg1, %mul3A : i32
    %add3A = arith.addi %mul3A_0, %arg0 : i32
    %mul3A_1 = arith.constant 632 : i32
    %mul3A_2 = arith.muli %arg1, %mul3A_1 : i32
    %mul3A_3 = arith.constant 632 : i32
    %mul3A_4 = arith.muli %arg1, %mul3A_3 : i32
    %dma_start3A = arith.constant 0 : i32
    %dma_start3A_5 = tpu.memref_slice %arg11[%mul3A_4, %dma_start3A] : memref<10112x128xf32, #tpu.memory_space<vmem_shared>> -> memref<632x128xf32, #tpu.memory_space<vmem_shared>>
    %dma_start3A_6 = arith.constant 0 : i32
    %dma_start3A_7 = tpu.memref_slice %arg5[%mul3A_2, %dma_start3A_6] : memref<10112x128xf32, #tpu.memory_space<hbm>> -> memref<632x128xf32, #tpu.memory_space<hbm>>
    tpu.enqueue_dma source(%dma_start3A_7 : memref<632x128xf32, #tpu.memory_space<hbm>>) target(%dma_start3A_5 : memref<632x128xf32, #tpu.memory_space<vmem_shared>>) target_semaphore(%arg14 : memref<!tpu.dma_semaphore, #tpu.memory_space<semaphore_mem>>)
    %dma_start3A_8 = arith.constant 0 : i32
    %dma_start3A_9 = arith.constant 0 : i32
    %dma_start3A_10 = tpu.memref_slice %arg3[%add3A, %dma_start3A_8, %dma_start3A_9] : memref<32x80x128xi32, #tpu.memory_space<hbm>> -> memref<1x80x128xi32, #tpu.memory_space<hbm>>
    %dma_start3A_11 = tpu.memref_squeeze %dma_start3A_10 : memref<1x80x128xi32, #tpu.memory_space<hbm>> -> memref<80x128xi32, #tpu.memory_space<hbm>>
    %dma_start3A_12 = arith.constant 0 : i32
    %dma_start3A_13 = arith.constant 0 : i32
    %dma_start3A_14 = tpu.memref_slice %arg3[%add3A, %dma_start3A_12, %dma_start3A_13] : memref<32x80x128xi32, #tpu.memory_space<hbm>> -> memref<1x80x128xi32, #tpu.memory_space<hbm>>
    %dma_start3A_15 = tpu.memref_squeeze %dma_start3A_14 : memref<1x80x128xi32, #tpu.memory_space<hbm>> -> memref<80x128xi32, #tpu.memory_space<hbm>>
    tpu.enqueue_dma source(%dma_start3A_15 : memref<80x128xi32, #tpu.memory_space<hbm>>) target(%arg7 : memref<80x128xi32, #tpu.memory_space<vmem>>) target_semaphore(%arg12 : memref<!tpu.dma_semaphore, #tpu.memory_space<semaphore_mem>>)
    %dma_start3A_16 = arith.constant 0 : i32
    %dma_start3A_17 = arith.constant 0 : i32
    %dma_start3A_18 = tpu.memref_slice %arg4[%add3A, %dma_start3A_16, %dma_start3A_17] : memref<32x80x128xi32, #tpu.memory_space<hbm>> -> memref<1x40x128xi32, #tpu.memory_space<hbm>>
    %dma_start3A_19 = tpu.memref_squeeze %dma_start3A_18 : memref<1x40x128xi32, #tpu.memory_space<hbm>> -> memref<40x128xi32, #tpu.memory_space<hbm>>
    %dma_start3A_20 = arith.constant 0 : i32
    %dma_start3A_21 = arith.constant 0 : i32
    %dma_start3A_22 = tpu.memref_slice %arg4[%add3A, %dma_start3A_20, %dma_start3A_21] : memref<32x80x128xi32, #tpu.memory_space<hbm>> -> memref<1x40x128xi32, #tpu.memory_space<hbm>>
    %dma_start3A_23 = tpu.memref_squeeze %dma_start3A_22 : memref<1x40x128xi32, #tpu.memory_space<hbm>> -> memref<40x128xi32, #tpu.memory_space<hbm>>
    tpu.enqueue_dma source(%dma_start3A_23 : memref<40x128xi32, #tpu.memory_space<hbm>>) target(%arg8 : memref<40x128xi32, #tpu.memory_space<vmem>>) target_semaphore(%arg13 : memref<!tpu.dma_semaphore, #tpu.memory_space<semaphore_mem>>)
    %dma_wait3A = arith.constant 0 : i32
    %dma_wait3A_24 = arith.constant 0 : i32
    %dma_wait3A_25 = tpu.memref_slice %arg3[%add3A, %dma_wait3A, %dma_wait3A_24] : memref<32x80x128xi32, #tpu.memory_space<hbm>> -> memref<1x80x128xi32, #tpu.memory_space<hbm>>
    %dma_wait3A_26 = tpu.memref_squeeze %dma_wait3A_25 : memref<1x80x128xi32, #tpu.memory_space<hbm>> -> memref<80x128xi32, #tpu.memory_space<hbm>>
    %dma_wait3A_27 = arith.constant 0 : i32
    %dma_wait3A_28 = arith.constant 0 : i32
    %dma_wait3A_29 = tpu.memref_slice %arg3[%add3A, %dma_wait3A_27, %dma_wait3A_28] : memref<32x80x128xi32, #tpu.memory_space<hbm>> -> memref<1x80x128xi32, #tpu.memory_space<hbm>>
    %dma_wait3A_30 = tpu.memref_squeeze %dma_wait3A_29 : memref<1x80x128xi32, #tpu.memory_space<hbm>> -> memref<80x128xi32, #tpu.memory_space<hbm>>
    tpu.wait_dma2 semaphore(%arg12 : memref<!tpu.dma_semaphore, #tpu.memory_space<semaphore_mem>>) src(%dma_wait3A_30 : memref<80x128xi32, #tpu.memory_space<hbm>>) dst(%arg7 : memref<80x128xi32, #tpu.memory_space<vmem>>)
    %dma_wait3A_31 = arith.constant 0 : i32
    %dma_wait3A_32 = arith.constant 0 : i32
    %dma_wait3A_33 = tpu.memref_slice %arg4[%add3A, %dma_wait3A_31, %dma_wait3A_32] : memref<32x80x128xi32, #tpu.memory_space<hbm>> -> memref<1x40x128xi32, #tpu.memory_space<hbm>>
    %dma_wait3A_34 = tpu.memref_squeeze %dma_wait3A_33 : memref<1x40x128xi32, #tpu.memory_space<hbm>> -> memref<40x128xi32, #tpu.memory_space<hbm>>
    %dma_wait3A_35 = arith.constant 0 : i32
    %dma_wait3A_36 = arith.constant 0 : i32
    %dma_wait3A_37 = tpu.memref_slice %arg4[%add3A, %dma_wait3A_35, %dma_wait3A_36] : memref<32x80x128xi32, #tpu.memory_space<hbm>> -> memref<1x40x128xi32, #tpu.memory_space<hbm>>
    %dma_wait3A_38 = tpu.memref_squeeze %dma_wait3A_37 : memref<1x40x128xi32, #tpu.memory_space<hbm>> -> memref<40x128xi32, #tpu.memory_space<hbm>>
    tpu.wait_dma2 semaphore(%arg13 : memref<!tpu.dma_semaphore, #tpu.memory_space<semaphore_mem>>) src(%dma_wait3A_38 : memref<40x128xi32, #tpu.memory_space<hbm>>) dst(%arg8 : memref<40x128xi32, #tpu.memory_space<vmem>>)
    %dma_start3A_39 = arith.constant 0 : i32
    %dma_start3A_40 = arith.constant 0 : i32
    %dma_start3A_41 = tpu.memref_slice %arg7[%dma_start3A_39, %dma_start3A_40] : memref<80x128xi32, #tpu.memory_space<vmem>> -> memref<1x128xi32, #tpu.memory_space<vmem>>
    %dma_start3A_42 = tpu.memref_squeeze %dma_start3A_41 : memref<1x128xi32, #tpu.memory_space<vmem>> -> memref<128xi32, #tpu.memory_space<vmem>>
    %dma_start3A_43 = arith.constant 0 : i32
    %dma_start3A_44 = arith.constant 0 : i32
    %dma_start3A_45 = tpu.memref_slice %arg2[%dma_start3A_43, %dma_start3A_44] : memref<10000x128xf32, #tpu.memory_space<hbm>> -> memref<10000x128xf32, #tpu.memory_space<hbm>>
    tpu.enqueue_indirect_dma source(%dma_start3A_45 : memref<10000x128xf32, #tpu.memory_space<hbm>>) target(%arg9 : memref<128x128xf32, #tpu.memory_space<vmem>>) offsets(%dma_start3A_42 : memref<128xi32, #tpu.memory_space<vmem>>) semaphore(%arg12 : memref<!tpu.dma_semaphore, #tpu.memory_space<semaphore_mem>>)
    %dma_start3A_46 = arith.constant 1 : i32
    %dma_start3A_47 = arith.constant 0 : i32
    %dma_start3A_48 = tpu.memref_slice %arg7[%dma_start3A_46, %dma_start3A_47] : memref<80x128xi32, #tpu.memory_space<vmem>> -> memref<1x128xi32, #tpu.memory_space<vmem>>
    %dma_start3A_49 = tpu.memref_squeeze %dma_start3A_48 : memref<1x128xi32, #tpu.memory_space<vmem>> -> memref<128xi32, #tpu.memory_space<vmem>>
    %dma_start3A_50 = arith.constant 0 : i32
    %dma_start3A_51 = arith.constant 0 : i32
    %dma_start3A_52 = tpu.memref_slice %arg2[%dma_start3A_50, %dma_start3A_51] : memref<10000x128xf32, #tpu.memory_space<hbm>> -> memref<10000x128xf32, #tpu.memory_space<hbm>>
    tpu.enqueue_indirect_dma source(%dma_start3A_52 : memref<10000x128xf32, #tpu.memory_space<hbm>>) target(%arg10 : memref<128x128xf32, #tpu.memory_space<vmem>>) offsets(%dma_start3A_49 : memref<128xi32, #tpu.memory_space<vmem>>) semaphore(%arg13 : memref<!tpu.dma_semaphore, #tpu.memory_space<semaphore_mem>>)
    %mul3A_53 = arith.constant 632 : i32
    %mul3A_54 = arith.muli %arg1, %mul3A_53 : i32
    %mul3A_55 = arith.constant 632 : i32
    %mul3A_56 = arith.muli %arg1, %mul3A_55 : i32
    %dma_wait3A_57 = arith.constant 0 : i32
    %dma_wait3A_58 = tpu.memref_slice %arg11[%mul3A_56, %dma_wait3A_57] : memref<10112x128xf32, #tpu.memory_space<vmem_shared>> -> memref<632x128xf32, #tpu.memory_space<vmem_shared>>
    %dma_wait3A_59 = arith.constant 0 : i32
    %dma_wait3A_60 = tpu.memref_slice %arg5[%mul3A_54, %dma_wait3A_59] : memref<10112x128xf32, #tpu.memory_space<hbm>> -> memref<632x128xf32, #tpu.memory_space<hbm>>
    tpu.wait_dma2 semaphore(%arg14 : memref<!tpu.dma_semaphore, #tpu.memory_space<semaphore_mem>>) src(%dma_wait3A_60 : memref<632x128xf32, #tpu.memory_space<hbm>>) dst(%dma_wait3A_58 : memref<632x128xf32, #tpu.memory_space<vmem_shared>>)
    %barrier3A = arith.constant 0 : index
    tpu.barrier barrier_id(%barrier3A)
    %scan3A = arith.constant 0 : i32
    %scan3A_61 = arith.constant 20 : i32
    %scan3A_62 = arith.addi %scan3A, %scan3A_61 : i32
    %scan3A_63 = arith.constant 1 : i32
    scf.for %scan3A_75 = %scan3A to %scan3A_62 step %scan3A_63  : i32 {
      %mul3A_76 = arith.constant 1 : i32
      %mul3A_77 = arith.muli %scan3A_75, %mul3A_76 : i32
      %add3A_78 = arith.constant 0 : i32
      %add3A_79 = arith.addi %add3A_78, %mul3A_77 : i32
      %mul3A_80 = arith.constant 2 : i32
      %mul3A_81 = arith.muli %mul3A_80, %add3A_79 : i32
      %add3A_82 = arith.constant 0 : i32
      %add3A_83 = arith.addi %add3A_82, %mul3A_81 : i32
      %mul3A_84 = arith.constant 2 : i32
      %mul3A_85 = arith.muli %mul3A_84, %add3A_79 : i32
      %dma_wait3A_86 = arith.constant 0 : i32
      %dma_wait3A_87 = arith.constant 0 : i32
      %dma_wait3A_88 = tpu.memref_slice %arg2[%dma_wait3A_86, %dma_wait3A_87] : memref<10000x128xf32, #tpu.memory_space<hbm>> -> memref<128x128xf32, #tpu.memory_space<hbm>>
      %dma_wait3A_89 = arith.constant 0 : i32
      %dma_wait3A_90 = arith.constant 0 : i32
      %dma_wait3A_91 = tpu.memref_slice %arg2[%dma_wait3A_89, %dma_wait3A_90] : memref<10000x128xf32, #tpu.memory_space<hbm>> -> memref<128x128xf32, #tpu.memory_space<hbm>>
      tpu.wait_dma2 semaphore(%arg12 : memref<!tpu.dma_semaphore, #tpu.memory_space<semaphore_mem>>) src(%dma_wait3A_91 : memref<128x128xf32, #tpu.memory_space<hbm>>) dst(%arg9 : memref<128x128xf32, #tpu.memory_space<vmem>>)
      "tpu.region"() ({
        %run_scoped3A = tpu.sem_alloc : memref<!tpu.dma_semaphore, #tpu.memory_space<semaphore_mem>>
        %dma_start3A_111 = arith.constant 0 : i32
        %dma_start3A_112 = tpu.memref_slice %arg8[%mul3A_85, %dma_start3A_111] : memref<40x128xi32, #tpu.memory_space<vmem>> -> memref<1x128xi32, #tpu.memory_space<vmem>>
        %dma_start3A_113 = tpu.memref_squeeze %dma_start3A_112 : memref<1x128xi32, #tpu.memory_space<vmem>> -> memref<128xi32, #tpu.memory_space<vmem>>
        %dma_start3A_114 = arith.constant 0 : i32
        %dma_start3A_115 = arith.constant 0 : i32
        %dma_start3A_116 = tpu.memref_slice %arg11[%dma_start3A_114, %dma_start3A_115] : memref<10112x128xf32, #tpu.memory_space<vmem_shared>> -> memref<10112x128xf32, #tpu.memory_space<vmem_shared>>
        tpu.enqueue_indirect_dma source(%arg9 : memref<128x128xf32, #tpu.memory_space<vmem>>) target(%dma_start3A_116 : memref<10112x128xf32, #tpu.memory_space<vmem_shared>>) offsets(%dma_start3A_113 : memref<128xi32, #tpu.memory_space<vmem>>) semaphore(%run_scoped3A : memref<!tpu.dma_semaphore, #tpu.memory_space<semaphore_mem>>) {add = true}
        %dma_wait3A_117 = arith.constant 0 : i32
        %dma_wait3A_118 = tpu.memref_slice %arg8[%mul3A_85, %dma_wait3A_117] : memref<40x128xi32, #tpu.memory_space<vmem>> -> memref<1x128xi32, #tpu.memory_space<vmem>>
        %dma_wait3A_119 = tpu.memref_squeeze %dma_wait3A_118 : memref<1x128xi32, #tpu.memory_space<vmem>> -> memref<128xi32, #tpu.memory_space<vmem>>
        %dma_wait3A_120 = arith.constant 0 : i32
        %dma_wait3A_121 = arith.constant 0 : i32
        %dma_wait3A_122 = tpu.memref_slice %arg11[%dma_wait3A_120, %dma_wait3A_121] : memref<10112x128xf32, #tpu.memory_space<vmem_shared>> -> memref<10112x128xf32, #tpu.memory_space<vmem_shared>>
        tpu.wait_indirect_dma semaphore(%run_scoped3A : memref<!tpu.dma_semaphore, #tpu.memory_space<semaphore_mem>>) src(%arg9 : memref<128x128xf32, #tpu.memory_space<vmem>>) dst(%dma_wait3A_122 : memref<10112x128xf32, #tpu.memory_space<vmem_shared>>)
        tpu.yield
      }) : () -> ()
      %add3A_92 = arith.constant 2 : i32
      %add3A_93 = arith.addi %add3A_83, %add3A_92 : i32
      %lt3A = arith.constant 80 : i32
      %lt3A_94 = arith.cmpi slt, %add3A_93, %lt3A : i32
      %convert_element_type3A = arith.extui %lt3A_94 : i1 to i32
      %cond3A = arith.constant 0 : i32
      %cond3A_95 = arith.cmpi ne, %convert_element_type3A, %cond3A : i32
      scf.if %cond3A_95 {
        %add3A_111 = arith.constant 2 : i32
        %add3A_112 = arith.addi %add3A_83, %add3A_111 : i32
        %dma_start3A_113 = arith.constant 0 : i32
        %dma_start3A_114 = tpu.memref_slice %arg7[%add3A_112, %dma_start3A_113] : memref<80x128xi32, #tpu.memory_space<vmem>> -> memref<1x128xi32, #tpu.memory_space<vmem>>
        %dma_start3A_115 = tpu.memref_squeeze %dma_start3A_114 : memref<1x128xi32, #tpu.memory_space<vmem>> -> memref<128xi32, #tpu.memory_space<vmem>>
        %dma_start3A_116 = arith.constant 0 : i32
        %dma_start3A_117 = arith.constant 0 : i32
        %dma_start3A_118 = tpu.memref_slice %arg2[%dma_start3A_116, %dma_start3A_117] : memref<10000x128xf32, #tpu.memory_space<hbm>> -> memref<10000x128xf32, #tpu.memory_space<hbm>>
        tpu.enqueue_indirect_dma source(%dma_start3A_118 : memref<10000x128xf32, #tpu.memory_space<hbm>>) target(%arg9 : memref<128x128xf32, #tpu.memory_space<vmem>>) offsets(%dma_start3A_115 : memref<128xi32, #tpu.memory_space<vmem>>) semaphore(%arg12 : memref<!tpu.dma_semaphore, #tpu.memory_space<semaphore_mem>>)
      } else {
      }
      %dma_wait3A_96 = arith.constant 0 : i32
      %dma_wait3A_97 = arith.constant 0 : i32
      %dma_wait3A_98 = tpu.memref_slice %arg2[%dma_wait3A_96, %dma_wait3A_97] : memref<10000x128xf32, #tpu.memory_space<hbm>> -> memref<128x128xf32, #tpu.memory_space<hbm>>
      %dma_wait3A_99 = arith.constant 0 : i32
      %dma_wait3A_100 = arith.constant 0 : i32
      %dma_wait3A_101 = tpu.memref_slice %arg2[%dma_wait3A_99, %dma_wait3A_100] : memref<10000x128xf32, #tpu.memory_space<hbm>> -> memref<128x128xf32, #tpu.memory_space<hbm>>
      tpu.wait_dma2 semaphore(%arg13 : memref<!tpu.dma_semaphore, #tpu.memory_space<semaphore_mem>>) src(%dma_wait3A_101 : memref<128x128xf32, #tpu.memory_space<hbm>>) dst(%arg10 : memref<128x128xf32, #tpu.memory_space<vmem>>)
      %add3A_102 = arith.constant 1 : i32
      %add3A_103 = arith.addi %mul3A_85, %add3A_102 : i32
      "tpu.region"() ({
        %run_scoped3A = tpu.sem_alloc : memref<!tpu.dma_semaphore, #tpu.memory_space<semaphore_mem>>
        %dma_start3A_111 = arith.constant 0 : i32
        %dma_start3A_112 = tpu.memref_slice %arg8[%add3A_103, %dma_start3A_111] : memref<40x128xi32, #tpu.memory_space<vmem>> -> memref<1x128xi32, #tpu.memory_space<vmem>>
        %dma_start3A_113 = tpu.memref_squeeze %dma_start3A_112 : memref<1x128xi32, #tpu.memory_space<vmem>> -> memref<128xi32, #tpu.memory_space<vmem>>
        %dma_start3A_114 = arith.constant 0 : i32
        %dma_start3A_115 = arith.constant 0 : i32
        %dma_start3A_116 = tpu.memref_slice %arg11[%dma_start3A_114, %dma_start3A_115] : memref<10112x128xf32, #tpu.memory_space<vmem_shared>> -> memref<10112x128xf32, #tpu.memory_space<vmem_shared>>
        tpu.enqueue_indirect_dma source(%arg10 : memref<128x128xf32, #tpu.memory_space<vmem>>) target(%dma_start3A_116 : memref<10112x128xf32, #tpu.memory_space<vmem_shared>>) offsets(%dma_start3A_113 : memref<128xi32, #tpu.memory_space<vmem>>) semaphore(%run_scoped3A : memref<!tpu.dma_semaphore, #tpu.memory_space<semaphore_mem>>) {add = true}
        %dma_wait3A_117 = arith.constant 0 : i32
        %dma_wait3A_118 = tpu.memref_slice %arg8[%add3A_103, %dma_wait3A_117] : memref<40x128xi32, #tpu.memory_space<vmem>> -> memref<1x128xi32, #tpu.memory_space<vmem>>
        %dma_wait3A_119 = tpu.memref_squeeze %dma_wait3A_118 : memref<1x128xi32, #tpu.memory_space<vmem>> -> memref<128xi32, #tpu.memory_space<vmem>>
        %dma_wait3A_120 = arith.constant 0 : i32
        %dma_wait3A_121 = arith.constant 0 : i32
        %dma_wait3A_122 = tpu.memref_slice %arg11[%dma_wait3A_120, %dma_wait3A_121] : memref<10112x128xf32, #tpu.memory_space<vmem_shared>> -> memref<10112x128xf32, #tpu.memory_space<vmem_shared>>
        tpu.wait_indirect_dma semaphore(%run_scoped3A : memref<!tpu.dma_semaphore, #tpu.memory_space<semaphore_mem>>) src(%arg10 : memref<128x128xf32, #tpu.memory_space<vmem>>) dst(%dma_wait3A_122 : memref<10112x128xf32, #tpu.memory_space<vmem_shared>>)
        tpu.yield
      }) : () -> ()
      %add3A_104 = arith.constant 3 : i32
      %add3A_105 = arith.addi %add3A_83, %add3A_104 : i32
      %lt3A_106 = arith.constant 80 : i32
      %lt3A_107 = arith.cmpi slt, %add3A_105, %lt3A_106 : i32
      %convert_element_type3A_108 = arith.extui %lt3A_107 : i1 to i32
      %cond3A_109 = arith.constant 0 : i32
      %cond3A_110 = arith.cmpi ne, %convert_element_type3A_108, %cond3A_109 : i32
      scf.if %cond3A_110 {
        %add3A_111 = arith.constant 3 : i32
        %add3A_112 = arith.addi %add3A_83, %add3A_111 : i32
        %dma_start3A_113 = arith.constant 0 : i32
        %dma_start3A_114 = tpu.memref_slice %arg7[%add3A_112, %dma_start3A_113] : memref<80x128xi32, #tpu.memory_space<vmem>> -> memref<1x128xi32, #tpu.memory_space<vmem>>
        %dma_start3A_115 = tpu.memref_squeeze %dma_start3A_114 : memref<1x128xi32, #tpu.memory_space<vmem>> -> memref<128xi32, #tpu.memory_space<vmem>>
        %dma_start3A_116 = arith.constant 0 : i32
        %dma_start3A_117 = arith.constant 0 : i32
        %dma_start3A_118 = tpu.memref_slice %arg2[%dma_start3A_116, %dma_start3A_117] : memref<10000x128xf32, #tpu.memory_space<hbm>> -> memref<10000x128xf32, #tpu.memory_space<hbm>>
        tpu.enqueue_indirect_dma source(%dma_start3A_118 : memref<10000x128xf32, #tpu.memory_space<hbm>>) target(%arg10 : memref<128x128xf32, #tpu.memory_space<vmem>>) offsets(%dma_start3A_115 : memref<128xi32, #tpu.memory_space<vmem>>) semaphore(%arg13 : memref<!tpu.dma_semaphore, #tpu.memory_space<semaphore_mem>>)
      } else {
      }
    }
    %scan3A_64 = arith.constant 20 : i32
    "tpu.region"() ({
      %run_scoped3A = tpu.sem_alloc : memref<!tpu.dma_semaphore, #tpu.memory_space<semaphore_mem>>
      %dma_start3A_75 = arith.constant 40 : i32
      %dma_start3A_76 = arith.constant 0 : i32
      %dma_start3A_77 = tpu.memref_slice %arg4[%add3A, %dma_start3A_75, %dma_start3A_76] : memref<32x80x128xi32, #tpu.memory_space<hbm>> -> memref<1x40x128xi32, #tpu.memory_space<hbm>>
      %dma_start3A_78 = tpu.memref_squeeze %dma_start3A_77 : memref<1x40x128xi32, #tpu.memory_space<hbm>> -> memref<40x128xi32, #tpu.memory_space<hbm>>
      %dma_start3A_79 = arith.constant 40 : i32
      %dma_start3A_80 = arith.constant 0 : i32
      %dma_start3A_81 = tpu.memref_slice %arg4[%add3A, %dma_start3A_79, %dma_start3A_80] : memref<32x80x128xi32, #tpu.memory_space<hbm>> -> memref<1x40x128xi32, #tpu.memory_space<hbm>>
      %dma_start3A_82 = tpu.memref_squeeze %dma_start3A_81 : memref<1x40x128xi32, #tpu.memory_space<hbm>> -> memref<40x128xi32, #tpu.memory_space<hbm>>
      tpu.enqueue_dma source(%dma_start3A_82 : memref<40x128xi32, #tpu.memory_space<hbm>>) target(%arg8 : memref<40x128xi32, #tpu.memory_space<vmem>>) target_semaphore(%run_scoped3A : memref<!tpu.dma_semaphore, #tpu.memory_space<semaphore_mem>>)
      %dma_wait3A_83 = arith.constant 40 : i32
      %dma_wait3A_84 = arith.constant 0 : i32
      %dma_wait3A_85 = tpu.memref_slice %arg4[%add3A, %dma_wait3A_83, %dma_wait3A_84] : memref<32x80x128xi32, #tpu.memory_space<hbm>> -> memref<1x40x128xi32, #tpu.memory_space<hbm>>
      %dma_wait3A_86 = tpu.memref_squeeze %dma_wait3A_85 : memref<1x40x128xi32, #tpu.memory_space<hbm>> -> memref<40x128xi32, #tpu.memory_space<hbm>>
      %dma_wait3A_87 = arith.constant 40 : i32
      %dma_wait3A_88 = arith.constant 0 : i32
      %dma_wait3A_89 = tpu.memref_slice %arg4[%add3A, %dma_wait3A_87, %dma_wait3A_88] : memref<32x80x128xi32, #tpu.memory_space<hbm>> -> memref<1x40x128xi32, #tpu.memory_space<hbm>>
      %dma_wait3A_90 = tpu.memref_squeeze %dma_wait3A_89 : memref<1x40x128xi32, #tpu.memory_space<hbm>> -> memref<40x128xi32, #tpu.memory_space<hbm>>
      tpu.wait_dma2 semaphore(%run_scoped3A : memref<!tpu.dma_semaphore, #tpu.memory_space<semaphore_mem>>) src(%dma_wait3A_90 : memref<40x128xi32, #tpu.memory_space<hbm>>) dst(%arg8 : memref<40x128xi32, #tpu.memory_space<vmem>>)
      tpu.yield
    }) : () -> ()
    %scan3A_65 = arith.constant 0 : i32
    %scan3A_66 = arith.constant 20 : i32
    %scan3A_67 = arith.addi %scan3A_65, %scan3A_66 : i32
    %scan3A_68 = arith.constant 1 : i32
    scf.for %scan3A_75 = %scan3A_65 to %scan3A_67 step %scan3A_68  : i32 {
      %mul3A_76 = arith.constant 1 : i32
      %mul3A_77 = arith.muli %scan3A_75, %mul3A_76 : i32
      %add3A_78 = arith.constant 0 : i32
      %add3A_79 = arith.addi %add3A_78, %mul3A_77 : i32
      %mul3A_80 = arith.constant 2 : i32
      %mul3A_81 = arith.muli %mul3A_80, %add3A_79 : i32
      %add3A_82 = arith.constant 40 : i32
      %add3A_83 = arith.addi %add3A_82, %mul3A_81 : i32
      %mul3A_84 = arith.constant 2 : i32
      %mul3A_85 = arith.muli %mul3A_84, %add3A_79 : i32
      %dma_wait3A_86 = arith.constant 0 : i32
      %dma_wait3A_87 = arith.constant 0 : i32
      %dma_wait3A_88 = tpu.memref_slice %arg2[%dma_wait3A_86, %dma_wait3A_87] : memref<10000x128xf32, #tpu.memory_space<hbm>> -> memref<128x128xf32, #tpu.memory_space<hbm>>
      %dma_wait3A_89 = arith.constant 0 : i32
      %dma_wait3A_90 = arith.constant 0 : i32
      %dma_wait3A_91 = tpu.memref_slice %arg2[%dma_wait3A_89, %dma_wait3A_90] : memref<10000x128xf32, #tpu.memory_space<hbm>> -> memref<128x128xf32, #tpu.memory_space<hbm>>
      tpu.wait_dma2 semaphore(%arg12 : memref<!tpu.dma_semaphore, #tpu.memory_space<semaphore_mem>>) src(%dma_wait3A_91 : memref<128x128xf32, #tpu.memory_space<hbm>>) dst(%arg9 : memref<128x128xf32, #tpu.memory_space<vmem>>)
      "tpu.region"() ({
        %run_scoped3A = tpu.sem_alloc : memref<!tpu.dma_semaphore, #tpu.memory_space<semaphore_mem>>
        %dma_start3A_111 = arith.constant 0 : i32
        %dma_start3A_112 = tpu.memref_slice %arg8[%mul3A_85, %dma_start3A_111] : memref<40x128xi32, #tpu.memory_space<vmem>> -> memref<1x128xi32, #tpu.memory_space<vmem>>
        %dma_start3A_113 = tpu.memref_squeeze %dma_start3A_112 : memref<1x128xi32, #tpu.memory_space<vmem>> -> memref<128xi32, #tpu.memory_space<vmem>>
        %dma_start3A_114 = arith.constant 0 : i32
        %dma_start3A_115 = arith.constant 0 : i32
        %dma_start3A_116 = tpu.memref_slice %arg11[%dma_start3A_114, %dma_start3A_115] : memref<10112x128xf32, #tpu.memory_space<vmem_shared>> -> memref<10112x128xf32, #tpu.memory_space<vmem_shared>>
        tpu.enqueue_indirect_dma source(%arg9 : memref<128x128xf32, #tpu.memory_space<vmem>>) target(%dma_start3A_116 : memref<10112x128xf32, #tpu.memory_space<vmem_shared>>) offsets(%dma_start3A_113 : memref<128xi32, #tpu.memory_space<vmem>>) semaphore(%run_scoped3A : memref<!tpu.dma_semaphore, #tpu.memory_space<semaphore_mem>>) {add = true}
        %dma_wait3A_117 = arith.constant 0 : i32
        %dma_wait3A_118 = tpu.memref_slice %arg8[%mul3A_85, %dma_wait3A_117] : memref<40x128xi32, #tpu.memory_space<vmem>> -> memref<1x128xi32, #tpu.memory_space<vmem>>
        %dma_wait3A_119 = tpu.memref_squeeze %dma_wait3A_118 : memref<1x128xi32, #tpu.memory_space<vmem>> -> memref<128xi32, #tpu.memory_space<vmem>>
        %dma_wait3A_120 = arith.constant 0 : i32
        %dma_wait3A_121 = arith.constant 0 : i32
        %dma_wait3A_122 = tpu.memref_slice %arg11[%dma_wait3A_120, %dma_wait3A_121] : memref<10112x128xf32, #tpu.memory_space<vmem_shared>> -> memref<10112x128xf32, #tpu.memory_space<vmem_shared>>
        tpu.wait_indirect_dma semaphore(%run_scoped3A : memref<!tpu.dma_semaphore, #tpu.memory_space<semaphore_mem>>) src(%arg9 : memref<128x128xf32, #tpu.memory_space<vmem>>) dst(%dma_wait3A_122 : memref<10112x128xf32, #tpu.memory_space<vmem_shared>>)
        tpu.yield
      }) : () -> ()
      %add3A_92 = arith.constant 2 : i32
      %add3A_93 = arith.addi %add3A_83, %add3A_92 : i32
      %lt3A = arith.constant 80 : i32
      %lt3A_94 = arith.cmpi slt, %add3A_93, %lt3A : i32
      %convert_element_type3A = arith.extui %lt3A_94 : i1 to i32
      %cond3A = arith.constant 0 : i32
      %cond3A_95 = arith.cmpi ne, %convert_element_type3A, %cond3A : i32
      scf.if %cond3A_95 {
        %add3A_111 = arith.constant 2 : i32
        %add3A_112 = arith.addi %add3A_83, %add3A_111 : i32
        %dma_start3A_113 = arith.constant 0 : i32
        %dma_start3A_114 = tpu.memref_slice %arg7[%add3A_112, %dma_start3A_113] : memref<80x128xi32, #tpu.memory_space<vmem>> -> memref<1x128xi32, #tpu.memory_space<vmem>>
        %dma_start3A_115 = tpu.memref_squeeze %dma_start3A_114 : memref<1x128xi32, #tpu.memory_space<vmem>> -> memref<128xi32, #tpu.memory_space<vmem>>
        %dma_start3A_116 = arith.constant 0 : i32
        %dma_start3A_117 = arith.constant 0 : i32
        %dma_start3A_118 = tpu.memref_slice %arg2[%dma_start3A_116, %dma_start3A_117] : memref<10000x128xf32, #tpu.memory_space<hbm>> -> memref<10000x128xf32, #tpu.memory_space<hbm>>
        tpu.enqueue_indirect_dma source(%dma_start3A_118 : memref<10000x128xf32, #tpu.memory_space<hbm>>) target(%arg9 : memref<128x128xf32, #tpu.memory_space<vmem>>) offsets(%dma_start3A_115 : memref<128xi32, #tpu.memory_space<vmem>>) semaphore(%arg12 : memref<!tpu.dma_semaphore, #tpu.memory_space<semaphore_mem>>)
      } else {
      }
      %dma_wait3A_96 = arith.constant 0 : i32
      %dma_wait3A_97 = arith.constant 0 : i32
      %dma_wait3A_98 = tpu.memref_slice %arg2[%dma_wait3A_96, %dma_wait3A_97] : memref<10000x128xf32, #tpu.memory_space<hbm>> -> memref<128x128xf32, #tpu.memory_space<hbm>>
      %dma_wait3A_99 = arith.constant 0 : i32
      %dma_wait3A_100 = arith.constant 0 : i32
      %dma_wait3A_101 = tpu.memref_slice %arg2[%dma_wait3A_99, %dma_wait3A_100] : memref<10000x128xf32, #tpu.memory_space<hbm>> -> memref<128x128xf32, #tpu.memory_space<hbm>>
      tpu.wait_dma2 semaphore(%arg13 : memref<!tpu.dma_semaphore, #tpu.memory_space<semaphore_mem>>) src(%dma_wait3A_101 : memref<128x128xf32, #tpu.memory_space<hbm>>) dst(%arg10 : memref<128x128xf32, #tpu.memory_space<vmem>>)
      %add3A_102 = arith.constant 1 : i32
      %add3A_103 = arith.addi %mul3A_85, %add3A_102 : i32
      "tpu.region"() ({
        %run_scoped3A = tpu.sem_alloc : memref<!tpu.dma_semaphore, #tpu.memory_space<semaphore_mem>>
        %dma_start3A_111 = arith.constant 0 : i32
        %dma_start3A_112 = tpu.memref_slice %arg8[%add3A_103, %dma_start3A_111] : memref<40x128xi32, #tpu.memory_space<vmem>> -> memref<1x128xi32, #tpu.memory_space<vmem>>
        %dma_start3A_113 = tpu.memref_squeeze %dma_start3A_112 : memref<1x128xi32, #tpu.memory_space<vmem>> -> memref<128xi32, #tpu.memory_space<vmem>>
        %dma_start3A_114 = arith.constant 0 : i32
        %dma_start3A_115 = arith.constant 0 : i32
        %dma_start3A_116 = tpu.memref_slice %arg11[%dma_start3A_114, %dma_start3A_115] : memref<10112x128xf32, #tpu.memory_space<vmem_shared>> -> memref<10112x128xf32, #tpu.memory_space<vmem_shared>>
        tpu.enqueue_indirect_dma source(%arg10 : memref<128x128xf32, #tpu.memory_space<vmem>>) target(%dma_start3A_116 : memref<10112x128xf32, #tpu.memory_space<vmem_shared>>) offsets(%dma_start3A_113 : memref<128xi32, #tpu.memory_space<vmem>>) semaphore(%run_scoped3A : memref<!tpu.dma_semaphore, #tpu.memory_space<semaphore_mem>>) {add = true}
        %dma_wait3A_117 = arith.constant 0 : i32
        %dma_wait3A_118 = tpu.memref_slice %arg8[%add3A_103, %dma_wait3A_117] : memref<40x128xi32, #tpu.memory_space<vmem>> -> memref<1x128xi32, #tpu.memory_space<vmem>>
        %dma_wait3A_119 = tpu.memref_squeeze %dma_wait3A_118 : memref<1x128xi32, #tpu.memory_space<vmem>> -> memref<128xi32, #tpu.memory_space<vmem>>
        %dma_wait3A_120 = arith.constant 0 : i32
        %dma_wait3A_121 = arith.constant 0 : i32
        %dma_wait3A_122 = tpu.memref_slice %arg11[%dma_wait3A_120, %dma_wait3A_121] : memref<10112x128xf32, #tpu.memory_space<vmem_shared>> -> memref<10112x128xf32, #tpu.memory_space<vmem_shared>>
        tpu.wait_indirect_dma semaphore(%run_scoped3A : memref<!tpu.dma_semaphore, #tpu.memory_space<semaphore_mem>>) src(%arg10 : memref<128x128xf32, #tpu.memory_space<vmem>>) dst(%dma_wait3A_122 : memref<10112x128xf32, #tpu.memory_space<vmem_shared>>)
        tpu.yield
      }) : () -> ()
      %add3A_104 = arith.constant 3 : i32
      %add3A_105 = arith.addi %add3A_83, %add3A_104 : i32
      %lt3A_106 = arith.constant 80 : i32
      %lt3A_107 = arith.cmpi slt, %add3A_105, %lt3A_106 : i32
      %convert_element_type3A_108 = arith.extui %lt3A_107 : i1 to i32
      %cond3A_109 = arith.constant 0 : i32
      %cond3A_110 = arith.cmpi ne, %convert_element_type3A_108, %cond3A_109 : i32
      scf.if %cond3A_110 {
        %add3A_111 = arith.constant 3 : i32
        %add3A_112 = arith.addi %add3A_83, %add3A_111 : i32
        %dma_start3A_113 = arith.constant 0 : i32
        %dma_start3A_114 = tpu.memref_slice %arg7[%add3A_112, %dma_start3A_113] : memref<80x128xi32, #tpu.memory_space<vmem>> -> memref<1x128xi32, #tpu.memory_space<vmem>>
        %dma_start3A_115 = tpu.memref_squeeze %dma_start3A_114 : memref<1x128xi32, #tpu.memory_space<vmem>> -> memref<128xi32, #tpu.memory_space<vmem>>
        %dma_start3A_116 = arith.constant 0 : i32
        %dma_start3A_117 = arith.constant 0 : i32
        %dma_start3A_118 = tpu.memref_slice %arg2[%dma_start3A_116, %dma_start3A_117] : memref<10000x128xf32, #tpu.memory_space<hbm>> -> memref<10000x128xf32, #tpu.memory_space<hbm>>
        tpu.enqueue_indirect_dma source(%dma_start3A_118 : memref<10000x128xf32, #tpu.memory_space<hbm>>) target(%arg10 : memref<128x128xf32, #tpu.memory_space<vmem>>) offsets(%dma_start3A_115 : memref<128xi32, #tpu.memory_space<vmem>>) semaphore(%arg13 : memref<!tpu.dma_semaphore, #tpu.memory_space<semaphore_mem>>)
      } else {
      }
    }
    %scan3A_69 = arith.constant 20 : i32
    %barrier3A_70 = arith.constant 0 : index
    tpu.barrier barrier_id(%barrier3A_70)
    %mul3A_71 = arith.constant 632 : i32
    %mul3A_72 = arith.muli %arg1, %mul3A_71 : i32
    %mul3A_73 = arith.constant 632 : i32
    %mul3A_74 = arith.muli %arg1, %mul3A_73 : i32
    "tpu.region"() ({
      %run_scoped3A = tpu.sem_alloc : memref<!tpu.dma_semaphore, #tpu.memory_space<semaphore_mem>>
      %dma_start3A_75 = arith.constant 0 : i32
      %dma_start3A_76 = tpu.memref_slice %arg6[%arg0, %mul3A_74, %dma_start3A_75] : memref<2x10112x128xf32, #tpu.memory_space<hbm>> -> memref<1x632x128xf32, #tpu.memory_space<hbm>>
      %dma_start3A_77 = tpu.memref_squeeze %dma_start3A_76 : memref<1x632x128xf32, #tpu.memory_space<hbm>> -> memref<632x128xf32, #tpu.memory_space<hbm>>
      %dma_start3A_78 = arith.constant 0 : i32
      %dma_start3A_79 = tpu.memref_slice %arg11[%mul3A_72, %dma_start3A_78] : memref<10112x128xf32, #tpu.memory_space<vmem_shared>> -> memref<632x128xf32, #tpu.memory_space<vmem_shared>>
      tpu.enqueue_dma source(%dma_start3A_79 : memref<632x128xf32, #tpu.memory_space<vmem_shared>>) target(%dma_start3A_77 : memref<632x128xf32, #tpu.memory_space<hbm>>) target_semaphore(%run_scoped3A : memref<!tpu.dma_semaphore, #tpu.memory_space<semaphore_mem>>)
      %dma_wait3A_80 = arith.constant 0 : i32
      %dma_wait3A_81 = tpu.memref_slice %arg6[%arg0, %mul3A_74, %dma_wait3A_80] : memref<2x10112x128xf32, #tpu.memory_space<hbm>> -> memref<1x632x128xf32, #tpu.memory_space<hbm>>
      %dma_wait3A_82 = tpu.memref_squeeze %dma_wait3A_81 : memref<1x632x128xf32, #tpu.memory_space<hbm>> -> memref<632x128xf32, #tpu.memory_space<hbm>>
      %dma_wait3A_83 = arith.constant 0 : i32
      %dma_wait3A_84 = tpu.memref_slice %arg11[%mul3A_72, %dma_wait3A_83] : memref<10112x128xf32, #tpu.memory_space<vmem_shared>> -> memref<632x128xf32, #tpu.memory_space<vmem_shared>>
      tpu.wait_dma2 semaphore(%run_scoped3A : memref<!tpu.dma_semaphore, #tpu.memory_space<semaphore_mem>>) src(%dma_wait3A_84 : memref<632x128xf32, #tpu.memory_space<vmem_shared>>) dst(%dma_wait3A_82 : memref<632x128xf32, #tpu.memory_space<hbm>>)
      tpu.yield
    }) : () -> ()
    return
  }
}

module attributes {stable_mosaic.version = 14 : i64} {
  func.func @_mm_body(%arg0: i32, %arg1: memref<1000x128xf32, #tpu.memory_space<vmem>>, %arg2: memref<128x128xf32, #tpu.memory_space<vmem>>, %arg3: memref<1000x128xf32, #tpu.memory_space<vmem>>) attributes {dimension_semantics = [#tpu.dimension_semantics<arbitrary>], iteration_bounds = array<i64: 10>, scalar_prefetch = 0 : i64, scratch_operands = 0 : i64, tpu.core_type = #tpu.core_type<tc>, window_params = [{transform_indices = @transform_0, window_bounds = array<i64: 1000, 128>}, {pipeline_mode = #tpu.pipeline_mode<synchronous>, transform_indices = @transform_1, window_bounds = array<i64: 128, 128>}, {transform_indices = @transform_2, window_bounds = array<i64: 1000, 128>}]} {
    %get3A = arith.constant 0 : index
    %get3A_0 = arith.constant 0 : index
    %get3A_1 = vector.load %arg1[%get3A, %get3A_0] : memref<1000x128xf32, #tpu.memory_space<vmem>>, vector<1000x128xf32>
    %get3A_2 = arith.constant 0 : index
    %get3A_3 = arith.constant 0 : index
    %get3A_4 = vector.load %arg2[%get3A_2, %get3A_3] : memref<128x128xf32, #tpu.memory_space<vmem>>, vector<128x128xf32>
    %dot_general3A = arith.constant dense<0.000000e+00> : vector<1000x128xf32>
    %dot_general3A_5 = tpu.matmul %get3A_1, %get3A_4, %dot_general3A {dimension_numbers = #tpu.dot_dimension_numbers<[1], [0], [0], [1], [0, 0, 1, 1], [], []>, transpose_lhs_hint = false} : vector<1000x128xf32>, vector<128x128xf32>, vector<1000x128xf32> -> vector<1000x128xf32>
    %swap3A = arith.constant 0 : index
    %swap3A_6 = arith.constant 0 : index
    %swap3A_7 = vector.load %arg3[%swap3A, %swap3A_6] : memref<1000x128xf32, #tpu.memory_space<vmem>>, vector<1000x128xf32>
    tpu.vector_store %arg3[%swap3A, %swap3A_6], %dot_general3A_5 {strides = array<i32>} : memref<1000x128xf32, #tpu.memory_space<vmem>>, vector<1000x128xf32>,
    return
  }
  func.func @transform_0(%arg0: i32) -> (i32, i32) {
    %c0_i32 = arith.constant 0 : i32
    %c0_i32_0 = arith.constant 0 : i32
    return %arg0, %c0_i32 : i32, i32
  }
  func.func @transform_1(%arg0: i32) -> (i32, i32) {
    %c0_i32 = arith.constant 0 : i32
    %c0_i32_0 = arith.constant 0 : i32
    %c0_i32_1 = arith.constant 0 : i32
    return %c0_i32, %c0_i32_0 : i32, i32
  }
  func.func @transform_2(%arg0: i32) -> (i32, i32) {
    %c0_i32 = arith.constant 0 : i32
    %c0_i32_0 = arith.constant 0 : i32
    return %arg0, %c0_i32 : i32, i32
  }
}

module attributes {stable_mosaic.version = 14 : i64} {
  func.func @_prep_body(%arg0: i32, %arg1: memref<1000x128xf32, #tpu.memory_space<vmem>>, %arg2: memref<1000x128xf32, #tpu.memory_space<vmem>>, %arg3: memref<1000x128xf32, #tpu.memory_space<vmem>>, %arg4: memref<1000x16xf32, #tpu.memory_space<vmem>>, %arg5: memref<1000x128xf32, #tpu.memory_space<vmem>>) attributes {dimension_semantics = [#tpu.dimension_semantics<arbitrary>], iteration_bounds = array<i64: 10>, scalar_prefetch = 0 : i64, scratch_operands = 0 : i64, tpu.core_type = #tpu.core_type<tc>, window_params = [{transform_indices = @transform_0, window_bounds = array<i64: 1000, 128>}, {transform_indices = @transform_1, window_bounds = array<i64: 1000, 128>}, {transform_indices = @transform_2, window_bounds = array<i64: 1000, 128>}, {transform_indices = @transform_3, window_bounds = array<i64: 1000, 16>}, {transform_indices = @transform_4, window_bounds = array<i64: 1000, 128>}]} {
    %get3A = arith.constant 0 : index
    %get3A_0 = arith.constant 0 : index
    %get3A_1 = vector.load %arg1[%get3A, %get3A_0] : memref<1000x128xf32, #tpu.memory_space<vmem>>, vector<1000x128xf32>
    %slice3A = vector.extract_strided_slice %get3A_1 {offsets = [0, 0], sizes = [1000, 1], strides = [1, 1]} : vector<1000x128xf32> to vector<1000x1xf32>
    %get3A_2 = arith.constant 0 : index
    %get3A_3 = arith.constant 0 : index
    %get3A_4 = vector.load %arg2[%get3A_2, %get3A_3] : memref<1000x128xf32, #tpu.memory_space<vmem>>, vector<1000x128xf32>
    %slice3A_5 = vector.extract_strided_slice %get3A_4 {offsets = [0, 0], sizes = [1000, 1], strides = [1, 1]} : vector<1000x128xf32> to vector<1000x1xf32>
    %add3A = arith.addf %slice3A, %slice3A_5 : vector<1000x1xf32>
    %add3A_6 = arith.constant 1.000000e+00 : f32
    %add3A_7 = vector.broadcast %add3A_6 : f32 to vector<1000x1xf32>
    %add3A_8 = arith.addf %add3A, %add3A_7 : vector<1000x1xf32>
    %rsqrt3A = math.rsqrt %add3A_8 : vector<1000x1xf32>
    %broadcast_in_dim3A = vector.shape_cast %rsqrt3A : vector<1000x1xf32> to vector<1000x1xf32>
    %broadcast_in_dim3A_9 = vector.broadcast %broadcast_in_dim3A : vector<1000x1xf32> to vector<1000x16xf32>
    %swap3A = arith.constant 0 : index
    %swap3A_10 = arith.constant 0 : index
    %swap3A_11 = vector.load %arg4[%swap3A, %swap3A_10] : memref<1000x16xf32, #tpu.memory_space<vmem>>, vector<1000x16xf32>
    tpu.vector_store %arg4[%swap3A, %swap3A_10], %broadcast_in_dim3A_9 {strides = array<i32>} : memref<1000x16xf32, #tpu.memory_space<vmem>>, vector<1000x16xf32>,
    %get3A_12 = arith.constant 0 : index
    %get3A_13 = arith.constant 0 : index
    %get3A_14 = vector.load %arg3[%get3A_12, %get3A_13] : memref<1000x128xf32, #tpu.memory_space<vmem>>, vector<1000x128xf32>
    %mul3A = vector.broadcast %rsqrt3A : vector<1000x1xf32> to vector<1000x128xf32>
    %mul3A_15 = arith.mulf %get3A_14, %mul3A : vector<1000x128xf32>
    %swap3A_16 = arith.constant 0 : index
    %swap3A_17 = arith.constant 0 : index
    %swap3A_18 = vector.load %arg5[%swap3A_16, %swap3A_17] : memref<1000x128xf32, #tpu.memory_space<vmem>>, vector<1000x128xf32>
    tpu.vector_store %arg5[%swap3A_16, %swap3A_17], %mul3A_15 {strides = array<i32>} : memref<1000x128xf32, #tpu.memory_space<vmem>>, vector<1000x128xf32>,
    return
  }
  func.func @transform_0(%arg0: i32) -> (i32, i32) {
    %c0_i32 = arith.constant 0 : i32
    %c0_i32_0 = arith.constant 0 : i32
    return %arg0, %c0_i32 : i32, i32
  }
  func.func @transform_1(%arg0: i32) -> (i32, i32) {
    %c0_i32 = arith.constant 0 : i32
    %c0_i32_0 = arith.constant 0 : i32
    return %arg0, %c0_i32 : i32, i32
  }
  func.func @transform_2(%arg0: i32) -> (i32, i32) {
    %c0_i32 = arith.constant 0 : i32
    %c0_i32_0 = arith.constant 0 : i32
    return %arg0, %c0_i32 : i32, i32
  }
  func.func @transform_3(%arg0: i32) -> (i32, i32) {
    %c0_i32 = arith.constant 0 : i32
    %c0_i32_0 = arith.constant 0 : i32
    return %arg0, %c0_i32 : i32, i32
  }
  func.func @transform_4(%arg0: i32) -> (i32, i32) {
    %c0_i32 = arith.constant 0 : i32
    %c0_i32_0 = arith.constant 0 : i32
    return %arg0, %c0_i32 : i32, i32
  }
}

module attributes {stable_mosaic.version = 14 : i64} {
  func.func @_layer_body(%arg0: i32, %arg1: memref<1000x128xf32, #tpu.memory_space<vmem>>, %arg2: memref<1000x128xf32, #tpu.memory_space<vmem>>, %arg3: memref<1000x128xf32, #tpu.memory_space<vmem>>, %arg4: memref<1000x16xf32, #tpu.memory_space<vmem>>, %arg5: memref<1x128xf32, #tpu.memory_space<vmem>>, %arg6: memref<128x128xf32, #tpu.memory_space<vmem>>, %arg7: memref<1000x128xf32, #tpu.memory_space<vmem>>) attributes {dimension_semantics = [#tpu.dimension_semantics<arbitrary>], iteration_bounds = array<i64: 10>, scalar_prefetch = 0 : i64, scratch_operands = 0 : i64, tpu.core_type = #tpu.core_type<tc>, window_params = [{transform_indices = @transform_0, window_bounds = array<i64: 1000, 128>}, {transform_indices = @transform_1, window_bounds = array<i64: 1000, 128>}, {transform_indices = @transform_2, window_bounds = array<i64: 1000, 128>}, {transform_indices = @transform_3, window_bounds = array<i64: 1000, 16>}, {pipeline_mode = #tpu.pipeline_mode<synchronous>, transform_indices = @transform_4, window_bounds = array<i64: 1, 128>}, {pipeline_mode = #tpu.pipeline_mode<synchronous>, transform_indices = @transform_5, window_bounds = array<i64: 128, 128>}, {transform_indices = @transform_6, window_bounds = array<i64: 1000, 128>}]} {
    %get3A = arith.constant 0 : index
    %get3A_0 = arith.constant 0 : index
    %get3A_1 = vector.load %arg4[%get3A, %get3A_0] : memref<1000x16xf32, #tpu.memory_space<vmem>>, vector<1000x16xf32>
    %slice3A = vector.extract_strided_slice %get3A_1 {offsets = [0, 0], sizes = [1000, 1], strides = [1, 1]} : vector<1000x16xf32> to vector<1000x1xf32>
    %get3A_2 = arith.constant 0 : index
    %get3A_3 = arith.constant 0 : index
    %get3A_4 = vector.load %arg1[%get3A_2, %get3A_3] : memref<1000x128xf32, #tpu.memory_space<vmem>>, vector<1000x128xf32>
    %get3A_5 = arith.constant 0 : index
    %get3A_6 = arith.constant 0 : index
    %get3A_7 = vector.load %arg2[%get3A_5, %get3A_6] : memref<1000x128xf32, #tpu.memory_space<vmem>>, vector<1000x128xf32>
    %add3A = arith.addf %get3A_4, %get3A_7 : vector<1000x128xf32>
    %get3A_8 = arith.constant 0 : index
    %get3A_9 = arith.constant 0 : index
    %get3A_10 = vector.load %arg3[%get3A_8, %get3A_9] : memref<1000x128xf32, #tpu.memory_space<vmem>>, vector<1000x128xf32>
    %add3A_11 = arith.addf %add3A, %get3A_10 : vector<1000x128xf32>
    %mul3A = vector.broadcast %slice3A : vector<1000x1xf32> to vector<1000x128xf32>
    %mul3A_12 = arith.mulf %mul3A, %add3A_11 : vector<1000x128xf32>
    %get3A_13 = arith.constant 0 : index
    %get3A_14 = arith.constant 0 : index
    %get3A_15 = vector.load %arg5[%get3A_13, %get3A_14] : memref<1x128xf32, #tpu.memory_space<vmem>>, vector<1x128xf32>
    %add3A_16 = vector.broadcast %get3A_15 : vector<1x128xf32> to vector<1000x128xf32>
    %add3A_17 = arith.addf %mul3A_12, %add3A_16 : vector<1000x128xf32>
    %gt3A = arith.constant 0.000000e+00 : f32
    %gt3A_18 = vector.broadcast %gt3A : f32 to vector<1000x128xf32>
    %gt3A_19 = arith.cmpf ogt, %add3A_17, %gt3A_18 : vector<1000x128xf32>
    %min3A = arith.constant 0.000000e+00 : f32
    %min3A_20 = vector.broadcast %min3A : f32 to vector<1000x128xf32>
    %min3A_21 = arith.minimumf %add3A_17, %min3A_20 : vector<1000x128xf32>
    %exp3A = math.exp %min3A_21 : vector<1000x128xf32>
    %sub3A = arith.constant 1.000000e+00 : f32
    %sub3A_22 = vector.broadcast %sub3A : f32 to vector<1000x128xf32>
    %sub3A_23 = arith.subf %exp3A, %sub3A_22 : vector<1000x128xf32>
    %select_n3A = arith.select %gt3A_19, %add3A_17, %sub3A_23 : vector<1000x128xi1>, vector<1000x128xf32>
    %get3A_24 = arith.constant 0 : index
    %get3A_25 = arith.constant 0 : index
    %get3A_26 = vector.load %arg6[%get3A_24, %get3A_25] : memref<128x128xf32, #tpu.memory_space<vmem>>, vector<128x128xf32>
    %dot_general3A = arith.constant dense<0.000000e+00> : vector<1000x128xf32>
    %dot_general3A_27 = tpu.matmul %select_n3A, %get3A_26, %dot_general3A {dimension_numbers = #tpu.dot_dimension_numbers<[1], [0], [0], [1], [0, 0, 1, 1], [], []>, transpose_lhs_hint = false} : vector<1000x128xf32>, vector<128x128xf32>, vector<1000x128xf32> -> vector<1000x128xf32>
    %mul3A_28 = vector.broadcast %slice3A : vector<1000x1xf32> to vector<1000x128xf32>
    %mul3A_29 = arith.mulf %mul3A_28, %dot_general3A_27 : vector<1000x128xf32>
    %swap3A = arith.constant 0 : index
    %swap3A_30 = arith.constant 0 : index
    %swap3A_31 = vector.load %arg7[%swap3A, %swap3A_30] : memref<1000x128xf32, #tpu.memory_space<vmem>>, vector<1000x128xf32>
    tpu.vector_store %arg7[%swap3A, %swap3A_30], %mul3A_29 {strides = array<i32>} : memref<1000x128xf32, #tpu.memory_space<vmem>>, vector<1000x128xf32>,
    return
  }
  func.func @transform_0(%arg0: i32) -> (i32, i32) {
    %c0_i32 = arith.constant 0 : i32
    %c0_i32_0 = arith.constant 0 : i32
    return %arg0, %c0_i32 : i32, i32
  }
  func.func @transform_1(%arg0: i32) -> (i32, i32) {
    %c0_i32 = arith.constant 0 : i32
    %c0_i32_0 = arith.constant 0 : i32
    return %arg0, %c0_i32 : i32, i32
  }
  func.func @transform_2(%arg0: i32) -> (i32, i32) {
    %c0_i32 = arith.constant 0 : i32
    %c0_i32_0 = arith.constant 0 : i32
    return %arg0, %c0_i32 : i32, i32
  }
  func.func @transform_3(%arg0: i32) -> (i32, i32) {
    %c0_i32 = arith.constant 0 : i32
    %c0_i32_0 = arith.constant 0 : i32
    return %arg0, %c0_i32 : i32, i32
  }
  func.func @transform_4(%arg0: i32) -> (i32, i32) {
    %c0_i32 = arith.constant 0 : i32
    %c0_i32_0 = arith.constant 0 : i32
    %c0_i32_1 = arith.constant 0 : i32
    return %c0_i32, %c0_i32_0 : i32, i32
  }
  func.func @transform_5(%arg0: i32) -> (i32, i32) {
    %c0_i32 = arith.constant 0 : i32
    %c0_i32_0 = arith.constant 0 : i32
    %c0_i32_1 = arith.constant 0 : i32
    return %c0_i32, %c0_i32_0 : i32, i32
  }
  func.func @transform_6(%arg0: i32) -> (i32, i32) {
    %c0_i32 = arith.constant 0 : i32
    %c0_i32_0 = arith.constant 0 : i32
    return %arg0, %c0_i32 : i32, i32
  }
}

module attributes {stable_mosaic.version = 14 : i64} {
  func.func @_final_body(%arg0: i32, %arg1: memref<1000x128xf32, #tpu.memory_space<vmem>>, %arg2: memref<1000x128xf32, #tpu.memory_space<vmem>>, %arg3: memref<1000x128xf32, #tpu.memory_space<vmem>>, %arg4: memref<1000x16xf32, #tpu.memory_space<vmem>>, %arg5: memref<1x128xf32, #tpu.memory_space<vmem>>, %arg6: memref<1000x16xf32, #tpu.memory_space<vmem>>, %arg7: memref<128x16xf32, #tpu.memory_space<vmem>>, %arg8: memref<1x16xf32, #tpu.memory_space<vmem>>, %arg9: memref<128x4xf32, #tpu.memory_space<vmem>>, %arg10: memref<1x4xf32, #tpu.memory_space<vmem>>, %arg11: memref<64x128xf32, #tpu.memory_space<vmem>>, %arg12: memref<64x16xf32, #tpu.memory_space<vmem>>, %arg13: memref<64x4xf32, #tpu.memory_space<vmem>>, %arg14: memref<64x128xf32, #tpu.memory_space<vmem>>, %arg15: memref<64x16xf32, #tpu.memory_space<vmem>>) attributes {dimension_semantics = [#tpu.dimension_semantics<arbitrary>], iteration_bounds = array<i64: 10>, scalar_prefetch = 0 : i64, scratch_operands = 2 : i64, tpu.core_type = #tpu.core_type<tc>, window_params = [{transform_indices = @transform_0, window_bounds = array<i64: 1000, 128>}, {transform_indices = @transform_1, window_bounds = array<i64: 1000, 128>}, {transform_indices = @transform_2, window_bounds = array<i64: 1000, 128>}, {transform_indices = @transform_3, window_bounds = array<i64: 1000, 16>}, {pipeline_mode = #tpu.pipeline_mode<synchronous>, transform_indices = @transform_4, window_bounds = array<i64: 1, 128>}, {transform_indices = @transform_5, window_bounds = array<i64: 1000, 16>}, {pipeline_mode = #tpu.pipeline_mode<synchronous>, transform_indices = @transform_6, window_bounds = array<i64: 128, 16>}, {pipeline_mode = #tpu.pipeline_mode<synchronous>, transform_indices = @transform_7, window_bounds = array<i64: 1, 16>}, {pipeline_mode = #tpu.pipeline_mode<synchronous>, transform_indices = @transform_8, window_bounds = array<i64: 128, 4>}, {pipeline_mode = #tpu.pipeline_mode<synchronous>, transform_indices = @transform_9, window_bounds = array<i64: 1, 4>}, {pipeline_mode = #tpu.pipeline_mode<synchronous>, transform_indices = @transform_10, window_bounds = array<i64: 64, 128>}, {pipeline_mode = #tpu.pipeline_mode<synchronous>, transform_indices = @transform_11, window_bounds = array<i64: 64, 16>}, {pipeline_mode = #tpu.pipeline_mode<synchronous>, transform_indices = @transform_12, window_bounds = array<i64: 64, 4>}]} {
    %eq3A = arith.constant 0 : i32
    %eq3A_0 = arith.cmpi eq, %arg0, %eq3A : i32
    %convert_element_type3A = arith.extui %eq3A_0 : i1 to i32
    %cond3A = arith.constant 0 : i32
    %cond3A_1 = arith.cmpi ne, %convert_element_type3A, %cond3A : i32
    scf.if %cond3A_1 {
      %broadcast_in_dim3A_51 = arith.constant 0.000000e+00 : f32
      %broadcast_in_dim3A_52 = vector.broadcast %broadcast_in_dim3A_51 : f32 to vector<64x128xf32>
      %swap3A_53 = arith.constant 0 : index
      %swap3A_54 = arith.constant 0 : index
      %swap3A_55 = vector.load %arg14[%swap3A_53, %swap3A_54] : memref<64x128xf32, #tpu.memory_space<vmem>>, vector<64x128xf32>
      tpu.vector_store %arg14[%swap3A_53, %swap3A_54], %broadcast_in_dim3A_52 {strides = array<i32>} : memref<64x128xf32, #tpu.memory_space<vmem>>, vector<64x128xf32>,
      %broadcast_in_dim3A_56 = arith.constant 0.000000e+00 : f32
      %broadcast_in_dim3A_57 = vector.broadcast %broadcast_in_dim3A_56 : f32 to vector<64x16xf32>
      %swap3A_58 = arith.constant 0 : index
      %swap3A_59 = arith.constant 0 : index
      %swap3A_60 = vector.load %arg15[%swap3A_58, %swap3A_59] : memref<64x16xf32, #tpu.memory_space<vmem>>, vector<64x16xf32>
      tpu.vector_store %arg15[%swap3A_58, %swap3A_59], %broadcast_in_dim3A_57 {strides = array<i32>} : memref<64x16xf32, #tpu.memory_space<vmem>>, vector<64x16xf32>,
    } else {
    }
    %get3A = arith.constant 0 : index
    %get3A_2 = arith.constant 0 : index
    %get3A_3 = vector.load %arg4[%get3A, %get3A_2] : memref<1000x16xf32, #tpu.memory_space<vmem>>, vector<1000x16xf32>
    %slice3A = vector.extract_strided_slice %get3A_3 {offsets = [0, 0], sizes = [1000, 1], strides = [1, 1]} : vector<1000x16xf32> to vector<1000x1xf32>
    %get3A_4 = arith.constant 0 : index
    %get3A_5 = arith.constant 0 : index
    %get3A_6 = vector.load %arg1[%get3A_4, %get3A_5] : memref<1000x128xf32, #tpu.memory_space<vmem>>, vector<1000x128xf32>
    %get3A_7 = arith.constant 0 : index
    %get3A_8 = arith.constant 0 : index
    %get3A_9 = vector.load %arg2[%get3A_7, %get3A_8] : memref<1000x128xf32, #tpu.memory_space<vmem>>, vector<1000x128xf32>
    %add3A = arith.addf %get3A_6, %get3A_9 : vector<1000x128xf32>
    %get3A_10 = arith.constant 0 : index
    %get3A_11 = arith.constant 0 : index
    %get3A_12 = vector.load %arg3[%get3A_10, %get3A_11] : memref<1000x128xf32, #tpu.memory_space<vmem>>, vector<1000x128xf32>
    %add3A_13 = arith.addf %add3A, %get3A_12 : vector<1000x128xf32>
    %mul3A = vector.broadcast %slice3A : vector<1000x1xf32> to vector<1000x128xf32>
    %mul3A_14 = arith.mulf %mul3A, %add3A_13 : vector<1000x128xf32>
    %get3A_15 = arith.constant 0 : index
    %get3A_16 = arith.constant 0 : index
    %get3A_17 = vector.load %arg5[%get3A_15, %get3A_16] : memref<1x128xf32, #tpu.memory_space<vmem>>, vector<1x128xf32>
    %add3A_18 = vector.broadcast %get3A_17 : vector<1x128xf32> to vector<1000x128xf32>
    %add3A_19 = arith.addf %mul3A_14, %add3A_18 : vector<1000x128xf32>
    %iota3A = tpu.iota {dimensions = array<i32: 1>} : vector<1000x64xi32>
    %convert_element_type3A_20 = arith.sitofp %iota3A : vector<1000x64xi32> to vector<1000x64xf32>
    %get3A_21 = arith.constant 0 : index
    %get3A_22 = arith.constant 0 : index
    %get3A_23 = vector.load %arg6[%get3A_21, %get3A_22] : memref<1000x16xf32, #tpu.memory_space<vmem>>, vector<1000x16xf32>
    %slice3A_24 = vector.extract_strided_slice %get3A_23 {offsets = [0, 0], sizes = [1000, 1], strides = [1, 1]} : vector<1000x16xf32> to vector<1000x1xf32>
    %eq3A_25 = vector.broadcast %slice3A_24 : vector<1000x1xf32> to vector<1000x64xf32>
    %eq3A_26 = arith.cmpf oeq, %eq3A_25, %convert_element_type3A_20 : vector<1000x64xf32>
    %convert_element_type3A_27 = arith.extui %eq3A_26 : vector<1000x64xi1> to vector<1000x64xi32>
    %convert_element_type3A_28 = arith.sitofp %convert_element_type3A_27 : vector<1000x64xi32> to vector<1000x64xf32>
    %get3A_29 = arith.constant 0 : index
    %get3A_30 = arith.constant 0 : index
    %get3A_31 = vector.load %arg14[%get3A_29, %get3A_30] : memref<64x128xf32, #tpu.memory_space<vmem>>, vector<64x128xf32>
    %dot_general3A = arith.constant dense<0.000000e+00> : vector<64x128xf32>
    %dot_general3A_32 = tpu.matmul %convert_element_type3A_28, %add3A_19, %dot_general3A {dimension_numbers = #tpu.dot_dimension_numbers<[0], [0], [1], [1], [0, 1, 1, 1], [], []>, precision = #tpu.contract_precision<fp32>, transpose_lhs_hint = false} : vector<1000x64xf32>, vector<1000x128xf32>, vector<64x128xf32> -> vector<64x128xf32>
    %add3A_33 = arith.addf %get3A_31, %dot_general3A_32 : vector<64x128xf32>
    %swap3A = arith.constant 0 : index
    %swap3A_34 = arith.constant 0 : index
    %swap3A_35 = vector.load %arg14[%swap3A, %swap3A_34] : memref<64x128xf32, #tpu.memory_space<vmem>>, vector<64x128xf32>
    tpu.vector_store %arg14[%swap3A, %swap3A_34], %add3A_33 {strides = array<i32>} : memref<64x128xf32, #tpu.memory_space<vmem>>, vector<64x128xf32>,
    %broadcast_in_dim3A = arith.constant 1.000000e+00 : f32
    %broadcast_in_dim3A_36 = vector.broadcast %broadcast_in_dim3A : f32 to vector<1000x16xf32>
    %get3A_37 = arith.constant 0 : index
    %get3A_38 = arith.constant 0 : index
    %get3A_39 = vector.load %arg15[%get3A_37, %get3A_38] : memref<64x16xf32, #tpu.memory_space<vmem>>, vector<64x16xf32>
    %dot_general3A_40 = arith.constant dense<0.000000e+00> : vector<64x16xf32>
    %dot_general3A_41 = tpu.matmul %convert_element_type3A_28, %broadcast_in_dim3A_36, %dot_general3A_40 {dimension_numbers = #tpu.dot_dimension_numbers<[0], [0], [1], [1], [0, 1, 1, 1], [], []>, precision = #tpu.contract_precision<fp32>, transpose_lhs_hint = false} : vector<1000x64xf32>, vector<1000x16xf32>, vector<64x16xf32> -> vector<64x16xf32>
    %add3A_42 = arith.addf %get3A_39, %dot_general3A_41 : vector<64x16xf32>
    %swap3A_43 = arith.constant 0 : index
    %swap3A_44 = arith.constant 0 : index
    %swap3A_45 = vector.load %arg15[%swap3A_43, %swap3A_44] : memref<64x16xf32, #tpu.memory_space<vmem>>, vector<64x16xf32>
    tpu.vector_store %arg15[%swap3A_43, %swap3A_44], %add3A_42 {strides = array<i32>} : memref<64x16xf32, #tpu.memory_space<vmem>>, vector<64x16xf32>,
    %eq3A_46 = arith.constant 9 : i32
    %eq3A_47 = arith.cmpi eq, %arg0, %eq3A_46 : i32
    %convert_element_type3A_48 = arith.extui %eq3A_47 : i1 to i32
    %cond3A_49 = arith.constant 0 : i32
    %cond3A_50 = arith.cmpi ne, %convert_element_type3A_48, %cond3A_49 : i32
    scf.if %cond3A_50 {
      %get3A_51 = arith.constant 0 : index
      %get3A_52 = arith.constant 0 : index
      %get3A_53 = vector.load %arg14[%get3A_51, %get3A_52] : memref<64x128xf32, #tpu.memory_space<vmem>>, vector<64x128xf32>
      %get3A_54 = arith.constant 0 : index
      %get3A_55 = arith.constant 0 : index
      %get3A_56 = vector.load %arg15[%get3A_54, %get3A_55] : memref<64x16xf32, #tpu.memory_space<vmem>>, vector<64x16xf32>
      %slice3A_57 = vector.extract_strided_slice %get3A_56 {offsets = [0, 0], sizes = [64, 1], strides = [1, 1]} : vector<64x16xf32> to vector<64x1xf32>
      %max3A = arith.constant 1.000000e+00 : f32
      %max3A_58 = vector.broadcast %max3A : f32 to vector<64x1xf32>
      %max3A_59 = arith.maximumf %slice3A_57, %max3A_58 : vector<64x1xf32>
      %div3A = vector.broadcast %max3A_59 : vector<64x1xf32> to vector<64x128xf32>
      %div3A_60 = arith.divf %get3A_53, %div3A : vector<64x128xf32>
      %swap3A_61 = arith.constant 0 : index
      %swap3A_62 = arith.constant 0 : index
      %swap3A_63 = vector.load %arg11[%swap3A_61, %swap3A_62] : memref<64x128xf32, #tpu.memory_space<vmem>>, vector<64x128xf32>
      tpu.vector_store %arg11[%swap3A_61, %swap3A_62], %div3A_60 {strides = array<i32>} : memref<64x128xf32, #tpu.memory_space<vmem>>, vector<64x128xf32>,
      %get3A_64 = arith.constant 0 : index
      %get3A_65 = arith.constant 0 : index
      %get3A_66 = vector.load %arg7[%get3A_64, %get3A_65] : memref<128x16xf32, #tpu.memory_space<vmem>>, vector<128x16xf32>
      %dot_general3A_67 = arith.constant dense<0.000000e+00> : vector<64x16xf32>
      %dot_general3A_68 = tpu.matmul %div3A_60, %get3A_66, %dot_general3A_67 {dimension_numbers = #tpu.dot_dimension_numbers<[1], [0], [0], [1], [0, 0, 1, 1], [], []>, transpose_lhs_hint = false} : vector<64x128xf32>, vector<128x16xf32>, vector<64x16xf32> -> vector<64x16xf32>
      %get3A_69 = arith.constant 0 : index
      %get3A_70 = arith.constant 0 : index
      %get3A_71 = vector.load %arg8[%get3A_69, %get3A_70] : memref<1x16xf32, #tpu.memory_space<vmem>>, vector<1x16xf32>
      %add3A_72 = vector.broadcast %get3A_71 : vector<1x16xf32> to vector<64x16xf32>
      %add3A_73 = arith.addf %dot_general3A_68, %add3A_72 : vector<64x16xf32>
      %swap3A_74 = arith.constant 0 : index
      %swap3A_75 = arith.constant 0 : index
      %swap3A_76 = vector.load %arg12[%swap3A_74, %swap3A_75] : memref<64x16xf32, #tpu.memory_space<vmem>>, vector<64x16xf32>
      tpu.vector_store %arg12[%swap3A_74, %swap3A_75], %add3A_73 {strides = array<i32>} : memref<64x16xf32, #tpu.memory_space<vmem>>, vector<64x16xf32>,
      %get3A_77 = arith.constant 0 : index
      %get3A_78 = arith.constant 0 : index
      %get3A_79 = vector.load %arg9[%get3A_77, %get3A_78] : memref<128x4xf32, #tpu.memory_space<vmem>>, vector<128x4xf32>
      %dot_general3A_80 = arith.constant dense<0.000000e+00> : vector<64x4xf32>
      %dot_general3A_81 = tpu.matmul %div3A_60, %get3A_79, %dot_general3A_80 {dimension_numbers = #tpu.dot_dimension_numbers<[1], [0], [0], [1], [0, 0, 1, 1], [], []>, transpose_lhs_hint = false} : vector<64x128xf32>, vector<128x4xf32>, vector<64x4xf32> -> vector<64x4xf32>
      %get3A_82 = arith.constant 0 : index
      %get3A_83 = arith.constant 0 : index
      %get3A_84 = vector.load %arg10[%get3A_82, %get3A_83] : memref<1x4xf32, #tpu.memory_space<vmem>>, vector<1x4xf32>
      %add3A_85 = vector.broadcast %get3A_84 : vector<1x4xf32> to vector<64x4xf32>
      %add3A_86 = arith.addf %dot_general3A_81, %add3A_85 : vector<64x4xf32>
      %swap3A_87 = arith.constant 0 : index
      %swap3A_88 = arith.constant 0 : index
      %swap3A_89 = vector.load %arg13[%swap3A_87, %swap3A_88] : memref<64x4xf32, #tpu.memory_space<vmem>>, vector<64x4xf32>
      tpu.vector_store %arg13[%swap3A_87, %swap3A_88], %add3A_86 {strides = array<i32>} : memref<64x4xf32, #tpu.memory_space<vmem>>, vector<64x4xf32>,
    } else {
    }
    return
  }
  func.func @transform_0(%arg0: i32) -> (i32, i32) {
    %c0_i32 = arith.constant 0 : i32
    %c0_i32_0 = arith.constant 0 : i32
    return %arg0, %c0_i32 : i32, i32
  }
  func.func @transform_1(%arg0: i32) -> (i32, i32) {
    %c0_i32 = arith.constant 0 : i32
    %c0_i32_0 = arith.constant 0 : i32
    return %arg0, %c0_i32 : i32, i32
  }
  func.func @transform_2(%arg0: i32) -> (i32, i32) {
    %c0_i32 = arith.constant 0 : i32
    %c0_i32_0 = arith.constant 0 : i32
    return %arg0, %c0_i32 : i32, i32
  }
  func.func @transform_3(%arg0: i32) -> (i32, i32) {
    %c0_i32 = arith.constant 0 : i32
    %c0_i32_0 = arith.constant 0 : i32
    return %arg0, %c0_i32 : i32, i32
  }
  func.func @transform_4(%arg0: i32) -> (i32, i32) {
    %c0_i32 = arith.constant 0 : i32
    %c0_i32_0 = arith.constant 0 : i32
    %c0_i32_1 = arith.constant 0 : i32
    return %c0_i32, %c0_i32_0 : i32, i32
  }
  func.func @transform_5(%arg0: i32) -> (i32, i32) {
    %c0_i32 = arith.constant 0 : i32
    %c0_i32_0 = arith.constant 0 : i32
    return %arg0, %c0_i32 : i32, i32
  }
  func.func @transform_6(%arg0: i32) -> (i32, i32) {
    %c0_i32 = arith.constant 0 : i32
    %c0_i32_0 = arith.constant 0 : i32
    %c0_i32_1 = arith.constant 0 : i32
    return %c0_i32, %c0_i32_0 : i32, i32
  }
  func.func @transform_7(%arg0: i32) -> (i32, i32) {
    %c0_i32 = arith.constant 0 : i32
    %c0_i32_0 = arith.constant 0 : i32
    %c0_i32_1 = arith.constant 0 : i32
    return %c0_i32, %c0_i32_0 : i32, i32
  }
  func.func @transform_8(%arg0: i32) -> (i32, i32) {
    %c0_i32 = arith.constant 0 : i32
    %c0_i32_0 = arith.constant 0 : i32
    %c0_i32_1 = arith.constant 0 : i32
    return %c0_i32, %c0_i32_0 : i32, i32
  }
  func.func @transform_9(%arg0: i32) -> (i32, i32) {
    %c0_i32 = arith.constant 0 : i32
    %c0_i32_0 = arith.constant 0 : i32
    %c0_i32_1 = arith.constant 0 : i32
    return %c0_i32, %c0_i32_0 : i32, i32
  }
  func.func @transform_10(%arg0: i32) -> (i32, i32) {
    %c0_i32 = arith.constant 0 : i32
    %c0_i32_0 = arith.constant 0 : i32
    %c0_i32_1 = arith.constant 0 : i32
    return %c0_i32, %c0_i32_0 : i32, i32
  }
  func.func @transform_11(%arg0: i32) -> (i32, i32) {
    %c0_i32 = arith.constant 0 : i32
    %c0_i32_0 = arith.constant 0 : i32
    %c0_i32_1 = arith.constant 0 : i32
    return %c0_i32, %c0_i32_0 : i32, i32
  }
  func.func @transform_12(%arg0: i32) -> (i32, i32) {
    %c0_i32 = arith.constant 0 : i32
    %c0_i32_0 = arith.constant 0 : i32
    %c0_i32_1 = arith.constant 0 : i32
    return %c0_i32, %c0_i32_0 : i32, i32
  }
}

</mosaic_0001>

<sc_bundles>
// kernel: kernel.11.cloned.1.call-start
scs
__scs_entry_jumppad:
0x0: {  	(pc) =	sbr.rel $0x88, $3  }
0x1: {  	(tag) =	ssettag $0x0;
	lr =	simm.s32 $0x1  }
0x2: {  	[smem:$0x3F94] =	sst lr;
	_ =	strace $0xD0000000  }
0x3: {  	_ = 	snop  }
0x4: {  	_ = 	snop  }
0x5: {  	_ = 	snop  }
0x6: {  	_ = 	snop  }
0x7: {  	_ = 	snop  }
__scs_overlays_trampoline_lowered:
0x8: {  	[smem:$0x3FA3] =	sst s0  }
0x9: {  	[smem:$0x3FA4] =	sst s1  }
0xa: {  	[smem:$0x3FA5] =	sst s2  }
0xb: {  	[smem:$0x3FA6] =	sst s3  }
0xc: {  	[smem:$0x3FA7] =	sst s4  }
0xd: {  	[smem:$0x3FA8] =	sst s5  }
0xe: {  	[smem:$0x3FA9] =	sst s6  }
0xf: {  	[smem:$0x3FAA] =	sst s7  }
0x10: {  	[smem:$0x3FAB] =	sst s8  }
0x11: {  	[smem:$0x3FAC] =	sst s9;
	s0 =	simm.s32 @!p0 $0x0  }
0x12: {  	s1 =	sld [smem:$0x3F92];
	s0 =	simm.s32 @p0 $0x1  }
0x13: {  	[smem:$0x3FAD] =	sst s0;
	s0 =	simm.s32 @!p1 $0x0  }
0x14: {  	s2 =	sld [smem:$0x3F91];
	s0 =	simm.s32 @p1 $0x1  }
0x15: {  	[smem:$0x3FAE] =	sst s0;
	s0 =	simm.s32 @!p2 $0x0  }
0x16: {  	s3 =	sld [smem:$0x3FDB];
	s0 =	simm.s32 @p2 $0x1  }
0x17: {  	s4 =	simm.s32 $0x1BF5;
	[smem:$0x3FB0] =	sst s0  }
0x18: {  	s0 =	sld [smem:$0x3F93];
	_ =	swait.ge [sflag:s4], $0x0  }
0x19: {  	s7 =	sld [smem:$0x3F94]  }
0x1a: {  	s8 =	sadd.s32 $0xFFFFE003, lr  }
0x1b: {  	s9 =	sadd.s32 $0xFFFFFEF7, lr;
	s5 =	simm.s32 $0xFFFFFFFF;
	p2 =	slt.u32 s8, $0xFFFFF086  }
0x1c: {  	p1 =	slt.u32 s9, $0xF7A;
	s5 =	simm.s32 @!p2 $0x0  }
0x1d: {  	s5 =	simm.s32 @p1 $0x1;
	p0 =	seq.s32 s7, s2  }
0x1e: {  	s7 =	smul.u32 @!p0 $0xF7A, s2;
	p2 =	seq.s32 @!p0 s5, $0x0  }
0x1f: {  	s9 =	smul.u32 $0xF7A, s1;
	s8 =	simm.s32 @!p0 $0x1BF5;
	p2 =	por !p2, p0  }
0x20: {  	[sflag:s8] =	ssyncset.s32 @!p0 $0xFFFFF086;
	s6 =	sadd.s32 @!p0 s3, s7;
	s7 =	simm.s32 @!p0 $0x108  }
0x21: {  	s3 =	sadd.s32 s3, s9;
	s6 =	sadd.s32 @!p0 $0x88, s6;
	s7 =	simm.s32 @p2 $0x1082  }
0x22: {  	[simem:s7], [sflag:s8] =	dma.local @!p0 [hbm:s6], $0xF7A  }
0x23: {  	s9 =	sor.u32 $0xD0000000, s2;
	s6 =	simm.s32 $0x108;
	_ =	swait.ge @!p0 [sflag:s8], $0x0  }
0x24: {  	s3 =	sadd.s32 $0x88, s3;
	s6 =	simm.s32 @!p1 $0x1082;
	[sflag:s4] =	ssyncset.s32 $0xFFFFF086  }
0x25: {  	[simem:s6], [sflag:s4] =	dma.local [hbm:s3], $0xF7A  }
0x26: {  	[smem:$0x3F94] =	sst s1;
	(tag) =	ssettag s2;
	_ =	strace s9  }
0x27: {  	s1 =	sld [smem:$0x3FA4]  }
0x28: {  	s2 =	sld [smem:$0x3FA5]  }
0x29: {  	s4 =	sld [smem:$0x3FA7]  }
0x2a: {  	p0 =	seq.s32 s5, $0x0;
	s5 =	sld [smem:$0x3FA8]  }
0x2b: {  	s6 =	sld [smem:$0x3FA9]  }
0x2c: {  	s7 =	sld [smem:$0x3FAA]  }
0x2d: {  	s3 =	simm.s32 $0x108;
	s8 =	sld [smem:$0x3FAB]  }
0x2e: {  	s3 =	simm.s32 @!p0 $0x1082;
	s9 =	sld [smem:$0x3FAC]  }
0x2f: {  	lr =	sadd.s32 s0, s3;
	s0 =	sld [smem:$0x3FA3]  }
0x30: {  	s3 =	sld [smem:$0x3FA6]  }
0x31: {  	[smem:$0x3FAF] =	sst s10  }
0x32: {  	s10 =	sld [smem:$0x3FAD];
	_ =	sdelay $0x3  }
0x33: {  	p0 =	seq.s32 s10, $0x1;
	s10 =	sld [smem:$0x3FAF];
	_ =	sdelay $0x3  }
0x34: {  	[smem:$0x3FAF] =	sst s10  }
0x35: {  	s10 =	sld [smem:$0x3FAE];
	_ =	sdelay $0x3  }
0x36: {  	p1 =	seq.s32 s10, $0x1;
	s10 =	sld [smem:$0x3FAF];
	_ =	sdelay $0x3  }
0x37: {  	[smem:$0x3FAF] =	sst s10  }
0x38: {  	s10 =	sld [smem:$0x3FB0]  }
0x39: {  	_ = 	snop;
	(pc) =	sbr.ind lr, $3  }
0x3a: {  	_ = 	snop  }
0x3b: {  	_ = 	snop  }
0x3c: {  	p2 =	seq.s32 s10, $0x1;
	s10 =	sld [smem:$0x3FAF]  }
0x3d: {  	_ =	shalt  }
0x3e: {  	_ =	shalt  }
0x3f: {  	_ =	shalt  }
0x40: {  	_ =	shalt  }
0x41: {  	_ =	shalt  }
0x42: {  	_ =	shalt  }
0x43: {  	_ =	shalt  }
0x44: {  	_ =	shalt  }
0x45: {  	_ =	shalt  }
0x46: {  	_ =	shalt  }
0x47: {  	_ =	shalt  }
0x48: {  	_ =	shalt  }
0x49: {  	_ =	shalt  }
0x4a: {  	_ =	shalt  }
0x4b: {  	_ =	shalt  }
0x4c: {  	_ =	shalt  }
0x4d: {  	_ =	shalt  }
0x4e: {  	_ =	shalt  }
0x4f: {  	_ =	shalt  }
0x50: {  	_ =	shalt  }
0x51: {  	_ =	shalt  }
0x52: {  	_ =	shalt  }
0x53: {  	_ =	shalt  }
0x54: {  	_ =	shalt  }
0x55: {  	_ =	shalt  }
0x56: {  	_ =	shalt  }
0x57: {  	_ =	shalt  }
0x58: {  	_ =	shalt  }
0x59: {  	_ =	shalt  }
0x5a: {  	_ =	shalt  }
0x5b: {  	_ =	shalt  }
0x5c: {  	_ =	shalt  }
0x5d: {  	_ =	shalt  }
0x5e: {  	_ =	shalt  }
0x5f: {  	_ =	shalt  }
0x60: {  	_ =	shalt  }
0x61: {  	_ =	shalt  }
0x62: {  	_ =	shalt  }
0x63: {  	_ =	shalt  }
0x64: {  	_ =	shalt  }
0x65: {  	_ =	shalt  }
0x66: {  	_ =	shalt  }
0x67: {  	_ =	shalt  }
0x68: {  	_ =	shalt  }
0x69: {  	_ =	shalt  }
0x6a: {  	_ =	shalt  }
0x6b: {  	_ =	shalt  }
0x6c: {  	_ =	shalt  }
0x6d: {  	_ =	shalt  }
0x6e: {  	_ =	shalt  }
0x6f: {  	_ =	shalt  }
0x70: {  	_ =	shalt  }
0x71: {  	_ =	shalt  }
0x72: {  	_ =	shalt  }
0x73: {  	_ =	shalt  }
0x74: {  	_ =	shalt  }
0x75: {  	_ =	shalt  }
0x76: {  	_ =	shalt  }
0x77: {  	_ =	shalt  }
0x78: {  	_ =	shalt  }
0x79: {  	_ =	shalt  }
0x7a: {  	_ =	shalt  }
0x7b: {  	_ =	shalt  }
0x7c: {  	_ =	shalt  }
0x7d: {  	_ =	shalt  }
0x7e: {  	_ =	shalt  }
0x7f: {  	_ =	shalt  }
0x80: {  	_ =	shalt  }
0x81: {  	_ =	shalt  }
0x82: {  	_ =	shalt  }
0x83: {  	_ =	shalt  }
0x84: {  	_ =	shalt  }
0x85: {  	_ =	shalt  }
0x86: {  	_ =	shalt  }
0x87: {  	_ =	shalt  }
.Lfunc_end0:
.L_simem_size_0:
called_computation_lowered:
.L_overlay_start_0:
0x88: {  	s2 =	sld [smem:$0x3FD9]  }
0x89: {  	s3 =	sld [smem:$0x3FFE];
	_ =	sdelay $0x1  }
0x8a: {  	s1 =	srdreg.scid  }
0x8b: {  	s0 =	sand.u32 $0x1, s1  }
0x8c: {  	s16 =	sshll.u32 s0, $0xA;
	s2 =	sadd.s32 s3, s2  }
0x8d: {  	s2 =	sadd.s32 s2, s16  }
0x8e: {  	[smem:$0x3FBB] =	sst s2  }
0x8f: {  	_ = 	snop  }
0x90: {  	(tm) =	ssettm $0x1  }
0x91: {  	s17 =	sld [smem:$0x3FFB];
	_ =	sdelay $0x3  }
0x92: {  	_ =	strace s17  }
0x93: {  	s2 =	sld [smem:$0x3FFC];
	_ =	sdelay $0x3  }
0x94: {  	_ =	strace s2  }
0x95: {  	s2 =	sld [smem:$0x3FFD];
	_ =	sdelay $0x3  }
0x96: {  	_ =	strace s2  }
0x97: {  	_ =	strace $0x8FFFFFFF  }
0x98: {  	s18 =	sld [smem:$0x3FDB];
	_ =	sdelay $0x1  }
0x99: {  	s19 =	simm.s32 $_scs_section_size  }
0x9a: {  	s4 =	simm.s32 $_size__tile_overlayer_lowered;
	s5 =	simm.s32 $_tile_overlayer_lowered  }
0x9b: {  	s22 =	simm.s32 $0x1BFF;
	s21 =	sshll.u32 s5, $0x1;
	s2 =	sadd.s32 s19, s18  }
0x9c: {  	s6 =	simm.s32 $0x0;
	s20 =	sshll.u32 s4, $0x1;
	s4 =	sadd.s32 s21, s2  }
0x9d: {  	[timem:s6], [sflag:s22] =	dma.local [hbm:s4], s20  }
0x9e: {  	_ =	swait.ge [sflag:s22], s20  }
0x9f: {  	s3 =	ssub.s32 $0x0, s20;
	[sflag:s22] =	ssyncset.done $0x0  }
0xa0: {  	[sflag:s22] =	ssyncadd.s32 s3;
	_ =	sdelay $0x1  }
0xa1: {  	s23 =	simm.s32 $0x1B8B  }
0xa2: {  	_ =	swait.ge [sflag:s23], $0x1  }
0xa3: {  	[sflag:s23] =	ssyncset.done $0x0  }
0xa4: {  	s25 =	simm.s32 $0x1B8E;
	s24 =	sld [smem:$0x3FFE];
	[sflag:s23] =	ssyncadd.s32 $0xFFFFFFFF  }
0xa5: {  	s26 =	simm.s32 $execute0_lowered;
	[smem:$0x3FD2] =	sst s25  }
0xa6: {  	s4 =	sshll.u32 s26, $0x1;
	_ =	strace $0x80000046;
	[dreg:$0x1] =	wrdreg $0xFFFFFFFF  }
0xa7: {  	s28 =	simm.s32 $_size_execute0_lowered;
	s2 =	sadd.s32 s2, s4;
	[dreg:$0x0] =	wrdreg $0x0  }
0xa8: {  	s4 =	sshll.u32 s28, $0x1;
	[dreg:$0x2] =	wrdreg s2  }
0xa9: {  	[dreg:$0x3] =	wrdreg s4  }
0xaa: {  	[dreg:$0x4] =	wrdreg $0xC0  }
0xab: {  	_ =	task [dreg:s6], $0x5FFFF  }
0xac: {  	[dreg:$0x1] =	wrdreg $0xFFFFFFFF  }
0xad: {  	[dreg:$0x0] =	wrdreg $0x60  }
0xae: {  	[dreg:$0x2] =	wrdreg s24  }
0xaf: {  	[dreg:$0x3] =	wrdreg $0x68000  }
0xb0: {  	[dreg:$0x4] =	wrdreg $0x9  }
0xb1: {  	_ =	task.clear_ibuf [dreg:s6], $0x5FFFF;
	_ =	strace $0x90000046  }
0xb2: {  	s29 =	simm.s32 $0x9;
	_ =	strace $0x80000048  }
0xb3: {  	_ =	swait.ge [sflag:s29], $0x1  }
0xb4: {  	[sflag:s29] =	ssyncadd.s32 $0xFFFFFFFF  }
0xb5: {  	_ =	strace $0x90000048  }
0xb6: {  	_ =	sfence  }
0xb7: {  	s30 =	sld [smem:$0x0];
	_ =	sdelay $0x2  }
0xb8: {  	s31 =	sshll.u32 s1, $0xD;
	s1 =	sshrl.u32 s1, $0x2  }
0xb9: {  	s3 =	sand.u32 $0x4000, s31;
	s1 =	sadd.s32 s1, s30  }
0xba: {  	s0 =	sor.u32 s3, s0;
	s1 =	sshll.u32 s1, $0x11  }
0xbb: {  	s0 =	sor.u32 s1, s0  }
0xbc: {  	s0 =	sadd.s32 $0x8F2B, s0  }
0xbd: {  	[sflag:s0] =	ssyncadd.remote.s32 $0x1  }
0xbe: {  	_ =	sfence.sel $0xFFFF  }
0xbf: {  	[dreg:$0x0] =	wrdreg $0xFFFFFFFF;
	(pc) =	sbr.abs _section_cstart, $3  }
0xc0: {  	[dreg:$0x1] =	wrdreg $0xFFFFFFFF  }
0xc1: {  	_ =	task.clear_ibuf [dreg:s6], $0x2FFFF;
	_ =	strace $0x9FFFFFFF  }
0xc2: {  	(tm) =	ssettm $0x7FFFFFFF  }
0xc3: {  	_ =	shalt  }
tec
execute0_lowered:
.L_overlay_start_1:
0x0: {  	(tag) =	ssettag $0x1  }
0x1: {  	s1 =	srdreg.scid;
	s5 =	rddreg [dreg:$0x0]  }
0x2: {  	s0 =	stileid.u32;
	s2 =	rddreg [dreg:$0x1];
	s3 =	simm.s32 $0x0  }
0x3: {  	s14 =	simm.s32 $0x80;
	s16 =	simm.s32 $0x3;
	s17 =	simm.s32 $0x0  }
0x4: {  	s4 =	sand.u32 $0x1, s1;
	s7 =	smul.u32 $0x13C00, s0;
	s1 =	rddreg [dreg:$0x2]  }
0x5: {  	s26 =	sshll.u32 s0, $0x1;
	[smem:$0x7FF] =	sst s3;
	s30 =	smul.u32 $0x4F000, s0  }
0x6: {  	s15 =	sshll.u32 s0, $0x6;
	s6 =	sor.u32 s4, s26;
	s9 =	smul.u32 $0x13C000, s4  }
0x7: {  	_ =	strace $0x80000047;
	s29 =	ssub.s32 $0x2, s4;
	s4 =	sadd.s32 $0x41000, s5  }
0x8: {  	s6 =	smul.u32 $0x500, s6;
	s8 =	sshrl.u32 s7, $0x3;
	s11 =	sshrl.u32 s29, $0x1  }
0x9: {  	s31 =	sshrl.u32 s30, $0x2;
	s28 =	sadd.s32 s8, s5;
	s7 =	sadd.s32 s7, s9  }
0xa: {  	s11 =	ssub.s32 s29, s11;
	s13 =	sadd.s32 s31, s2;
	s10 =	sadd.s32 s6, s5  }
0xb: {  	s7 =	sshrl.u32 s7, $0x3;
	s6 =	sor.u32 $0x1C02, s15;
	s9 =	smax.u32 s11, $0x1  }
0xc: {  	s11 =	simm.s32 $0x2800;
	s15 =	sor.u32 $0x1C03, s15;
	s12 =	sadd.s32 s7, s5  }
0xd: {  	s5 =	sadd.s32 $0x19800, s28;
	s7 =	sadd.s32 $0x5800, s10;
	s10 =	sshrl.u32 s13, $0x3  }
0xe: {  	s13 =	simm.s32 $0x2;
	s8 =	sadd.s32 $0x41800, s12;
	s12 =	simm.s32 $0x1  }
.LBB2_1:
0xf: {  	[spmem:s10], [sflag:s6] =	dma.local [hbm:s5], $0x2780  }
0x10: {  	[tilespmem:s11], [sflag:$0x1] =	stream.linear.gather [hbm4b:s4+s3], $0x4000, $0x38;
	[tilespmem:$0x1A400] =	vst v63  }
0x11: {  	_ = 	snop  }
0x12: {  	[tilespmem:s3], [sflag:$0x1] =	stream.linear.gather [hbm4b:s7+s3], $0x2800, $0x38;
	[tilespmem:$0x1A400] =	vst v63  }
0x13: {  	_ =	swait.ge [sflag:s12], $0x4000  }
0x14: {  	[sflag:s12] =	ssyncset.done $0x0  }
0x15: {  	[sflag:s12] =	ssyncadd.s32 $0xFFFFC000  }
0x16: {  	_ =	swait.ge [sflag:s12], $0x2800  }
0x17: {  	[sflag:s12] =	ssyncset.done $0x0  }
0x18: {  	[sflag:s12] =	ssyncadd.s32 $0xFFFFD800  }
0x19: {  	_ =	swait.ge [sflag:s13], $0x2780  }
0x1a: {  	[sflag:s13] =	ssyncset.done $0x0  }
0x1b: {  	[sflag:s13] =	ssyncadd.s32 $0xFFFFD880  }
0x1c: {  	s18 =	simm.s32 $0x0;
	[bflag:$0x0] =	sbarrier.arrive $0xFFFF  }
0x1d: {  	[spmem:s2] =	stream.indirect.scatter.add.f32 [tilespmem:s11], [sflag:$0x1], $0x80, s18, s14, $0xb8;
	[tilespmem:$0x1A400] =	vst v63  }
0x1e: {  	s24 =	simm.s32 $0x80  }
0x1f: {  	[spmem:s2] =	stream.indirect.scatter.add.f32 [tilespmem:s11], [sflag:$0x1], $0x80, s24, s14, $0xb8;
	[tilespmem:$0x1A400] =	vst v63  }
0x20: {  	s25 =	simm.s32 $0x100  }
0x21: {  	[spmem:s2] =	stream.indirect.scatter.add.f32 [tilespmem:s11], [sflag:$0x1], $0x80, s25, s14, $0xb8;
	[tilespmem:$0x1A400] =	vst v63  }
0x22: {  	s26 =	simm.s32 $0x180  }
0x23: {  	[spmem:s2] =	stream.indirect.scatter.add.f32 [tilespmem:s11], [sflag:$0x1], $0x80, s26, s14, $0xb8;
	[tilespmem:$0x1A400] =	vst v63  }
0x24: {  	s28 =	simm.s32 $0x200  }
0x25: {  	[spmem:s2] =	stream.indirect.scatter.add.f32 [tilespmem:s11], [sflag:$0x1], $0x80, s28, s14, $0xb8;
	[tilespmem:$0x1A400] =	vst v63  }
0x26: {  	s29 =	simm.s32 $0x280  }
0x27: {  	[spmem:s2] =	stream.indirect.scatter.add.f32 [tilespmem:s11], [sflag:$0x1], $0x80, s29, s14, $0xb8;
	[tilespmem:$0x1A400] =	vst v63  }
0x28: {  	s30 =	simm.s32 $0x300  }
0x29: {  	[spmem:s2] =	stream.indirect.scatter.add.f32 [tilespmem:s11], [sflag:$0x1], $0x80, s30, s14, $0xb8;
	[tilespmem:$0x1A400] =	vst v63  }
0x2a: {  	s31 =	simm.s32 $0x380  }
0x2b: {  	[spmem:s2] =	stream.indirect.scatter.add.f32 [tilespmem:s11], [sflag:$0x1], $0x80, s31, s14, $0xb8;
	[tilespmem:$0x1A400] =	vst v63  }
0x2c: {  	_ =	swait.ge [sflag:s12], $0x4000  }
0x2d: {  	[sflag:s12] =	ssyncset.done $0x0  }
0x2e: {  	[sflag:s12] =	ssyncadd.s32 $0xFFFFC000  }
0x2f: {  	_ =	swait.ge [sflag:s12], $0x4000  }
0x30: {  	[sflag:s12] =	ssyncset.done $0x0  }
0x31: {  	[sflag:s12] =	ssyncadd.s32 $0xFFFFC000  }
0x32: {  	_ =	swait.ge [sflag:s12], $0x4000  }
0x33: {  	[sflag:s12] =	ssyncset.done $0x0  }
0x34: {  	[sflag:s12] =	ssyncadd.s32 $0xFFFFC000  }
0x35: {  	_ =	swait.ge [sflag:s12], $0x4000  }
0x36: {  	[sflag:s12] =	ssyncset.done $0x0  }
0x37: {  	[sflag:s12] =	ssyncadd.s32 $0xFFFFC000  }
0x38: {  	_ =	swait.ge [sflag:s12], $0x4000  }
0x39: {  	[sflag:s12] =	ssyncset.done $0x0  }
0x3a: {  	[sflag:s12] =	ssyncadd.s32 $0xFFFFC000  }
0x3b: {  	_ =	swait.ge [sflag:s12], $0x4000  }
0x3c: {  	[sflag:s12] =	ssyncset.done $0x0  }
0x3d: {  	[sflag:s12] =	ssyncadd.s32 $0xFFFFC000  }
0x3e: {  	_ =	swait.ge [sflag:s12], $0x4000  }
0x3f: {  	[sflag:s12] =	ssyncset.done $0x0  }
0x40: {  	[sflag:s12] =	ssyncadd.s32 $0xFFFFC000  }
0x41: {  	_ =	swait.ge [sflag:s12], $0x4000  }
0x42: {  	s20 =	simm.s32 $0x2000;
	s18 =	simm.s32 $0x1000;
	[sflag:s12] =	ssyncset.done $0x0  }
.LBB2_2:
0x43: {  	s21 =	sshra.s32 s18, $0x2  }
0x44: {  	[sflag:s12] =	ssyncadd.s32 $0xFFFFC000;
	s18 =	smov.u32 s20;
	s19 =	sadd.s32 $0x1000, s20  }
0x45: {  	[spmem:s2] =	stream.indirect.scatter.add.f32 [tilespmem:s11], [sflag:$0x1], $0x80, s21, s14, $0xb8;
	[tilespmem:$0x1A400] =	vst v63  }
0x46: {  	p0 =	sne.s32 s20, $0x9000;
	s20 =	sadd.s32 $0x80, s21  }
0x47: {  	[spmem:s2] =	stream.indirect.scatter.add.f32 [tilespmem:s11], [sflag:$0x1], $0x80, s20, s14, $0xb8;
	[tilespmem:$0x1A400] =	vst v63  }
0x48: {  	s20 =	sadd.s32 $0x100, s21  }
0x49: {  	[spmem:s2] =	stream.indirect.scatter.add.f32 [tilespmem:s11], [sflag:$0x1], $0x80, s20, s14, $0xb8;
	[tilespmem:$0x1A400] =	vst v63  }
0x4a: {  	s20 =	sadd.s32 $0x180, s21  }
0x4b: {  	[spmem:s2] =	stream.indirect.scatter.add.f32 [tilespmem:s11], [sflag:$0x1], $0x80, s20, s14, $0xb8;
	[tilespmem:$0x1A400] =	vst v63  }
0x4c: {  	s20 =	sadd.s32 $0x200, s21  }
0x4d: {  	[spmem:s2] =	stream.indirect.scatter.add.f32 [tilespmem:s11], [sflag:$0x1], $0x80, s20, s14, $0xb8;
	[tilespmem:$0x1A400] =	vst v63  }
0x4e: {  	s20 =	sadd.s32 $0x280, s21  }
0x4f: {  	[spmem:s2] =	stream.indirect.scatter.add.f32 [tilespmem:s11], [sflag:$0x1], $0x80, s20, s14, $0xb8;
	[tilespmem:$0x1A400] =	vst v63  }
0x50: {  	s20 =	sadd.s32 $0x300, s21  }
0x51: {  	[spmem:s2] =	stream.indirect.scatter.add.f32 [tilespmem:s11], [sflag:$0x1], $0x80, s20, s14, $0xb8;
	[tilespmem:$0x1A400] =	vst v63  }
0x52: {  	s20 =	sadd.s32 $0x380, s21  }
0x53: {  	[spmem:s2] =	stream.indirect.scatter.add.f32 [tilespmem:s11], [sflag:$0x1], $0x80, s20, s14, $0xb8;
	[tilespmem:$0x1A400] =	vst v63  }
0x54: {  	_ =	swait.ge [sflag:s12], $0x4000  }
0x55: {  	[sflag:s12] =	ssyncset.done $0x0  }
0x56: {  	[sflag:s12] =	ssyncadd.s32 $0xFFFFC000  }
0x57: {  	_ =	swait.ge [sflag:s12], $0x4000  }
0x58: {  	[sflag:s12] =	ssyncset.done $0x0  }
0x59: {  	[sflag:s12] =	ssyncadd.s32 $0xFFFFC000  }
0x5a: {  	_ =	swait.ge [sflag:s12], $0x4000  }
0x5b: {  	[sflag:s12] =	ssyncset.done $0x0  }
0x5c: {  	[sflag:s12] =	ssyncadd.s32 $0xFFFFC000  }
0x5d: {  	_ =	swait.ge [sflag:s12], $0x4000  }
0x5e: {  	[sflag:s12] =	ssyncset.done $0x0  }
0x5f: {  	[sflag:s12] =	ssyncadd.s32 $0xFFFFC000  }
0x60: {  	_ =	swait.ge [sflag:s12], $0x4000  }
0x61: {  	[sflag:s12] =	ssyncset.done $0x0  }
0x62: {  	[sflag:s12] =	ssyncadd.s32 $0xFFFFC000  }
0x63: {  	_ =	swait.ge [sflag:s12], $0x4000  }
0x64: {  	[sflag:s12] =	ssyncset.done $0x0  }
0x65: {  	[sflag:s12] =	ssyncadd.s32 $0xFFFFC000  }
.Ltmp0:
0x66: {  	_ =	swait.ge [sflag:s12], $0x4000;
	(pc) =	sbr.rel @p0 .LBB2_2-.Ltmp0, $4  }
0x67: {  	[sflag:s12] =	ssyncset.done $0x0  }
0x68: {  	[sflag:s12] =	ssyncadd.s32 $0xFFFFC000  }
0x69: {  	_ =	swait.ge [sflag:s12], $0x4000  }
0x6a: {  	s20 =	smov.u32 s19;
	[sflag:s12] =	ssyncset.done $0x0  }
0x6b: {  	s18 =	sshra.s32 s18, $0x2;
	[sflag:s12] =	ssyncadd.s32 $0xFFFFC000  }
0x6c: {  	[spmem:s2] =	stream.indirect.scatter.add.f32 [tilespmem:s11], [sflag:$0x1], $0x80, s18, s14, $0xb8;
	[tilespmem:$0x1A400] =	vst v63  }
0x6d: {  	s19 =	sadd.s32 $0x80, s18  }
0x6e: {  	[spmem:s2] =	stream.indirect.scatter.add.f32 [tilespmem:s11], [sflag:$0x1], $0x80, s19, s14, $0xb8;
	[tilespmem:$0x1A400] =	vst v63  }
0x6f: {  	s26 =	sadd.s32 $0x100, s18  }
0x70: {  	[spmem:s2] =	stream.indirect.scatter.add.f32 [tilespmem:s11], [sflag:$0x1], $0x80, s26, s14, $0xb8;
	[tilespmem:$0x1A400] =	vst v63  }
0x71: {  	s28 =	sadd.s32 $0x180, s18  }
0x72: {  	[spmem:s2] =	stream.indirect.scatter.add.f32 [tilespmem:s11], [sflag:$0x1], $0x80, s28, s14, $0xb8;
	[tilespmem:$0x1A400] =	vst v63  }
0x73: {  	s29 =	sadd.s32 $0x200, s18  }
0x74: {  	[spmem:s2] =	stream.indirect.scatter.add.f32 [tilespmem:s11], [sflag:$0x1], $0x80, s29, s14, $0xb8;
	[tilespmem:$0x1A400] =	vst v63  }
0x75: {  	s30 =	sadd.s32 $0x280, s18  }
0x76: {  	[spmem:s2] =	stream.indirect.scatter.add.f32 [tilespmem:s11], [sflag:$0x1], $0x80, s30, s14, $0xb8;
	[tilespmem:$0x1A400] =	vst v63  }
0x77: {  	s31 =	sadd.s32 $0x300, s18  }
0x78: {  	[spmem:s2] =	stream.indirect.scatter.add.f32 [tilespmem:s11], [sflag:$0x1], $0x80, s31, s14, $0xb8;
	[tilespmem:$0x1A400] =	vst v63  }
0x79: {  	s18 =	sadd.s32 $0x380, s18  }
0x7a: {  	[spmem:s2] =	stream.indirect.scatter.add.f32 [tilespmem:s11], [sflag:$0x1], $0x80, s18, s14, $0xb8;
	[tilespmem:$0x1A400] =	vst v63  }
0x7b: {  	_ =	swait.ge [sflag:s12], $0x4000  }
0x7c: {  	[sflag:s12] =	ssyncset.done $0x0  }
0x7d: {  	[sflag:s12] =	ssyncadd.s32 $0xFFFFC000  }
0x7e: {  	_ =	swait.ge [sflag:s12], $0x4000  }
0x7f: {  	[sflag:s12] =	ssyncset.done $0x0  }
0x80: {  	[sflag:s12] =	ssyncadd.s32 $0xFFFFC000  }
0x81: {  	_ =	swait.ge [sflag:s12], $0x4000  }
0x82: {  	[sflag:s12] =	ssyncset.done $0x0  }
0x83: {  	[sflag:s12] =	ssyncadd.s32 $0xFFFFC000  }
0x84: {  	_ =	swait.ge [sflag:s12], $0x4000  }
0x85: {  	[sflag:s12] =	ssyncset.done $0x0  }
0x86: {  	[sflag:s12] =	ssyncadd.s32 $0xFFFFC000  }
0x87: {  	_ =	swait.ge [sflag:s12], $0x4000  }
0x88: {  	[sflag:s12] =	ssyncset.done $0x0  }
0x89: {  	[sflag:s12] =	ssyncadd.s32 $0xFFFFC000  }
0x8a: {  	_ =	swait.ge [sflag:s12], $0x4000  }
0x8b: {  	[sflag:s12] =	ssyncset.done $0x0  }
0x8c: {  	[sflag:s12] =	ssyncadd.s32 $0xFFFFC000  }
0x8d: {  	_ =	swait.ge [sflag:s12], $0x4000  }
0x8e: {  	[sflag:s12] =	ssyncset.done $0x0  }
0x8f: {  	[sflag:s12] =	ssyncadd.s32 $0xFFFFC000  }
0x90: {  	_ =	swait.ge [sflag:s12], $0x4000  }
0x91: {  	s17 =	sadd.s32 $0x1, s17;
	[sflag:s12] =	ssyncset.done $0x0  }
0x92: {  	p0 =	sne.s32 s17, s9;
	[sflag:s12] =	ssyncadd.s32 $0xFFFFC000  }
.Ltmp1:
0x93: {  	[bflag:$0x0] =	sbarrier.arrive $0xFFFF;
	(pc) =	sbr.rel @p0 .LBB2_1-.Ltmp1, $4  }
0x94: {  	[hbm:s8], [sflag:s15] =	dma.local [spmem:s10], $0x2780  }
0x95: {  	_ =	swait.ge [sflag:s16], $0x2780  }
0x96: {  	[sflag:s16] =	ssyncset.done $0x0  }
0x97: {  	[sflag:s16] =	ssyncadd.s32 $0xFFFFD880  }
0x98: {  	_ =	sfence.sel $0x180000  }
0x99: {  	[bflag:$0x0] =	sbarrier.arrive $0xFFFF  }
0x9a: {  	p0 =	sne.s32 s0, $0x0;
	_ =	strace $0x90000047  }
0x9b: {  	s0 =	sadd.s32 @!p0 $0x100000, s1;
	[bflag:$0x2] =	sbarrier.arrive $0xFFFF  }
0x9c: {  	[sflag:s0] =	ssyncadd.tile.s32 @!p0 $0x1;
	_ =	shalt  }
.Lfunc_end2:
_tile_overlayer_lowered:
.L_overlay_start_2:
0x9d: {  	(tag) =	ssettag $0x2  }
0x9e: {  	s0 =	rddreg [dreg:$0x0];
	s2 =	stileid.u32  }
0x9f: {  	s1 =	rddreg [dreg:$0x1];
	p0 =	sne.s32 s2, $0x0  }
0xa0: {  	s3 =	rddreg [dreg:$0x2];
	[bflag:$0x3] =	sbarrier.arrive $0xFFFF;
	s2 =	simm.s32 @!p0 $0x1C03  }
0xa1: {  	[timem:s3], [sflag:s2] =	dma.local @!p0 [hbm:s0], s1  }
0xa2: {  	s0 =	simm.s32 @!p0 $0x3  }
0xa3: {  	_ =	swait.ge @!p0 [sflag:s0], s1  }
0xa4: {  	s1 =	ssub.s32 @!p0 $0x0, s1;
	[sflag:s0] =	ssyncset.done @!p0 $0x0  }
0xa5: {  	[sflag:s0] =	ssyncadd.s32 @!p0 s1  }
0xa6: {  	[bflag:$0x3] =	sbarrier.arrive $0xFFFF  }
0xa7: {  	_ =	shalt  }

// kernel: kernel.14.cloned.1.call-start
scs
__scs_entry_jumppad:
0x0: {  	(pc) =	sbr.rel $0x88, $3  }
0x1: {  	(tag) =	ssettag $0x0;
	lr =	simm.s32 $0x1  }
0x2: {  	[smem:$0x3F94] =	sst lr;
	_ =	strace $0xD0000000  }
0x3: {  	_ = 	snop  }
0x4: {  	_ = 	snop  }
0x5: {  	_ = 	snop  }
0x6: {  	_ = 	snop  }
0x7: {  	_ = 	snop  }
__scs_overlays_trampoline_lowered:
0x8: {  	[smem:$0x3FA3] =	sst s0  }
0x9: {  	[smem:$0x3FA4] =	sst s1  }
0xa: {  	[smem:$0x3FA5] =	sst s2  }
0xb: {  	[smem:$0x3FA6] =	sst s3  }
0xc: {  	[smem:$0x3FA7] =	sst s4  }
0xd: {  	[smem:$0x3FA8] =	sst s5  }
0xe: {  	[smem:$0x3FA9] =	sst s6  }
0xf: {  	[smem:$0x3FAA] =	sst s7  }
0x10: {  	[smem:$0x3FAB] =	sst s8  }
0x11: {  	[smem:$0x3FAC] =	sst s9;
	s0 =	simm.s32 @!p0 $0x0  }
0x12: {  	s1 =	sld [smem:$0x3F92];
	s0 =	simm.s32 @p0 $0x1  }
0x13: {  	[smem:$0x3FAD] =	sst s0;
	s0 =	simm.s32 @!p1 $0x0  }
0x14: {  	s2 =	sld [smem:$0x3F91];
	s0 =	simm.s32 @p1 $0x1  }
0x15: {  	[smem:$0x3FAE] =	sst s0;
	s0 =	simm.s32 @!p2 $0x0  }
0x16: {  	s3 =	sld [smem:$0x3FDB];
	s0 =	simm.s32 @p2 $0x1  }
0x17: {  	s4 =	simm.s32 $0x1BF5;
	[smem:$0x3FB0] =	sst s0  }
0x18: {  	s0 =	sld [smem:$0x3F93];
	_ =	swait.ge [sflag:s4], $0x0  }
0x19: {  	s7 =	sld [smem:$0x3F94]  }
0x1a: {  	s8 =	sadd.s32 $0xFFFFE003, lr  }
0x1b: {  	s9 =	sadd.s32 $0xFFFFFEF7, lr;
	s5 =	simm.s32 $0xFFFFFFFF;
	p2 =	slt.u32 s8, $0xFFFFF086  }
0x1c: {  	p1 =	slt.u32 s9, $0xF7A;
	s5 =	simm.s32 @!p2 $0x0  }
0x1d: {  	s5 =	simm.s32 @p1 $0x1;
	p0 =	seq.s32 s7, s2  }
0x1e: {  	s7 =	smul.u32 @!p0 $0xF7A, s2;
	p2 =	seq.s32 @!p0 s5, $0x0  }
0x1f: {  	s9 =	smul.u32 $0xF7A, s1;
	s8 =	simm.s32 @!p0 $0x1BF5;
	p2 =	por !p2, p0  }
0x20: {  	[sflag:s8] =	ssyncset.s32 @!p0 $0xFFFFF086;
	s6 =	sadd.s32 @!p0 s3, s7;
	s7 =	simm.s32 @!p0 $0x108  }
0x21: {  	s3 =	sadd.s32 s3, s9;
	s6 =	sadd.s32 @!p0 $0x88, s6;
	s7 =	simm.s32 @p2 $0x1082  }
0x22: {  	[simem:s7], [sflag:s8] =	dma.local @!p0 [hbm:s6], $0xF7A  }
0x23: {  	s9 =	sor.u32 $0xD0000000, s2;
	s6 =	simm.s32 $0x108;
	_ =	swait.ge @!p0 [sflag:s8], $0x0  }
0x24: {  	s3 =	sadd.s32 $0x88, s3;
	s6 =	simm.s32 @!p1 $0x1082;
	[sflag:s4] =	ssyncset.s32 $0xFFFFF086  }
0x25: {  	[simem:s6], [sflag:s4] =	dma.local [hbm:s3], $0xF7A  }
0x26: {  	[smem:$0x3F94] =	sst s1;
	(tag) =	ssettag s2;
	_ =	strace s9  }
0x27: {  	s1 =	sld [smem:$0x3FA4]  }
0x28: {  	s2 =	sld [smem:$0x3FA5]  }
0x29: {  	s4 =	sld [smem:$0x3FA7]  }
0x2a: {  	p0 =	seq.s32 s5, $0x0;
	s5 =	sld [smem:$0x3FA8]  }
0x2b: {  	s6 =	sld [smem:$0x3FA9]  }
0x2c: {  	s7 =	sld [smem:$0x3FAA]  }
0x2d: {  	s3 =	simm.s32 $0x108;
	s8 =	sld [smem:$0x3FAB]  }
0x2e: {  	s3 =	simm.s32 @!p0 $0x1082;
	s9 =	sld [smem:$0x3FAC]  }
0x2f: {  	lr =	sadd.s32 s0, s3;
	s0 =	sld [smem:$0x3FA3]  }
0x30: {  	s3 =	sld [smem:$0x3FA6]  }
0x31: {  	[smem:$0x3FAF] =	sst s10  }
0x32: {  	s10 =	sld [smem:$0x3FAD];
	_ =	sdelay $0x3  }
0x33: {  	p0 =	seq.s32 s10, $0x1;
	s10 =	sld [smem:$0x3FAF];
	_ =	sdelay $0x3  }
0x34: {  	[smem:$0x3FAF] =	sst s10  }
0x35: {  	s10 =	sld [smem:$0x3FAE];
	_ =	sdelay $0x3  }
0x36: {  	p1 =	seq.s32 s10, $0x1;
	s10 =	sld [smem:$0x3FAF];
	_ =	sdelay $0x3  }
0x37: {  	[smem:$0x3FAF] =	sst s10  }
0x38: {  	s10 =	sld [smem:$0x3FB0]  }
0x39: {  	_ = 	snop;
	(pc) =	sbr.ind lr, $3  }
0x3a: {  	_ = 	snop  }
0x3b: {  	_ = 	snop  }
0x3c: {  	p2 =	seq.s32 s10, $0x1;
	s10 =	sld [smem:$0x3FAF]  }
0x3d: {  	_ =	shalt  }
0x3e: {  	_ =	shalt  }
0x3f: {  	_ =	shalt  }
0x40: {  	_ =	shalt  }
0x41: {  	_ =	shalt  }
0x42: {  	_ =	shalt  }
0x43: {  	_ =	shalt  }
0x44: {  	_ =	shalt  }
0x45: {  	_ =	shalt  }
0x46: {  	_ =	shalt  }
0x47: {  	_ =	shalt  }
0x48: {  	_ =	shalt  }
0x49: {  	_ =	shalt  }
0x4a: {  	_ =	shalt  }
0x4b: {  	_ =	shalt  }
0x4c: {  	_ =	shalt  }
0x4d: {  	_ =	shalt  }
0x4e: {  	_ =	shalt  }
0x4f: {  	_ =	shalt  }
0x50: {  	_ =	shalt  }
0x51: {  	_ =	shalt  }
0x52: {  	_ =	shalt  }
0x53: {  	_ =	shalt  }
0x54: {  	_ =	shalt  }
0x55: {  	_ =	shalt  }
0x56: {  	_ =	shalt  }
0x57: {  	_ =	shalt  }
0x58: {  	_ =	shalt  }
0x59: {  	_ =	shalt  }
0x5a: {  	_ =	shalt  }
0x5b: {  	_ =	shalt  }
0x5c: {  	_ =	shalt  }
0x5d: {  	_ =	shalt  }
0x5e: {  	_ =	shalt  }
0x5f: {  	_ =	shalt  }
0x60: {  	_ =	shalt  }
0x61: {  	_ =	shalt  }
0x62: {  	_ =	shalt  }
0x63: {  	_ =	shalt  }
0x64: {  	_ =	shalt  }
0x65: {  	_ =	shalt  }
0x66: {  	_ =	shalt  }
0x67: {  	_ =	shalt  }
0x68: {  	_ =	shalt  }
0x69: {  	_ =	shalt  }
0x6a: {  	_ =	shalt  }
0x6b: {  	_ =	shalt  }
0x6c: {  	_ =	shalt  }
0x6d: {  	_ =	shalt  }
0x6e: {  	_ =	shalt  }
0x6f: {  	_ =	shalt  }
0x70: {  	_ =	shalt  }
0x71: {  	_ =	shalt  }
0x72: {  	_ =	shalt  }
0x73: {  	_ =	shalt  }
0x74: {  	_ =	shalt  }
0x75: {  	_ =	shalt  }
0x76: {  	_ =	shalt  }
0x77: {  	_ =	shalt  }
0x78: {  	_ =	shalt  }
0x79: {  	_ =	shalt  }
0x7a: {  	_ =	shalt  }
0x7b: {  	_ =	shalt  }
0x7c: {  	_ =	shalt  }
0x7d: {  	_ =	shalt  }
0x7e: {  	_ =	shalt  }
0x7f: {  	_ =	shalt  }
0x80: {  	_ =	shalt  }
0x81: {  	_ =	shalt  }
0x82: {  	_ =	shalt  }
0x83: {  	_ =	shalt  }
0x84: {  	_ =	shalt  }
0x85: {  	_ =	shalt  }
0x86: {  	_ =	shalt  }
0x87: {  	_ =	shalt  }
.Lfunc_end0:
.L_simem_size_0:
called_computation.1_lowered:
.L_overlay_start_0:
0x88: {  	s2 =	sld [smem:$0x3FD9]  }
0x89: {  	s3 =	sld [smem:$0x3FFE];
	_ =	sdelay $0x1  }
0x8a: {  	s1 =	srdreg.scid  }
0x8b: {  	s0 =	sand.u32 $0x1, s1  }
0x8c: {  	s16 =	sshll.u32 s0, $0xA;
	s2 =	sadd.s32 s3, s2  }
0x8d: {  	s2 =	sadd.s32 s2, s16  }
0x8e: {  	[smem:$0x3FBB] =	sst s2  }
0x8f: {  	_ = 	snop  }
0x90: {  	(tm) =	ssettm $0x1  }
0x91: {  	s17 =	sld [smem:$0x3FFB];
	_ =	sdelay $0x3  }
0x92: {  	_ =	strace s17  }
0x93: {  	s2 =	sld [smem:$0x3FFC];
	_ =	sdelay $0x3  }
0x94: {  	_ =	strace s2  }
0x95: {  	s2 =	sld [smem:$0x3FFD];
	_ =	sdelay $0x3  }
0x96: {  	_ =	strace s2  }
0x97: {  	_ =	strace $0x8FFFFFFF  }
0x98: {  	s18 =	sld [smem:$0x3FDB];
	_ =	sdelay $0x1  }
0x99: {  	s19 =	simm.s32 $_scs_section_size  }
0x9a: {  	s4 =	simm.s32 $_size__tile_overlayer_lowered;
	s5 =	simm.s32 $_tile_overlayer_lowered  }
0x9b: {  	s22 =	simm.s32 $0x1BFF;
	s21 =	sshll.u32 s5, $0x1;
	s2 =	sadd.s32 s19, s18  }
0x9c: {  	s6 =	simm.s32 $0x0;
	s20 =	sshll.u32 s4, $0x1;
	s4 =	sadd.s32 s21, s2  }
0x9d: {  	[timem:s6], [sflag:s22] =	dma.local [hbm:s4], s20  }
0x9e: {  	_ =	swait.ge [sflag:s22], s20  }
0x9f: {  	s3 =	ssub.s32 $0x0, s20;
	[sflag:s22] =	ssyncset.done $0x0  }
0xa0: {  	[sflag:s22] =	ssyncadd.s32 s3;
	_ =	sdelay $0x1  }
0xa1: {  	s23 =	simm.s32 $0x1B8B  }
0xa2: {  	_ =	swait.ge [sflag:s23], $0x1  }
0xa3: {  	[sflag:s23] =	ssyncset.done $0x0  }
0xa4: {  	s25 =	simm.s32 $0x1B8E;
	s24 =	sld [smem:$0x3FFE];
	[sflag:s23] =	ssyncadd.s32 $0xFFFFFFFF  }
0xa5: {  	s26 =	simm.s32 $execute0_lowered;
	[smem:$0x3FD2] =	sst s25  }
0xa6: {  	s4 =	sshll.u32 s26, $0x1;
	_ =	strace $0x80000049;
	[dreg:$0x1] =	wrdreg $0xFFFFFFFF  }
0xa7: {  	s28 =	simm.s32 $_size_execute0_lowered;
	s2 =	sadd.s32 s2, s4;
	[dreg:$0x0] =	wrdreg $0x0  }
0xa8: {  	s4 =	sshll.u32 s28, $0x1;
	[dreg:$0x2] =	wrdreg s2  }
0xa9: {  	[dreg:$0x3] =	wrdreg s4  }
0xaa: {  	[dreg:$0x4] =	wrdreg $0xC0  }
0xab: {  	_ =	task [dreg:s6], $0x5FFFF  }
0xac: {  	[dreg:$0x1] =	wrdreg $0xFFFFFFFF  }
0xad: {  	[dreg:$0x0] =	wrdreg $0x60  }
0xae: {  	[dreg:$0x2] =	wrdreg s24  }
0xaf: {  	[dreg:$0x3] =	wrdreg $0xBC000  }
0xb0: {  	[dreg:$0x4] =	wrdreg $0x9  }
0xb1: {  	_ =	task.clear_ibuf [dreg:s6], $0x5FFFF;
	_ =	strace $0x90000049  }
0xb2: {  	s29 =	simm.s32 $0x9;
	_ =	strace $0x8000004B  }
0xb3: {  	_ =	swait.ge [sflag:s29], $0x1  }
0xb4: {  	[sflag:s29] =	ssyncadd.s32 $0xFFFFFFFF  }
0xb5: {  	_ =	strace $0x9000004B  }
0xb6: {  	_ =	sfence  }
0xb7: {  	s30 =	sld [smem:$0x0];
	_ =	sdelay $0x2  }
0xb8: {  	s31 =	sshll.u32 s1, $0xD;
	s1 =	sshrl.u32 s1, $0x2  }
0xb9: {  	s3 =	sand.u32 $0x4000, s31;
	s1 =	sadd.s32 s1, s30  }
0xba: {  	s0 =	sor.u32 s3, s0;
	s1 =	sshll.u32 s1, $0x11  }
0xbb: {  	s0 =	sor.u32 s1, s0  }
0xbc: {  	s0 =	sadd.s32 $0x8F2B, s0  }
0xbd: {  	[sflag:s0] =	ssyncadd.remote.s32 $0x1  }
0xbe: {  	_ =	sfence.sel $0xFFFF  }
0xbf: {  	[dreg:$0x0] =	wrdreg $0xFFFFFFFF;
	(pc) =	sbr.abs _section_cstart, $3  }
0xc0: {  	[dreg:$0x1] =	wrdreg $0xFFFFFFFF  }
0xc1: {  	_ =	task.clear_ibuf [dreg:s6], $0x2FFFF;
	_ =	strace $0x9FFFFFFF  }
0xc2: {  	(tm) =	ssettm $0x7FFFFFFF  }
0xc3: {  	_ =	shalt  }
tec
execute0_lowered:
.L_overlay_start_1:
0x0: {  	(tag) =	ssettag $0x1  }
0x1: {  	s1 =	srdreg.scid;
	s6 =	rddreg [dreg:$0x0]  }
0x2: {  	s0 =	stileid.u32;
	s2 =	rddreg [dreg:$0x1]  }
0x3: {  	s3 =	simm.s32 $0x0;
	s14 =	simm.s32 $0x1;
	s15 =	simm.s32 $0x2  }
0x4: {  	s16 =	simm.s32 $0x80;
	s17 =	simm.s32 $0x3C00;
	s18 =	simm.s32 $0x7C00  }
0x5: {  	s19 =	simm.s32 $0x3;
	s20 =	simm.s32 $0x4;
	s21 =	simm.s32 $0x3B00  }
0x6: {  	s22 =	simm.s32 $0x3B80;
	s24 =	simm.s32 $0x0;
	s5 =	sand.u32 $0x1, s1  }
0x7: {  	s26 =	sshll.u32 s0, $0x1;
	s8 =	smul.u32 $0x13C00, s0;
	[smem:$0x7FF] =	sst s3  }
0x8: {  	s4 =	sadd.s32 $0x41000, s6;
	s29 =	smul.u32 $0x4F000, s0;
	s23 =	sshll.u32 s0, $0x6  }
0x9: {  	s1 =	sor.u32 s5, s26;
	s9 =	smul.u32 $0x13C000, s5;
	s5 =	ssub.s32 $0x2, s5  }
0xa: {  	s7 =	smul.u32 $0x2800, s1;
	s1 =	rddreg [dreg:$0x2];
	_ =	strace $0x8000004A  }
0xb: {  	s28 =	sshrl.u32 s8, $0x3;
	s30 =	sshrl.u32 s5, $0x1;
	s31 =	sshrl.u32 s29, $0x2  }
0xc: {  	s8 =	sadd.s32 s8, s9;
	s12 =	ssub.s32 s5, s30;
	s7 =	sshrl.u32 s7, $0x3  }
0xd: {  	s13 =	sadd.s32 s31, s2;
	s8 =	sshrl.u32 s8, $0x3;
	s10 =	sadd.s32 s7, s6  }
0xe: {  	s7 =	sadd.s32 s28, s6;
	s11 =	sadd.s32 s8, s6;
	s6 =	sor.u32 $0x1C03, s23  }
0xf: {  	s23 =	sor.u32 $0x1C04, s23;
	s5 =	sadd.s32 $0x19800, s7;
	s7 =	sadd.s32 $0xF800, s10  }
0x10: {  	s8 =	sadd.s32 $0x5800, s10;
	s9 =	sadd.s32 $0x5A80, s10;
	s10 =	sadd.s32 $0x8F400, s11  }
0x11: {  	s11 =	smax.u32 s12, $0x1;
	s12 =	sshrl.u32 s13, $0x3;
	s13 =	simm.s32 $0x2800  }
.LBB2_1:
0x12: {  	[spmem:s12], [sflag:s6] =	dma.local [hbm:s5], $0x2780  }
0x13: {  	[tilespmem:s3], [sflag:$0x1] =	stream.linear.gather [hbm4b:s7+s3], $0x2800, $0x38;
	[tilespmem:$0x1F800] =	vst v63  }
0x14: {  	_ = 	snop  }
0x15: {  	[tilespmem:s13], [sflag:$0x2] =	stream.linear.gather [hbm4b:s8+s3], $0x1400, $0x38;
	[tilespmem:$0x1F800] =	vst v63  }
0x16: {  	_ =	swait.ge [sflag:s14], $0x2800  }
0x17: {  	[sflag:s14] =	ssyncset.done $0x0  }
0x18: {  	[sflag:s14] =	ssyncadd.s32 $0xFFFFD800  }
0x19: {  	_ =	swait.ge [sflag:s15], $0x1400  }
0x1a: {  	[sflag:s15] =	ssyncset.done $0x0  }
0x1b: {  	[sflag:s15] =	ssyncadd.s32 $0xFFFFEC00  }
0x1c: {  	[tilespmem:s17], [sflag:$0x1] =	stream.indirect.gather [hbm4b:s4+s16], $0x80, s3, s16, $0xb8;
	[tilespmem:$0x1F800] =	vst v63  }
0x1d: {  	_ = 	snop  }
0x1e: {  	[tilespmem:s18], [sflag:$0x2] =	stream.indirect.gather [hbm4b:s4+s16], $0x80, s16, s16, $0xb8;
	[tilespmem:$0x1F800] =	vst v63  }
0x1f: {  	_ =	swait.ge [sflag:s19], $0x2780  }
0x20: {  	[sflag:s19] =	ssyncset.done $0x0  }
0x21: {  	[sflag:s19] =	ssyncadd.s32 $0xFFFFD880  }
0x22: {  	[bflag:$0x0] =	sbarrier.arrive $0xFFFF  }
0x23: {  	_ =	swait.ge [sflag:s14], $0x4000  }
0x24: {  	[sflag:s14] =	ssyncset.done $0x0  }
0x25: {  	s25 =	simm.s32 $0x2800;
	[sflag:s14] =	ssyncadd.s32 $0xFFFFC000  }
0x26: {  	[spmem:s2] =	stream.indirect.scatter.add.f32 [tilespmem:s17], [sflag:$0x4], $0x80, s25, s16, $0xb8;
	[tilespmem:$0x1F800] =	vst v63  }
0x27: {  	_ =	swait.ge [sflag:s20], $0x4000  }
0x28: {  	[sflag:s20] =	ssyncset.done $0x0  }
0x29: {  	s30 =	simm.s32 $0x100;
	[sflag:s20] =	ssyncadd.s32 $0xFFFFC000  }
0x2a: {  	[tilespmem:s17], [sflag:$0x1] =	stream.indirect.gather [hbm4b:s4+s16], $0x80, s30, s16, $0xb8;
	[tilespmem:$0x1F800] =	vst v63  }
0x2b: {  	_ =	swait.ge [sflag:s15], $0x4000  }
0x2c: {  	[sflag:s15] =	ssyncset.done $0x0  }
0x2d: {  	s31 =	simm.s32 $0x2880;
	[sflag:s15] =	ssyncadd.s32 $0xFFFFC000  }
0x2e: {  	[spmem:s2] =	stream.indirect.scatter.add.f32 [tilespmem:s18], [sflag:$0x4], $0x80, s31, s16, $0xb8;
	[tilespmem:$0x1F800] =	vst v63  }
0x2f: {  	_ =	swait.ge [sflag:s20], $0x4000  }
0x30: {  	[sflag:s20] =	ssyncset.done $0x0  }
0x31: {  	s26 =	simm.s32 $0x180;
	s25 =	simm.s32 $0x400;
	[sflag:s20] =	ssyncadd.s32 $0xFFFFC000  }
.LBB2_2:
0x32: {  	[tilespmem:s18], [sflag:$0x2] =	stream.indirect.gather [hbm4b:s4+s16], $0x80, s26, s16, $0xb8;
	[tilespmem:$0x1F800] =	vst v63  }
0x33: {  	s26 =	smov.u32 s25  }
0x34: {  	p0 =	sne.s32 s25, $0x4C00;
	s25 =	sadd.s32 $0x400, s25;
	_ =	swait.ge [sflag:s14], $0x4000  }
0x35: {  	s26 =	sshra.s32 s26, $0x2;
	[sflag:s14] =	ssyncset.done $0x0  }
0x36: {  	s28 =	sadd.s32 $0x2800, s26;
	[sflag:s14] =	ssyncadd.s32 $0xFFFFC000  }
0x37: {  	[spmem:s2] =	stream.indirect.scatter.add.f32 [tilespmem:s17], [sflag:$0x4], $0x80, s28, s16, $0xb8;
	[tilespmem:$0x1F800] =	vst v63  }
0x38: {  	_ =	swait.ge [sflag:s20], $0x4000  }
0x39: {  	[sflag:s20] =	ssyncset.done $0x0  }
0x3a: {  	s28 =	sadd.s32 $0x100, s26;
	[sflag:s20] =	ssyncadd.s32 $0xFFFFC000  }
0x3b: {  	[tilespmem:s17], [sflag:$0x1] =	stream.indirect.gather [hbm4b:s4+s16], $0x80, s28, s16, $0xb8;
	[tilespmem:$0x1F800] =	vst v63  }
0x3c: {  	_ =	swait.ge [sflag:s15], $0x4000  }
0x3d: {  	[sflag:s15] =	ssyncset.done $0x0  }
.Ltmp0:
0x3e: {  	s28 =	sadd.s32 $0x2880, s26;
	[sflag:s15] =	ssyncadd.s32 $0xFFFFC000;
	(pc) =	sbr.rel @p0 .LBB2_2-.Ltmp0, $4  }
0x3f: {  	[spmem:s2] =	stream.indirect.scatter.add.f32 [tilespmem:s18], [sflag:$0x4], $0x80, s28, s16, $0xb8;
	[tilespmem:$0x1F800] =	vst v63  }
0x40: {  	_ =	swait.ge [sflag:s20], $0x4000  }
0x41: {  	[sflag:s20] =	ssyncset.done $0x0  }
0x42: {  	s26 =	sadd.s32 $0x180, s26;
	[sflag:s20] =	ssyncadd.s32 $0xFFFFC000  }
0x43: {  	[tilespmem:s18], [sflag:$0x2] =	stream.indirect.gather [hbm4b:s4+s16], $0x80, s26, s16, $0xb8;
	[tilespmem:$0x1F800] =	vst v63  }
0x44: {  	s25 =	simm.s32 $0x0  }
0x45: {  	[tilespmem:s13], [sflag:$0x4] =	stream.linear.gather [hbm4b:s9+s25], $0x1400, $0x38;
	[tilespmem:$0x1F800] =	vst v63  }
0x46: {  	_ =	swait.ge [sflag:s20], $0x1400  }
0x47: {  	[sflag:s20] =	ssyncset.done $0x0  }
0x48: {  	[sflag:s20] =	ssyncadd.s32 $0xFFFFEC00  }
0x49: {  	_ =	swait.ge [sflag:s14], $0x4000  }
0x4a: {  	[sflag:s14] =	ssyncset.done $0x0  }
0x4b: {  	s29 =	simm.s32 $0x2800;
	[sflag:s14] =	ssyncadd.s32 $0xFFFFC000  }
0x4c: {  	[spmem:s2] =	stream.indirect.scatter.add.f32 [tilespmem:s17], [sflag:$0x4], $0x80, s29, s16, $0xb8;
	[tilespmem:$0x1F800] =	vst v63  }
0x4d: {  	_ =	swait.ge [sflag:s20], $0x4000  }
0x4e: {  	[sflag:s20] =	ssyncset.done $0x0  }
0x4f: {  	s30 =	simm.s32 $0x1500;
	[sflag:s20] =	ssyncadd.s32 $0xFFFFC000  }
0x50: {  	[tilespmem:s17], [sflag:$0x1] =	stream.indirect.gather [hbm4b:s4+s16], $0x80, s30, s16, $0xb8;
	[tilespmem:$0x1F800] =	vst v63  }
0x51: {  	_ =	swait.ge [sflag:s15], $0x4000  }
0x52: {  	[sflag:s15] =	ssyncset.done $0x0  }
0x53: {  	s31 =	simm.s32 $0x2880;
	[sflag:s15] =	ssyncadd.s32 $0xFFFFC000  }
0x54: {  	[spmem:s2] =	stream.indirect.scatter.add.f32 [tilespmem:s18], [sflag:$0x4], $0x80, s31, s16, $0xb8;
	[tilespmem:$0x1F800] =	vst v63  }
0x55: {  	_ =	swait.ge [sflag:s20], $0x4000  }
0x56: {  	[sflag:s20] =	ssyncset.done $0x0  }
0x57: {  	s26 =	simm.s32 $0x1580;
	s25 =	simm.s32 $0x400;
	[sflag:s20] =	ssyncadd.s32 $0xFFFFC000  }
.LBB2_4:
0x58: {  	[tilespmem:s18], [sflag:$0x2] =	stream.indirect.gather [hbm4b:s4+s16], $0x80, s26, s16, $0xb8;
	[tilespmem:$0x1F800] =	vst v63  }
0x59: {  	s26 =	smov.u32 s25  }
0x5a: {  	p0 =	sne.s32 s25, $0x4800;
	s25 =	sadd.s32 $0x400, s25;
	_ =	swait.ge [sflag:s14], $0x4000  }
0x5b: {  	s26 =	sshra.s32 s26, $0x2;
	[sflag:s14] =	ssyncset.done $0x0  }
0x5c: {  	s28 =	sadd.s32 $0x2800, s26;
	[sflag:s14] =	ssyncadd.s32 $0xFFFFC000  }
0x5d: {  	[spmem:s2] =	stream.indirect.scatter.add.f32 [tilespmem:s17], [sflag:$0x4], $0x80, s28, s16, $0xb8;
	[tilespmem:$0x1F800] =	vst v63  }
0x5e: {  	_ =	swait.ge [sflag:s20], $0x4000  }
0x5f: {  	[sflag:s20] =	ssyncset.done $0x0  }
0x60: {  	s28 =	sadd.s32 $0x1500, s26;
	[sflag:s20] =	ssyncadd.s32 $0xFFFFC000  }
0x61: {  	[tilespmem:s17], [sflag:$0x1] =	stream.indirect.gather [hbm4b:s4+s16], $0x80, s28, s16, $0xb8;
	[tilespmem:$0x1F800] =	vst v63  }
0x62: {  	_ =	swait.ge [sflag:s15], $0x4000  }
0x63: {  	[sflag:s15] =	ssyncset.done $0x0  }
.Ltmp1:
0x64: {  	s28 =	sadd.s32 $0x2880, s26;
	[sflag:s15] =	ssyncadd.s32 $0xFFFFC000;
	(pc) =	sbr.rel @p0 .LBB2_4-.Ltmp1, $4  }
0x65: {  	[spmem:s2] =	stream.indirect.scatter.add.f32 [tilespmem:s18], [sflag:$0x4], $0x80, s28, s16, $0xb8;
	[tilespmem:$0x1F800] =	vst v63  }
0x66: {  	_ =	swait.ge [sflag:s20], $0x4000  }
0x67: {  	[sflag:s20] =	ssyncset.done $0x0  }
0x68: {  	s26 =	sadd.s32 $0x1580, s26;
	[sflag:s20] =	ssyncadd.s32 $0xFFFFC000  }
0x69: {  	[tilespmem:s18], [sflag:$0x2] =	stream.indirect.gather [hbm4b:s4+s16], $0x80, s26, s16, $0xb8;
	[tilespmem:$0x1F800] =	vst v63  }
0x6a: {  	_ =	swait.ge [sflag:s14], $0x4000  }
0x6b: {  	[sflag:s14] =	ssyncset.done $0x0  }
0x6c: {  	[sflag:s14] =	ssyncadd.s32 $0xFFFFC000  }
0x6d: {  	[spmem:s2] =	stream.indirect.scatter.add.f32 [tilespmem:s17], [sflag:$0x4], $0x80, s21, s16, $0xb8;
	[tilespmem:$0x1F800] =	vst v63  }
0x6e: {  	_ =	swait.ge [sflag:s20], $0x4000  }
0x6f: {  	[sflag:s20] =	ssyncset.done $0x0  }
0x70: {  	[sflag:s20] =	ssyncadd.s32 $0xFFFFC000  }
0x71: {  	_ =	swait.ge [sflag:s15], $0x4000  }
0x72: {  	[sflag:s15] =	ssyncset.done $0x0  }
0x73: {  	[sflag:s15] =	ssyncadd.s32 $0xFFFFC000  }
0x74: {  	[spmem:s2] =	stream.indirect.scatter.add.f32 [tilespmem:s18], [sflag:$0x4], $0x80, s22, s16, $0xb8;
	[tilespmem:$0x1F800] =	vst v63  }
0x75: {  	_ =	swait.ge [sflag:s20], $0x4000  }
0x76: {  	s24 =	sadd.s32 $0x1, s24;
	[sflag:s20] =	ssyncset.done $0x0  }
0x77: {  	p0 =	sne.s32 s24, s11;
	[sflag:s20] =	ssyncadd.s32 $0xFFFFC000  }
.Ltmp2:
0x78: {  	[bflag:$0x0] =	sbarrier.arrive $0xFFFF;
	(pc) =	sbr.rel @p0 .LBB2_1-.Ltmp2, $4  }
0x79: {  	[hbm:s10], [sflag:s23] =	dma.local [spmem:s12], $0x2780  }
0x7a: {  	_ =	swait.ge [sflag:s20], $0x2780  }
0x7b: {  	[sflag:s20] =	ssyncset.done $0x0  }
0x7c: {  	[sflag:s20] =	ssyncadd.s32 $0xFFFFD880  }
0x7d: {  	_ =	sfence.sel $0x180000  }
0x7e: {  	[bflag:$0x0] =	sbarrier.arrive $0xFFFF  }
0x7f: {  	p0 =	sne.s32 s0, $0x0;
	_ =	strace $0x9000004A  }
0x80: {  	s0 =	sadd.s32 @!p0 $0x100000, s1;
	[bflag:$0x2] =	sbarrier.arrive $0xFFFF  }
0x81: {  	[sflag:s0] =	ssyncadd.tile.s32 @!p0 $0x1;
	_ =	shalt  }
.Lfunc_end2:
_tile_overlayer_lowered:
.L_overlay_start_2:
0x82: {  	(tag) =	ssettag $0x2  }
0x83: {  	s0 =	rddreg [dreg:$0x0];
	s2 =	stileid.u32  }
0x84: {  	s1 =	rddreg [dreg:$0x1];
	p0 =	sne.s32 s2, $0x0  }
0x85: {  	s3 =	rddreg [dreg:$0x2];
	[bflag:$0x3] =	sbarrier.arrive $0xFFFF;
	s2 =	simm.s32 @!p0 $0x1C04  }
0x86: {  	[timem:s3], [sflag:s2] =	dma.local @!p0 [hbm:s0], s1  }
0x87: {  	s0 =	simm.s32 @!p0 $0x4  }
0x88: {  	_ =	swait.ge @!p0 [sflag:s0], s1  }
0x89: {  	s1 =	ssub.s32 @!p0 $0x0, s1;
	[sflag:s0] =	ssyncset.done @!p0 $0x0  }
0x8a: {  	[sflag:s0] =	ssyncadd.s32 @!p0 s1  }
0x8b: {  	[bflag:$0x3] =	sbarrier.arrive $0xFFFF  }
0x8c: {  	_ =	shalt  }

// kernel: kernel.17.cloned.1.call-start
scs
__scs_entry_jumppad:
0x0: {  	(pc) =	sbr.rel $0x88, $3  }
0x1: {  	(tag) =	ssettag $0x0;
	lr =	simm.s32 $0x1  }
0x2: {  	[smem:$0x3F94] =	sst lr;
	_ =	strace $0xD0000000  }
0x3: {  	_ = 	snop  }
0x4: {  	_ = 	snop  }
0x5: {  	_ = 	snop  }
0x6: {  	_ = 	snop  }
0x7: {  	_ = 	snop  }
__scs_overlays_trampoline_lowered:
0x8: {  	[smem:$0x3FA3] =	sst s0  }
0x9: {  	[smem:$0x3FA4] =	sst s1  }
0xa: {  	[smem:$0x3FA5] =	sst s2  }
0xb: {  	[smem:$0x3FA6] =	sst s3  }
0xc: {  	[smem:$0x3FA7] =	sst s4  }
0xd: {  	[smem:$0x3FA8] =	sst s5  }
0xe: {  	[smem:$0x3FA9] =	sst s6  }
0xf: {  	[smem:$0x3FAA] =	sst s7  }
0x10: {  	[smem:$0x3FAB] =	sst s8  }
0x11: {  	[smem:$0x3FAC] =	sst s9;
	s0 =	simm.s32 @!p0 $0x0  }
0x12: {  	s1 =	sld [smem:$0x3F92];
	s0 =	simm.s32 @p0 $0x1  }
0x13: {  	[smem:$0x3FAD] =	sst s0;
	s0 =	simm.s32 @!p1 $0x0  }
0x14: {  	s2 =	sld [smem:$0x3F91];
	s0 =	simm.s32 @p1 $0x1  }
0x15: {  	[smem:$0x3FAE] =	sst s0;
	s0 =	simm.s32 @!p2 $0x0  }
0x16: {  	s3 =	sld [smem:$0x3FDB];
	s0 =	simm.s32 @p2 $0x1  }
0x17: {  	s4 =	simm.s32 $0x1BF5;
	[smem:$0x3FB0] =	sst s0  }
0x18: {  	s0 =	sld [smem:$0x3F93];
	_ =	swait.ge [sflag:s4], $0x0  }
0x19: {  	s7 =	sld [smem:$0x3F94]  }
0x1a: {  	s8 =	sadd.s32 $0xFFFFE003, lr  }
0x1b: {  	s9 =	sadd.s32 $0xFFFFFEF7, lr;
	s5 =	simm.s32 $0xFFFFFFFF;
	p2 =	slt.u32 s8, $0xFFFFF086  }
0x1c: {  	p1 =	slt.u32 s9, $0xF7A;
	s5 =	simm.s32 @!p2 $0x0  }
0x1d: {  	s5 =	simm.s32 @p1 $0x1;
	p0 =	seq.s32 s7, s2  }
0x1e: {  	s7 =	smul.u32 @!p0 $0xF7A, s2;
	p2 =	seq.s32 @!p0 s5, $0x0  }
0x1f: {  	s9 =	smul.u32 $0xF7A, s1;
	s8 =	simm.s32 @!p0 $0x1BF5;
	p2 =	por !p2, p0  }
0x20: {  	[sflag:s8] =	ssyncset.s32 @!p0 $0xFFFFF086;
	s6 =	sadd.s32 @!p0 s3, s7;
	s7 =	simm.s32 @!p0 $0x108  }
0x21: {  	s3 =	sadd.s32 s3, s9;
	s6 =	sadd.s32 @!p0 $0x88, s6;
	s7 =	simm.s32 @p2 $0x1082  }
0x22: {  	[simem:s7], [sflag:s8] =	dma.local @!p0 [hbm:s6], $0xF7A  }
0x23: {  	s9 =	sor.u32 $0xD0000000, s2;
	s6 =	simm.s32 $0x108;
	_ =	swait.ge @!p0 [sflag:s8], $0x0  }
0x24: {  	s3 =	sadd.s32 $0x88, s3;
	s6 =	simm.s32 @!p1 $0x1082;
	[sflag:s4] =	ssyncset.s32 $0xFFFFF086  }
0x25: {  	[simem:s6], [sflag:s4] =	dma.local [hbm:s3], $0xF7A  }
0x26: {  	[smem:$0x3F94] =	sst s1;
	(tag) =	ssettag s2;
	_ =	strace s9  }
0x27: {  	s1 =	sld [smem:$0x3FA4]  }
0x28: {  	s2 =	sld [smem:$0x3FA5]  }
0x29: {  	s4 =	sld [smem:$0x3FA7]  }
0x2a: {  	p0 =	seq.s32 s5, $0x0;
	s5 =	sld [smem:$0x3FA8]  }
0x2b: {  	s6 =	sld [smem:$0x3FA9]  }
0x2c: {  	s7 =	sld [smem:$0x3FAA]  }
0x2d: {  	s3 =	simm.s32 $0x108;
	s8 =	sld [smem:$0x3FAB]  }
0x2e: {  	s3 =	simm.s32 @!p0 $0x1082;
	s9 =	sld [smem:$0x3FAC]  }
0x2f: {  	lr =	sadd.s32 s0, s3;
	s0 =	sld [smem:$0x3FA3]  }
0x30: {  	s3 =	sld [smem:$0x3FA6]  }
0x31: {  	[smem:$0x3FAF] =	sst s10  }
0x32: {  	s10 =	sld [smem:$0x3FAD];
	_ =	sdelay $0x3  }
0x33: {  	p0 =	seq.s32 s10, $0x1;
	s10 =	sld [smem:$0x3FAF];
	_ =	sdelay $0x3  }
0x34: {  	[smem:$0x3FAF] =	sst s10  }
0x35: {  	s10 =	sld [smem:$0x3FAE];
	_ =	sdelay $0x3  }
0x36: {  	p1 =	seq.s32 s10, $0x1;
	s10 =	sld [smem:$0x3FAF];
	_ =	sdelay $0x3  }
0x37: {  	[smem:$0x3FAF] =	sst s10  }
0x38: {  	s10 =	sld [smem:$0x3FB0]  }
0x39: {  	_ = 	snop;
	(pc) =	sbr.ind lr, $3  }
0x3a: {  	_ = 	snop  }
0x3b: {  	_ = 	snop  }
0x3c: {  	p2 =	seq.s32 s10, $0x1;
	s10 =	sld [smem:$0x3FAF]  }
0x3d: {  	_ =	shalt  }
0x3e: {  	_ =	shalt  }
0x3f: {  	_ =	shalt  }
0x40: {  	_ =	shalt  }
0x41: {  	_ =	shalt  }
0x42: {  	_ =	shalt  }
0x43: {  	_ =	shalt  }
0x44: {  	_ =	shalt  }
0x45: {  	_ =	shalt  }
0x46: {  	_ =	shalt  }
0x47: {  	_ =	shalt  }
0x48: {  	_ =	shalt  }
0x49: {  	_ =	shalt  }
0x4a: {  	_ =	shalt  }
0x4b: {  	_ =	shalt  }
0x4c: {  	_ =	shalt  }
0x4d: {  	_ =	shalt  }
0x4e: {  	_ =	shalt  }
0x4f: {  	_ =	shalt  }
0x50: {  	_ =	shalt  }
0x51: {  	_ =	shalt  }
0x52: {  	_ =	shalt  }
0x53: {  	_ =	shalt  }
0x54: {  	_ =	shalt  }
0x55: {  	_ =	shalt  }
0x56: {  	_ =	shalt  }
0x57: {  	_ =	shalt  }
0x58: {  	_ =	shalt  }
0x59: {  	_ =	shalt  }
0x5a: {  	_ =	shalt  }
0x5b: {  	_ =	shalt  }
0x5c: {  	_ =	shalt  }
0x5d: {  	_ =	shalt  }
0x5e: {  	_ =	shalt  }
0x5f: {  	_ =	shalt  }
0x60: {  	_ =	shalt  }
0x61: {  	_ =	shalt  }
0x62: {  	_ =	shalt  }
0x63: {  	_ =	shalt  }
0x64: {  	_ =	shalt  }
0x65: {  	_ =	shalt  }
0x66: {  	_ =	shalt  }
0x67: {  	_ =	shalt  }
0x68: {  	_ =	shalt  }
0x69: {  	_ =	shalt  }
0x6a: {  	_ =	shalt  }
0x6b: {  	_ =	shalt  }
0x6c: {  	_ =	shalt  }
0x6d: {  	_ =	shalt  }
0x6e: {  	_ =	shalt  }
0x6f: {  	_ =	shalt  }
0x70: {  	_ =	shalt  }
0x71: {  	_ =	shalt  }
0x72: {  	_ =	shalt  }
0x73: {  	_ =	shalt  }
0x74: {  	_ =	shalt  }
0x75: {  	_ =	shalt  }
0x76: {  	_ =	shalt  }
0x77: {  	_ =	shalt  }
0x78: {  	_ =	shalt  }
0x79: {  	_ =	shalt  }
0x7a: {  	_ =	shalt  }
0x7b: {  	_ =	shalt  }
0x7c: {  	_ =	shalt  }
0x7d: {  	_ =	shalt  }
0x7e: {  	_ =	shalt  }
0x7f: {  	_ =	shalt  }
0x80: {  	_ =	shalt  }
0x81: {  	_ =	shalt  }
0x82: {  	_ =	shalt  }
0x83: {  	_ =	shalt  }
0x84: {  	_ =	shalt  }
0x85: {  	_ =	shalt  }
0x86: {  	_ =	shalt  }
0x87: {  	_ =	shalt  }
.Lfunc_end0:
.L_simem_size_0:
called_computation.2_lowered:
.L_overlay_start_0:
0x88: {  	s2 =	sld [smem:$0x3FD9]  }
0x89: {  	s3 =	sld [smem:$0x3FFE];
	_ =	sdelay $0x1  }
0x8a: {  	s1 =	srdreg.scid  }
0x8b: {  	s0 =	sand.u32 $0x1, s1  }
0x8c: {  	s16 =	sshll.u32 s0, $0xA;
	s2 =	sadd.s32 s3, s2  }
0x8d: {  	s2 =	sadd.s32 s2, s16  }
0x8e: {  	[smem:$0x3FBB] =	sst s2  }
0x8f: {  	_ = 	snop  }
0x90: {  	(tm) =	ssettm $0x1  }
0x91: {  	s17 =	sld [smem:$0x3FFB];
	_ =	sdelay $0x3  }
0x92: {  	_ =	strace s17  }
0x93: {  	s2 =	sld [smem:$0x3FFC];
	_ =	sdelay $0x3  }
0x94: {  	_ =	strace s2  }
0x95: {  	s2 =	sld [smem:$0x3FFD];
	_ =	sdelay $0x3  }
0x96: {  	_ =	strace s2  }
0x97: {  	_ =	strace $0x8FFFFFFF  }
0x98: {  	s18 =	sld [smem:$0x3FDB];
	_ =	sdelay $0x1  }
0x99: {  	s19 =	simm.s32 $_scs_section_size  }
0x9a: {  	s4 =	simm.s32 $_size__tile_overlayer_lowered;
	s5 =	simm.s32 $_tile_overlayer_lowered  }
0x9b: {  	s22 =	simm.s32 $0x1BFF;
	s21 =	sshll.u32 s5, $0x1;
	s2 =	sadd.s32 s19, s18  }
0x9c: {  	s6 =	simm.s32 $0x0;
	s20 =	sshll.u32 s4, $0x1;
	s4 =	sadd.s32 s21, s2  }
0x9d: {  	[timem:s6], [sflag:s22] =	dma.local [hbm:s4], s20  }
0x9e: {  	_ =	swait.ge [sflag:s22], s20  }
0x9f: {  	s3 =	ssub.s32 $0x0, s20;
	[sflag:s22] =	ssyncset.done $0x0  }
0xa0: {  	[sflag:s22] =	ssyncadd.s32 s3;
	_ =	sdelay $0x1  }
0xa1: {  	s23 =	simm.s32 $0x1B8B  }
0xa2: {  	_ =	swait.ge [sflag:s23], $0x1  }
0xa3: {  	[sflag:s23] =	ssyncset.done $0x0  }
0xa4: {  	s25 =	simm.s32 $0x1B8E;
	s24 =	sld [smem:$0x3FFE];
	[sflag:s23] =	ssyncadd.s32 $0xFFFFFFFF  }
0xa5: {  	s26 =	simm.s32 $execute0_lowered;
	[smem:$0x3FD2] =	sst s25  }
0xa6: {  	s4 =	sshll.u32 s26, $0x1;
	_ =	strace $0x8000004C;
	[dreg:$0x1] =	wrdreg $0xFFFFFFFF  }
0xa7: {  	s28 =	simm.s32 $_size_execute0_lowered;
	s2 =	sadd.s32 s2, s4;
	[dreg:$0x0] =	wrdreg $0x0  }
0xa8: {  	s4 =	sshll.u32 s28, $0x1;
	[dreg:$0x2] =	wrdreg s2  }
0xa9: {  	[dreg:$0x3] =	wrdreg s4  }
0xaa: {  	[dreg:$0x4] =	wrdreg $0xC0  }
0xab: {  	_ =	task [dreg:s6], $0x5FFFF  }
0xac: {  	[dreg:$0x1] =	wrdreg $0xFFFFFFFF  }
0xad: {  	[dreg:$0x0] =	wrdreg $0x60  }
0xae: {  	[dreg:$0x2] =	wrdreg s24  }
0xaf: {  	[dreg:$0x3] =	wrdreg $0xBC000  }
0xb0: {  	[dreg:$0x4] =	wrdreg $0x9  }
0xb1: {  	_ =	task.clear_ibuf [dreg:s6], $0x5FFFF;
	_ =	strace $0x9000004C  }
0xb2: {  	s29 =	simm.s32 $0x9;
	_ =	strace $0x8000004E  }
0xb3: {  	_ =	swait.ge [sflag:s29], $0x1  }
0xb4: {  	[sflag:s29] =	ssyncadd.s32 $0xFFFFFFFF  }
0xb5: {  	_ =	strace $0x9000004E  }
0xb6: {  	_ =	sfence  }
0xb7: {  	s30 =	sld [smem:$0x0];
	_ =	sdelay $0x2  }
0xb8: {  	s31 =	sshll.u32 s1, $0xD;
	s1 =	sshrl.u32 s1, $0x2  }
0xb9: {  	s3 =	sand.u32 $0x4000, s31;
	s1 =	sadd.s32 s1, s30  }
0xba: {  	s0 =	sor.u32 s3, s0;
	s1 =	sshll.u32 s1, $0x11  }
0xbb: {  	s0 =	sor.u32 s1, s0  }
0xbc: {  	s0 =	sadd.s32 $0x8F2B, s0  }
0xbd: {  	[sflag:s0] =	ssyncadd.remote.s32 $0x1  }
0xbe: {  	_ =	sfence.sel $0xFFFF  }
0xbf: {  	[dreg:$0x0] =	wrdreg $0xFFFFFFFF;
	(pc) =	sbr.abs _section_cstart, $3  }
0xc0: {  	[dreg:$0x1] =	wrdreg $0xFFFFFFFF  }
0xc1: {  	_ =	task.clear_ibuf [dreg:s6], $0x2FFFF;
	_ =	strace $0x9FFFFFFF  }
0xc2: {  	(tm) =	ssettm $0x7FFFFFFF  }
0xc3: {  	_ =	shalt  }
tec
execute0_lowered:
.L_overlay_start_1:
0x0: {  	(tag) =	ssettag $0x1  }
0x1: {  	s1 =	srdreg.scid;
	s6 =	rddreg [dreg:$0x0]  }
0x2: {  	s0 =	stileid.u32;
	s2 =	rddreg [dreg:$0x1]  }
0x3: {  	s3 =	simm.s32 $0x0;
	s14 =	simm.s32 $0x1;
	s15 =	simm.s32 $0x2  }
0x4: {  	s16 =	simm.s32 $0x80;
	s17 =	simm.s32 $0x3C00;
	s18 =	simm.s32 $0x7C00  }
0x5: {  	s19 =	simm.s32 $0x3;
	s20 =	simm.s32 $0x4;
	s21 =	simm.s32 $0x3B00  }
0x6: {  	s22 =	simm.s32 $0x3B80;
	s24 =	simm.s32 $0x0;
	s5 =	sand.u32 $0x1, s1  }
0x7: {  	s26 =	sshll.u32 s0, $0x1;
	s8 =	smul.u32 $0x13C00, s0;
	[smem:$0x7FF] =	sst s3  }
0x8: {  	s4 =	sadd.s32 $0x41000, s6;
	s29 =	smul.u32 $0x4F000, s0;
	s23 =	sshll.u32 s0, $0x6  }
0x9: {  	s1 =	sor.u32 s5, s26;
	s9 =	smul.u32 $0x13C000, s5;
	s5 =	ssub.s32 $0x2, s5  }
0xa: {  	s7 =	smul.u32 $0x2800, s1;
	s1 =	rddreg [dreg:$0x2];
	_ =	strace $0x8000004D  }
0xb: {  	s28 =	sshrl.u32 s8, $0x3;
	s30 =	sshrl.u32 s5, $0x1;
	s31 =	sshrl.u32 s29, $0x2  }
0xc: {  	s8 =	sadd.s32 s8, s9;
	s12 =	ssub.s32 s5, s30;
	s7 =	sshrl.u32 s7, $0x3  }
0xd: {  	s13 =	sadd.s32 s31, s2;
	s8 =	sshrl.u32 s8, $0x3;
	s10 =	sadd.s32 s7, s6  }
0xe: {  	s7 =	sadd.s32 s28, s6;
	s11 =	sadd.s32 s8, s6;
	s6 =	sor.u32 $0x1C03, s23  }
0xf: {  	s23 =	sor.u32 $0x1C04, s23;
	s5 =	sadd.s32 $0x19800, s7;
	s7 =	sadd.s32 $0xF800, s10  }
0x10: {  	s8 =	sadd.s32 $0x5800, s10;
	s9 =	sadd.s32 $0x5A80, s10;
	s10 =	sadd.s32 $0x8F400, s11  }
0x11: {  	s11 =	smax.u32 s12, $0x1;
	s12 =	sshrl.u32 s13, $0x3;
	s13 =	simm.s32 $0x2800  }
.LBB2_1:
0x12: {  	[spmem:s12], [sflag:s6] =	dma.local [hbm:s5], $0x2780  }
0x13: {  	[tilespmem:s3], [sflag:$0x1] =	stream.linear.gather [hbm4b:s7+s3], $0x2800, $0x38;
	[tilespmem:$0x1F800] =	vst v63  }
0x14: {  	_ = 	snop  }
0x15: {  	[tilespmem:s13], [sflag:$0x2] =	stream.linear.gather [hbm4b:s8+s3], $0x1400, $0x38;
	[tilespmem:$0x1F800] =	vst v63  }
0x16: {  	_ =	swait.ge [sflag:s14], $0x2800  }
0x17: {  	[sflag:s14] =	ssyncset.done $0x0  }
0x18: {  	[sflag:s14] =	ssyncadd.s32 $0xFFFFD800  }
0x19: {  	_ =	swait.ge [sflag:s15], $0x1400  }
0x1a: {  	[sflag:s15] =	ssyncset.done $0x0  }
0x1b: {  	[sflag:s15] =	ssyncadd.s32 $0xFFFFEC00  }
0x1c: {  	[tilespmem:s17], [sflag:$0x1] =	stream.indirect.gather [hbm4b:s4+s16], $0x80, s3, s16, $0xb8;
	[tilespmem:$0x1F800] =	vst v63  }
0x1d: {  	_ = 	snop  }
0x1e: {  	[tilespmem:s18], [sflag:$0x2] =	stream.indirect.gather [hbm4b:s4+s16], $0x80, s16, s16, $0xb8;
	[tilespmem:$0x1F800] =	vst v63  }
0x1f: {  	_ =	swait.ge [sflag:s19], $0x2780  }
0x20: {  	[sflag:s19] =	ssyncset.done $0x0  }
0x21: {  	[sflag:s19] =	ssyncadd.s32 $0xFFFFD880  }
0x22: {  	[bflag:$0x0] =	sbarrier.arrive $0xFFFF  }
0x23: {  	_ =	swait.ge [sflag:s14], $0x4000  }
0x24: {  	[sflag:s14] =	ssyncset.done $0x0  }
0x25: {  	s25 =	simm.s32 $0x2800;
	[sflag:s14] =	ssyncadd.s32 $0xFFFFC000  }
0x26: {  	[spmem:s2] =	stream.indirect.scatter.add.f32 [tilespmem:s17], [sflag:$0x4], $0x80, s25, s16, $0xb8;
	[tilespmem:$0x1F800] =	vst v63  }
0x27: {  	_ =	swait.ge [sflag:s20], $0x4000  }
0x28: {  	[sflag:s20] =	ssyncset.done $0x0  }
0x29: {  	s30 =	simm.s32 $0x100;
	[sflag:s20] =	ssyncadd.s32 $0xFFFFC000  }
0x2a: {  	[tilespmem:s17], [sflag:$0x1] =	stream.indirect.gather [hbm4b:s4+s16], $0x80, s30, s16, $0xb8;
	[tilespmem:$0x1F800] =	vst v63  }
0x2b: {  	_ =	swait.ge [sflag:s15], $0x4000  }
0x2c: {  	[sflag:s15] =	ssyncset.done $0x0  }
0x2d: {  	s31 =	simm.s32 $0x2880;
	[sflag:s15] =	ssyncadd.s32 $0xFFFFC000  }
0x2e: {  	[spmem:s2] =	stream.indirect.scatter.add.f32 [tilespmem:s18], [sflag:$0x4], $0x80, s31, s16, $0xb8;
	[tilespmem:$0x1F800] =	vst v63  }
0x2f: {  	_ =	swait.ge [sflag:s20], $0x4000  }
0x30: {  	[sflag:s20] =	ssyncset.done $0x0  }
0x31: {  	s26 =	simm.s32 $0x180;
	s25 =	simm.s32 $0x400;
	[sflag:s20] =	ssyncadd.s32 $0xFFFFC000  }
.LBB2_2:
0x32: {  	[tilespmem:s18], [sflag:$0x2] =	stream.indirect.gather [hbm4b:s4+s16], $0x80, s26, s16, $0xb8;
	[tilespmem:$0x1F800] =	vst v63  }
0x33: {  	s26 =	smov.u32 s25  }
0x34: {  	p0 =	sne.s32 s25, $0x4C00;
	s25 =	sadd.s32 $0x400, s25;
	_ =	swait.ge [sflag:s14], $0x4000  }
0x35: {  	s26 =	sshra.s32 s26, $0x2;
	[sflag:s14] =	ssyncset.done $0x0  }
0x36: {  	s28 =	sadd.s32 $0x2800, s26;
	[sflag:s14] =	ssyncadd.s32 $0xFFFFC000  }
0x37: {  	[spmem:s2] =	stream.indirect.scatter.add.f32 [tilespmem:s17], [sflag:$0x4], $0x80, s28, s16, $0xb8;
	[tilespmem:$0x1F800] =	vst v63  }
0x38: {  	_ =	swait.ge [sflag:s20], $0x4000  }
0x39: {  	[sflag:s20] =	ssyncset.done $0x0  }
0x3a: {  	s28 =	sadd.s32 $0x100, s26;
	[sflag:s20] =	ssyncadd.s32 $0xFFFFC000  }
0x3b: {  	[tilespmem:s17], [sflag:$0x1] =	stream.indirect.gather [hbm4b:s4+s16], $0x80, s28, s16, $0xb8;
	[tilespmem:$0x1F800] =	vst v63  }
0x3c: {  	_ =	swait.ge [sflag:s15], $0x4000  }
0x3d: {  	[sflag:s15] =	ssyncset.done $0x0  }
.Ltmp0:
0x3e: {  	s28 =	sadd.s32 $0x2880, s26;
	[sflag:s15] =	ssyncadd.s32 $0xFFFFC000;
	(pc) =	sbr.rel @p0 .LBB2_2-.Ltmp0, $4  }
0x3f: {  	[spmem:s2] =	stream.indirect.scatter.add.f32 [tilespmem:s18], [sflag:$0x4], $0x80, s28, s16, $0xb8;
	[tilespmem:$0x1F800] =	vst v63  }
0x40: {  	_ =	swait.ge [sflag:s20], $0x4000  }
0x41: {  	[sflag:s20] =	ssyncset.done $0x0  }
0x42: {  	s26 =	sadd.s32 $0x180, s26;
	[sflag:s20] =	ssyncadd.s32 $0xFFFFC000  }
0x43: {  	[tilespmem:s18], [sflag:$0x2] =	stream.indirect.gather [hbm4b:s4+s16], $0x80, s26, s16, $0xb8;
	[tilespmem:$0x1F800] =	vst v63  }
0x44: {  	s25 =	simm.s32 $0x0  }
0x45: {  	[tilespmem:s13], [sflag:$0x4] =	stream.linear.gather [hbm4b:s9+s25], $0x1400, $0x38;
	[tilespmem:$0x1F800] =	vst v63  }
0x46: {  	_ =	swait.ge [sflag:s20], $0x1400  }
0x47: {  	[sflag:s20] =	ssyncset.done $0x0  }
0x48: {  	[sflag:s20] =	ssyncadd.s32 $0xFFFFEC00  }
0x49: {  	_ =	swait.ge [sflag:s14], $0x4000  }
0x4a: {  	[sflag:s14] =	ssyncset.done $0x0  }
0x4b: {  	s29 =	simm.s32 $0x2800;
	[sflag:s14] =	ssyncadd.s32 $0xFFFFC000  }
0x4c: {  	[spmem:s2] =	stream.indirect.scatter.add.f32 [tilespmem:s17], [sflag:$0x4], $0x80, s29, s16, $0xb8;
	[tilespmem:$0x1F800] =	vst v63  }
0x4d: {  	_ =	swait.ge [sflag:s20], $0x4000  }
0x4e: {  	[sflag:s20] =	ssyncset.done $0x0  }
0x4f: {  	s30 =	simm.s32 $0x1500;
	[sflag:s20] =	ssyncadd.s32 $0xFFFFC000  }
0x50: {  	[tilespmem:s17], [sflag:$0x1] =	stream.indirect.gather [hbm4b:s4+s16], $0x80, s30, s16, $0xb8;
	[tilespmem:$0x1F800] =	vst v63  }
0x51: {  	_ =	swait.ge [sflag:s15], $0x4000  }
0x52: {  	[sflag:s15] =	ssyncset.done $0x0  }
0x53: {  	s31 =	simm.s32 $0x2880;
	[sflag:s15] =	ssyncadd.s32 $0xFFFFC000  }
0x54: {  	[spmem:s2] =	stream.indirect.scatter.add.f32 [tilespmem:s18], [sflag:$0x4], $0x80, s31, s16, $0xb8;
	[tilespmem:$0x1F800] =	vst v63  }
0x55: {  	_ =	swait.ge [sflag:s20], $0x4000  }
0x56: {  	[sflag:s20] =	ssyncset.done $0x0  }
0x57: {  	s26 =	simm.s32 $0x1580;
	s25 =	simm.s32 $0x400;
	[sflag:s20] =	ssyncadd.s32 $0xFFFFC000  }
.LBB2_4:
0x58: {  	[tilespmem:s18], [sflag:$0x2] =	stream.indirect.gather [hbm4b:s4+s16], $0x80, s26, s16, $0xb8;
	[tilespmem:$0x1F800] =	vst v63  }
0x59: {  	s26 =	smov.u32 s25  }
0x5a: {  	p0 =	sne.s32 s25, $0x4800;
	s25 =	sadd.s32 $0x400, s25;
	_ =	swait.ge [sflag:s14], $0x4000  }
0x5b: {  	s26 =	sshra.s32 s26, $0x2;
	[sflag:s14] =	ssyncset.done $0x0  }
0x5c: {  	s28 =	sadd.s32 $0x2800, s26;
	[sflag:s14] =	ssyncadd.s32 $0xFFFFC000  }
0x5d: {  	[spmem:s2] =	stream.indirect.scatter.add.f32 [tilespmem:s17], [sflag:$0x4], $0x80, s28, s16, $0xb8;
	[tilespmem:$0x1F800] =	vst v63  }
0x5e: {  	_ =	swait.ge [sflag:s20], $0x4000  }
0x5f: {  	[sflag:s20] =	ssyncset.done $0x0  }
0x60: {  	s28 =	sadd.s32 $0x1500, s26;
	[sflag:s20] =	ssyncadd.s32 $0xFFFFC000  }
0x61: {  	[tilespmem:s17], [sflag:$0x1] =	stream.indirect.gather [hbm4b:s4+s16], $0x80, s28, s16, $0xb8;
	[tilespmem:$0x1F800] =	vst v63  }
0x62: {  	_ =	swait.ge [sflag:s15], $0x4000  }
0x63: {  	[sflag:s15] =	ssyncset.done $0x0  }
.Ltmp1:
0x64: {  	s28 =	sadd.s32 $0x2880, s26;
	[sflag:s15] =	ssyncadd.s32 $0xFFFFC000;
	(pc) =	sbr.rel @p0 .LBB2_4-.Ltmp1, $4  }
0x65: {  	[spmem:s2] =	stream.indirect.scatter.add.f32 [tilespmem:s18], [sflag:$0x4], $0x80, s28, s16, $0xb8;
	[tilespmem:$0x1F800] =	vst v63  }
0x66: {  	_ =	swait.ge [sflag:s20], $0x4000  }
0x67: {  	[sflag:s20] =	ssyncset.done $0x0  }
0x68: {  	s26 =	sadd.s32 $0x1580, s26;
	[sflag:s20] =	ssyncadd.s32 $0xFFFFC000  }
0x69: {  	[tilespmem:s18], [sflag:$0x2] =	stream.indirect.gather [hbm4b:s4+s16], $0x80, s26, s16, $0xb8;
	[tilespmem:$0x1F800] =	vst v63  }
0x6a: {  	_ =	swait.ge [sflag:s14], $0x4000  }
0x6b: {  	[sflag:s14] =	ssyncset.done $0x0  }
0x6c: {  	[sflag:s14] =	ssyncadd.s32 $0xFFFFC000  }
0x6d: {  	[spmem:s2] =	stream.indirect.scatter.add.f32 [tilespmem:s17], [sflag:$0x4], $0x80, s21, s16, $0xb8;
	[tilespmem:$0x1F800] =	vst v63  }
0x6e: {  	_ =	swait.ge [sflag:s20], $0x4000  }
0x6f: {  	[sflag:s20] =	ssyncset.done $0x0  }
0x70: {  	[sflag:s20] =	ssyncadd.s32 $0xFFFFC000  }
0x71: {  	_ =	swait.ge [sflag:s15], $0x4000  }
0x72: {  	[sflag:s15] =	ssyncset.done $0x0  }
0x73: {  	[sflag:s15] =	ssyncadd.s32 $0xFFFFC000  }
0x74: {  	[spmem:s2] =	stream.indirect.scatter.add.f32 [tilespmem:s18], [sflag:$0x4], $0x80, s22, s16, $0xb8;
	[tilespmem:$0x1F800] =	vst v63  }
0x75: {  	_ =	swait.ge [sflag:s20], $0x4000  }
0x76: {  	s24 =	sadd.s32 $0x1, s24;
	[sflag:s20] =	ssyncset.done $0x0  }
0x77: {  	p0 =	sne.s32 s24, s11;
	[sflag:s20] =	ssyncadd.s32 $0xFFFFC000  }
.Ltmp2:
0x78: {  	[bflag:$0x0] =	sbarrier.arrive $0xFFFF;
	(pc) =	sbr.rel @p0 .LBB2_1-.Ltmp2, $4  }
0x79: {  	[hbm:s10], [sflag:s23] =	dma.local [spmem:s12], $0x2780  }
0x7a: {  	_ =	swait.ge [sflag:s20], $0x2780  }
0x7b: {  	[sflag:s20] =	ssyncset.done $0x0  }
0x7c: {  	[sflag:s20] =	ssyncadd.s32 $0xFFFFD880  }
0x7d: {  	_ =	sfence.sel $0x180000  }
0x7e: {  	[bflag:$0x0] =	sbarrier.arrive $0xFFFF  }
0x7f: {  	p0 =	sne.s32 s0, $0x0;
	_ =	strace $0x9000004D  }
0x80: {  	s0 =	sadd.s32 @!p0 $0x100000, s1;
	[bflag:$0x2] =	sbarrier.arrive $0xFFFF  }
0x81: {  	[sflag:s0] =	ssyncadd.tile.s32 @!p0 $0x1;
	_ =	shalt  }
.Lfunc_end2:
_tile_overlayer_lowered:
.L_overlay_start_2:
0x82: {  	(tag) =	ssettag $0x2  }
0x83: {  	s0 =	rddreg [dreg:$0x0];
	s2 =	stileid.u32  }
0x84: {  	s1 =	rddreg [dreg:$0x1];
	p0 =	sne.s32 s2, $0x0  }
0x85: {  	s3 =	rddreg [dreg:$0x2];
	[bflag:$0x3] =	sbarrier.arrive $0xFFFF;
	s2 =	simm.s32 @!p0 $0x1C04  }
0x86: {  	[timem:s3], [sflag:s2] =	dma.local @!p0 [hbm:s0], s1  }
0x87: {  	s0 =	simm.s32 @!p0 $0x4  }
0x88: {  	_ =	swait.ge @!p0 [sflag:s0], s1  }
0x89: {  	s1 =	ssub.s32 @!p0 $0x0, s1;
	[sflag:s0] =	ssyncset.done @!p0 $0x0  }
0x8a: {  	[sflag:s0] =	ssyncadd.s32 @!p0 s1  }
0x8b: {  	[bflag:$0x3] =	sbarrier.arrive $0xFFFF  }
0x8c: {  	_ =	shalt  }

// kernel: kernel.20.cloned.1.call-start
scs
__scs_entry_jumppad:
0x0: {  	(pc) =	sbr.rel $0x88, $3  }
0x1: {  	(tag) =	ssettag $0x0;
	lr =	simm.s32 $0x1  }
0x2: {  	[smem:$0x3F94] =	sst lr;
	_ =	strace $0xD0000000  }
0x3: {  	_ = 	snop  }
0x4: {  	_ = 	snop  }
0x5: {  	_ = 	snop  }
0x6: {  	_ = 	snop  }
0x7: {  	_ = 	snop  }
__scs_overlays_trampoline_lowered:
0x8: {  	[smem:$0x3FA3] =	sst s0  }
0x9: {  	[smem:$0x3FA4] =	sst s1  }
0xa: {  	[smem:$0x3FA5] =	sst s2  }
0xb: {  	[smem:$0x3FA6] =	sst s3  }
0xc: {  	[smem:$0x3FA7] =	sst s4  }
0xd: {  	[smem:$0x3FA8] =	sst s5  }
0xe: {  	[smem:$0x3FA9] =	sst s6  }
0xf: {  	[smem:$0x3FAA] =	sst s7  }
0x10: {  	[smem:$0x3FAB] =	sst s8  }
0x11: {  	[smem:$0x3FAC] =	sst s9;
	s0 =	simm.s32 @!p0 $0x0  }
0x12: {  	s1 =	sld [smem:$0x3F92];
	s0 =	simm.s32 @p0 $0x1  }
0x13: {  	[smem:$0x3FAD] =	sst s0;
	s0 =	simm.s32 @!p1 $0x0  }
0x14: {  	s2 =	sld [smem:$0x3F91];
	s0 =	simm.s32 @p1 $0x1  }
0x15: {  	[smem:$0x3FAE] =	sst s0;
	s0 =	simm.s32 @!p2 $0x0  }
0x16: {  	s3 =	sld [smem:$0x3FDB];
	s0 =	simm.s32 @p2 $0x1  }
0x17: {  	s4 =	simm.s32 $0x1BF5;
	[smem:$0x3FB0] =	sst s0  }
0x18: {  	s0 =	sld [smem:$0x3F93];
	_ =	swait.ge [sflag:s4], $0x0  }
0x19: {  	s7 =	sld [smem:$0x3F94]  }
0x1a: {  	s8 =	sadd.s32 $0xFFFFE003, lr  }
0x1b: {  	s9 =	sadd.s32 $0xFFFFFEF7, lr;
	s5 =	simm.s32 $0xFFFFFFFF;
	p2 =	slt.u32 s8, $0xFFFFF086  }
0x1c: {  	p1 =	slt.u32 s9, $0xF7A;
	s5 =	simm.s32 @!p2 $0x0  }
0x1d: {  	s5 =	simm.s32 @p1 $0x1;
	p0 =	seq.s32 s7, s2  }
0x1e: {  	s7 =	smul.u32 @!p0 $0xF7A, s2;
	p2 =	seq.s32 @!p0 s5, $0x0  }
0x1f: {  	s9 =	smul.u32 $0xF7A, s1;
	s8 =	simm.s32 @!p0 $0x1BF5;
	p2 =	por !p2, p0  }
0x20: {  	[sflag:s8] =	ssyncset.s32 @!p0 $0xFFFFF086;
	s6 =	sadd.s32 @!p0 s3, s7;
	s7 =	simm.s32 @!p0 $0x108  }
0x21: {  	s3 =	sadd.s32 s3, s9;
	s6 =	sadd.s32 @!p0 $0x88, s6;
	s7 =	simm.s32 @p2 $0x1082  }
0x22: {  	[simem:s7], [sflag:s8] =	dma.local @!p0 [hbm:s6], $0xF7A  }
0x23: {  	s9 =	sor.u32 $0xD0000000, s2;
	s6 =	simm.s32 $0x108;
	_ =	swait.ge @!p0 [sflag:s8], $0x0  }
0x24: {  	s3 =	sadd.s32 $0x88, s3;
	s6 =	simm.s32 @!p1 $0x1082;
	[sflag:s4] =	ssyncset.s32 $0xFFFFF086  }
0x25: {  	[simem:s6], [sflag:s4] =	dma.local [hbm:s3], $0xF7A  }
0x26: {  	[smem:$0x3F94] =	sst s1;
	(tag) =	ssettag s2;
	_ =	strace s9  }
0x27: {  	s1 =	sld [smem:$0x3FA4]  }
0x28: {  	s2 =	sld [smem:$0x3FA5]  }
0x29: {  	s4 =	sld [smem:$0x3FA7]  }
0x2a: {  	p0 =	seq.s32 s5, $0x0;
	s5 =	sld [smem:$0x3FA8]  }
0x2b: {  	s6 =	sld [smem:$0x3FA9]  }
0x2c: {  	s7 =	sld [smem:$0x3FAA]  }
0x2d: {  	s3 =	simm.s32 $0x108;
	s8 =	sld [smem:$0x3FAB]  }
0x2e: {  	s3 =	simm.s32 @!p0 $0x1082;
	s9 =	sld [smem:$0x3FAC]  }
0x2f: {  	lr =	sadd.s32 s0, s3;
	s0 =	sld [smem:$0x3FA3]  }
0x30: {  	s3 =	sld [smem:$0x3FA6]  }
0x31: {  	[smem:$0x3FAF] =	sst s10  }
0x32: {  	s10 =	sld [smem:$0x3FAD];
	_ =	sdelay $0x3  }
0x33: {  	p0 =	seq.s32 s10, $0x1;
	s10 =	sld [smem:$0x3FAF];
	_ =	sdelay $0x3  }
0x34: {  	[smem:$0x3FAF] =	sst s10  }
0x35: {  	s10 =	sld [smem:$0x3FAE];
	_ =	sdelay $0x3  }
0x36: {  	p1 =	seq.s32 s10, $0x1;
	s10 =	sld [smem:$0x3FAF];
	_ =	sdelay $0x3  }
0x37: {  	[smem:$0x3FAF] =	sst s10  }
0x38: {  	s10 =	sld [smem:$0x3FB0]  }
0x39: {  	_ = 	snop;
	(pc) =	sbr.ind lr, $3  }
0x3a: {  	_ = 	snop  }
0x3b: {  	_ = 	snop  }
0x3c: {  	p2 =	seq.s32 s10, $0x1;
	s10 =	sld [smem:$0x3FAF]  }
0x3d: {  	_ =	shalt  }
0x3e: {  	_ =	shalt  }
0x3f: {  	_ =	shalt  }
0x40: {  	_ =	shalt  }
0x41: {  	_ =	shalt  }
0x42: {  	_ =	shalt  }
0x43: {  	_ =	shalt  }
0x44: {  	_ =	shalt  }
0x45: {  	_ =	shalt  }
0x46: {  	_ =	shalt  }
0x47: {  	_ =	shalt  }
0x48: {  	_ =	shalt  }
0x49: {  	_ =	shalt  }
0x4a: {  	_ =	shalt  }
0x4b: {  	_ =	shalt  }
0x4c: {  	_ =	shalt  }
0x4d: {  	_ =	shalt  }
0x4e: {  	_ =	shalt  }
0x4f: {  	_ =	shalt  }
0x50: {  	_ =	shalt  }
0x51: {  	_ =	shalt  }
0x52: {  	_ =	shalt  }
0x53: {  	_ =	shalt  }
0x54: {  	_ =	shalt  }
0x55: {  	_ =	shalt  }
0x56: {  	_ =	shalt  }
0x57: {  	_ =	shalt  }
0x58: {  	_ =	shalt  }
0x59: {  	_ =	shalt  }
0x5a: {  	_ =	shalt  }
0x5b: {  	_ =	shalt  }
0x5c: {  	_ =	shalt  }
0x5d: {  	_ =	shalt  }
0x5e: {  	_ =	shalt  }
0x5f: {  	_ =	shalt  }
0x60: {  	_ =	shalt  }
0x61: {  	_ =	shalt  }
0x62: {  	_ =	shalt  }
0x63: {  	_ =	shalt  }
0x64: {  	_ =	shalt  }
0x65: {  	_ =	shalt  }
0x66: {  	_ =	shalt  }
0x67: {  	_ =	shalt  }
0x68: {  	_ =	shalt  }
0x69: {  	_ =	shalt  }
0x6a: {  	_ =	shalt  }
0x6b: {  	_ =	shalt  }
0x6c: {  	_ =	shalt  }
0x6d: {  	_ =	shalt  }
0x6e: {  	_ =	shalt  }
0x6f: {  	_ =	shalt  }
0x70: {  	_ =	shalt  }
0x71: {  	_ =	shalt  }
0x72: {  	_ =	shalt  }
0x73: {  	_ =	shalt  }
0x74: {  	_ =	shalt  }
0x75: {  	_ =	shalt  }
0x76: {  	_ =	shalt  }
0x77: {  	_ =	shalt  }
0x78: {  	_ =	shalt  }
0x79: {  	_ =	shalt  }
0x7a: {  	_ =	shalt  }
0x7b: {  	_ =	shalt  }
0x7c: {  	_ =	shalt  }
0x7d: {  	_ =	shalt  }
0x7e: {  	_ =	shalt  }
0x7f: {  	_ =	shalt  }
0x80: {  	_ =	shalt  }
0x81: {  	_ =	shalt  }
0x82: {  	_ =	shalt  }
0x83: {  	_ =	shalt  }
0x84: {  	_ =	shalt  }
0x85: {  	_ =	shalt  }
0x86: {  	_ =	shalt  }
0x87: {  	_ =	shalt  }
.Lfunc_end0:
.L_simem_size_0:
called_computation.3_lowered:
.L_overlay_start_0:
0x88: {  	s2 =	sld [smem:$0x3FD9]  }
0x89: {  	s3 =	sld [smem:$0x3FFE];
	_ =	sdelay $0x1  }
0x8a: {  	s1 =	srdreg.scid  }
0x8b: {  	s0 =	sand.u32 $0x1, s1  }
0x8c: {  	s16 =	sshll.u32 s0, $0xA;
	s2 =	sadd.s32 s3, s2  }
0x8d: {  	s2 =	sadd.s32 s2, s16  }
0x8e: {  	[smem:$0x3FBB] =	sst s2  }
0x8f: {  	_ = 	snop  }
0x90: {  	(tm) =	ssettm $0x1  }
0x91: {  	s17 =	sld [smem:$0x3FFB];
	_ =	sdelay $0x3  }
0x92: {  	_ =	strace s17  }
0x93: {  	s2 =	sld [smem:$0x3FFC];
	_ =	sdelay $0x3  }
0x94: {  	_ =	strace s2  }
0x95: {  	s2 =	sld [smem:$0x3FFD];
	_ =	sdelay $0x3  }
0x96: {  	_ =	strace s2  }
0x97: {  	_ =	strace $0x8FFFFFFF  }
0x98: {  	s18 =	sld [smem:$0x3FDB];
	_ =	sdelay $0x1  }
0x99: {  	s19 =	simm.s32 $_scs_section_size  }
0x9a: {  	s4 =	simm.s32 $_size__tile_overlayer_lowered;
	s5 =	simm.s32 $_tile_overlayer_lowered  }
0x9b: {  	s22 =	simm.s32 $0x1BFF;
	s21 =	sshll.u32 s5, $0x1;
	s2 =	sadd.s32 s19, s18  }
0x9c: {  	s6 =	simm.s32 $0x0;
	s20 =	sshll.u32 s4, $0x1;
	s4 =	sadd.s32 s21, s2  }
0x9d: {  	[timem:s6], [sflag:s22] =	dma.local [hbm:s4], s20  }
0x9e: {  	_ =	swait.ge [sflag:s22], s20  }
0x9f: {  	s3 =	ssub.s32 $0x0, s20;
	[sflag:s22] =	ssyncset.done $0x0  }
0xa0: {  	[sflag:s22] =	ssyncadd.s32 s3;
	_ =	sdelay $0x1  }
0xa1: {  	s23 =	simm.s32 $0x1B8B  }
0xa2: {  	_ =	swait.ge [sflag:s23], $0x1  }
0xa3: {  	[sflag:s23] =	ssyncset.done $0x0  }
0xa4: {  	s25 =	simm.s32 $0x1B8E;
	s24 =	sld [smem:$0x3FFE];
	[sflag:s23] =	ssyncadd.s32 $0xFFFFFFFF  }
0xa5: {  	s26 =	simm.s32 $execute0_lowered;
	[smem:$0x3FD2] =	sst s25  }
0xa6: {  	s4 =	sshll.u32 s26, $0x1;
	_ =	strace $0x8000004F;
	[dreg:$0x1] =	wrdreg $0xFFFFFFFF  }
0xa7: {  	s28 =	simm.s32 $_size_execute0_lowered;
	s2 =	sadd.s32 s2, s4;
	[dreg:$0x0] =	wrdreg $0x0  }
0xa8: {  	s4 =	sshll.u32 s28, $0x1;
	[dreg:$0x2] =	wrdreg s2  }
0xa9: {  	[dreg:$0x3] =	wrdreg s4  }
0xaa: {  	[dreg:$0x4] =	wrdreg $0xC0  }
0xab: {  	_ =	task [dreg:s6], $0x5FFFF  }
0xac: {  	[dreg:$0x1] =	wrdreg $0xFFFFFFFF  }
0xad: {  	[dreg:$0x0] =	wrdreg $0x60  }
0xae: {  	[dreg:$0x2] =	wrdreg s24  }
0xaf: {  	[dreg:$0x3] =	wrdreg $0xBC000  }
0xb0: {  	[dreg:$0x4] =	wrdreg $0x9  }
0xb1: {  	_ =	task.clear_ibuf [dreg:s6], $0x5FFFF;
	_ =	strace $0x9000004F  }
0xb2: {  	s29 =	simm.s32 $0x9;
	_ =	strace $0x80000051  }
0xb3: {  	_ =	swait.ge [sflag:s29], $0x1  }
0xb4: {  	[sflag:s29] =	ssyncadd.s32 $0xFFFFFFFF  }
0xb5: {  	_ =	strace $0x90000051  }
0xb6: {  	_ =	sfence  }
0xb7: {  	s30 =	sld [smem:$0x0];
	_ =	sdelay $0x2  }
0xb8: {  	s31 =	sshll.u32 s1, $0xD;
	s1 =	sshrl.u32 s1, $0x2  }
0xb9: {  	s3 =	sand.u32 $0x4000, s31;
	s1 =	sadd.s32 s1, s30  }
0xba: {  	s0 =	sor.u32 s3, s0;
	s1 =	sshll.u32 s1, $0x11  }
0xbb: {  	s0 =	sor.u32 s1, s0  }
0xbc: {  	s0 =	sadd.s32 $0x8F2B, s0  }
0xbd: {  	[sflag:s0] =	ssyncadd.remote.s32 $0x1  }
0xbe: {  	_ =	sfence.sel $0xFFFF  }
0xbf: {  	[dreg:$0x0] =	wrdreg $0xFFFFFFFF;
	(pc) =	sbr.abs _section_cstart, $3  }
0xc0: {  	[dreg:$0x1] =	wrdreg $0xFFFFFFFF  }
0xc1: {  	_ =	task.clear_ibuf [dreg:s6], $0x2FFFF;
	_ =	strace $0x9FFFFFFF  }
0xc2: {  	(tm) =	ssettm $0x7FFFFFFF  }
0xc3: {  	_ =	shalt  }
tec
execute0_lowered:
.L_overlay_start_1:
0x0: {  	(tag) =	ssettag $0x1  }
0x1: {  	s1 =	srdreg.scid;
	s6 =	rddreg [dreg:$0x0]  }
0x2: {  	s0 =	stileid.u32;
	s2 =	rddreg [dreg:$0x1]  }
0x3: {  	s3 =	simm.s32 $0x0;
	s14 =	simm.s32 $0x1;
	s15 =	simm.s32 $0x2  }
0x4: {  	s16 =	simm.s32 $0x80;
	s17 =	simm.s32 $0x3C00;
	s18 =	simm.s32 $0x7C00  }
0x5: {  	s19 =	simm.s32 $0x3;
	s20 =	simm.s32 $0x4;
	s21 =	simm.s32 $0x3B00  }
0x6: {  	s22 =	simm.s32 $0x3B80;
	s24 =	simm.s32 $0x0;
	s5 =	sand.u32 $0x1, s1  }
0x7: {  	s26 =	sshll.u32 s0, $0x1;
	s8 =	smul.u32 $0x13C00, s0;
	[smem:$0x7FF] =	sst s3  }
0x8: {  	s4 =	sadd.s32 $0x41000, s6;
	s29 =	smul.u32 $0x4F000, s0;
	s23 =	sshll.u32 s0, $0x6  }
0x9: {  	s1 =	sor.u32 s5, s26;
	s9 =	smul.u32 $0x13C000, s5;
	s5 =	ssub.s32 $0x2, s5  }
0xa: {  	s7 =	smul.u32 $0x2800, s1;
	s1 =	rddreg [dreg:$0x2];
	_ =	strace $0x80000050  }
0xb: {  	s28 =	sshrl.u32 s8, $0x3;
	s30 =	sshrl.u32 s5, $0x1;
	s31 =	sshrl.u32 s29, $0x2  }
0xc: {  	s8 =	sadd.s32 s8, s9;
	s12 =	ssub.s32 s5, s30;
	s7 =	sshrl.u32 s7, $0x3  }
0xd: {  	s13 =	sadd.s32 s31, s2;
	s8 =	sshrl.u32 s8, $0x3;
	s10 =	sadd.s32 s7, s6  }
0xe: {  	s7 =	sadd.s32 s28, s6;
	s11 =	sadd.s32 s8, s6;
	s6 =	sor.u32 $0x1C03, s23  }
0xf: {  	s23 =	sor.u32 $0x1C04, s23;
	s5 =	sadd.s32 $0x19800, s7;
	s7 =	sadd.s32 $0xF800, s10  }
0x10: {  	s8 =	sadd.s32 $0x5800, s10;
	s9 =	sadd.s32 $0x5A80, s10;
	s10 =	sadd.s32 $0x8F400, s11  }
0x11: {  	s11 =	smax.u32 s12, $0x1;
	s12 =	sshrl.u32 s13, $0x3;
	s13 =	simm.s32 $0x2800  }
.LBB2_1:
0x12: {  	[spmem:s12], [sflag:s6] =	dma.local [hbm:s5], $0x2780  }
0x13: {  	[tilespmem:s3], [sflag:$0x1] =	stream.linear.gather [hbm4b:s7+s3], $0x2800, $0x38;
	[tilespmem:$0x1F800] =	vst v63  }
0x14: {  	_ = 	snop  }
0x15: {  	[tilespmem:s13], [sflag:$0x2] =	stream.linear.gather [hbm4b:s8+s3], $0x1400, $0x38;
	[tilespmem:$0x1F800] =	vst v63  }
0x16: {  	_ =	swait.ge [sflag:s14], $0x2800  }
0x17: {  	[sflag:s14] =	ssyncset.done $0x0  }
0x18: {  	[sflag:s14] =	ssyncadd.s32 $0xFFFFD800  }
0x19: {  	_ =	swait.ge [sflag:s15], $0x1400  }
0x1a: {  	[sflag:s15] =	ssyncset.done $0x0  }
0x1b: {  	[sflag:s15] =	ssyncadd.s32 $0xFFFFEC00  }
0x1c: {  	[tilespmem:s17], [sflag:$0x1] =	stream.indirect.gather [hbm4b:s4+s16], $0x80, s3, s16, $0xb8;
	[tilespmem:$0x1F800] =	vst v63  }
0x1d: {  	_ = 	snop  }
0x1e: {  	[tilespmem:s18], [sflag:$0x2] =	stream.indirect.gather [hbm4b:s4+s16], $0x80, s16, s16, $0xb8;
	[tilespmem:$0x1F800] =	vst v63  }
0x1f: {  	_ =	swait.ge [sflag:s19], $0x2780  }
0x20: {  	[sflag:s19] =	ssyncset.done $0x0  }
0x21: {  	[sflag:s19] =	ssyncadd.s32 $0xFFFFD880  }
0x22: {  	[bflag:$0x0] =	sbarrier.arrive $0xFFFF  }
0x23: {  	_ =	swait.ge [sflag:s14], $0x4000  }
0x24: {  	[sflag:s14] =	ssyncset.done $0x0  }
0x25: {  	s25 =	simm.s32 $0x2800;
	[sflag:s14] =	ssyncadd.s32 $0xFFFFC000  }
0x26: {  	[spmem:s2] =	stream.indirect.scatter.add.f32 [tilespmem:s17], [sflag:$0x4], $0x80, s25, s16, $0xb8;
	[tilespmem:$0x1F800] =	vst v63  }
0x27: {  	_ =	swait.ge [sflag:s20], $0x4000  }
0x28: {  	[sflag:s20] =	ssyncset.done $0x0  }
0x29: {  	s30 =	simm.s32 $0x100;
	[sflag:s20] =	ssyncadd.s32 $0xFFFFC000  }
0x2a: {  	[tilespmem:s17], [sflag:$0x1] =	stream.indirect.gather [hbm4b:s4+s16], $0x80, s30, s16, $0xb8;
	[tilespmem:$0x1F800] =	vst v63  }
0x2b: {  	_ =	swait.ge [sflag:s15], $0x4000  }
0x2c: {  	[sflag:s15] =	ssyncset.done $0x0  }
0x2d: {  	s31 =	simm.s32 $0x2880;
	[sflag:s15] =	ssyncadd.s32 $0xFFFFC000  }
0x2e: {  	[spmem:s2] =	stream.indirect.scatter.add.f32 [tilespmem:s18], [sflag:$0x4], $0x80, s31, s16, $0xb8;
	[tilespmem:$0x1F800] =	vst v63  }
0x2f: {  	_ =	swait.ge [sflag:s20], $0x4000  }
0x30: {  	[sflag:s20] =	ssyncset.done $0x0  }
0x31: {  	s26 =	simm.s32 $0x180;
	s25 =	simm.s32 $0x400;
	[sflag:s20] =	ssyncadd.s32 $0xFFFFC000  }
.LBB2_2:
0x32: {  	[tilespmem:s18], [sflag:$0x2] =	stream.indirect.gather [hbm4b:s4+s16], $0x80, s26, s16, $0xb8;
	[tilespmem:$0x1F800] =	vst v63  }
0x33: {  	s26 =	smov.u32 s25  }
0x34: {  	p0 =	sne.s32 s25, $0x4C00;
	s25 =	sadd.s32 $0x400, s25;
	_ =	swait.ge [sflag:s14], $0x4000  }
0x35: {  	s26 =	sshra.s32 s26, $0x2;
	[sflag:s14] =	ssyncset.done $0x0  }
0x36: {  	s28 =	sadd.s32 $0x2800, s26;
	[sflag:s14] =	ssyncadd.s32 $0xFFFFC000  }
0x37: {  	[spmem:s2] =	stream.indirect.scatter.add.f32 [tilespmem:s17], [sflag:$0x4], $0x80, s28, s16, $0xb8;
	[tilespmem:$0x1F800] =	vst v63  }
0x38: {  	_ =	swait.ge [sflag:s20], $0x4000  }
0x39: {  	[sflag:s20] =	ssyncset.done $0x0  }
0x3a: {  	s28 =	sadd.s32 $0x100, s26;
	[sflag:s20] =	ssyncadd.s32 $0xFFFFC000  }
0x3b: {  	[tilespmem:s17], [sflag:$0x1] =	stream.indirect.gather [hbm4b:s4+s16], $0x80, s28, s16, $0xb8;
	[tilespmem:$0x1F800] =	vst v63  }
0x3c: {  	_ =	swait.ge [sflag:s15], $0x4000  }
0x3d: {  	[sflag:s15] =	ssyncset.done $0x0  }
.Ltmp0:
0x3e: {  	s28 =	sadd.s32 $0x2880, s26;
	[sflag:s15] =	ssyncadd.s32 $0xFFFFC000;
	(pc) =	sbr.rel @p0 .LBB2_2-.Ltmp0, $4  }
0x3f: {  	[spmem:s2] =	stream.indirect.scatter.add.f32 [tilespmem:s18], [sflag:$0x4], $0x80, s28, s16, $0xb8;
	[tilespmem:$0x1F800] =	vst v63  }
0x40: {  	_ =	swait.ge [sflag:s20], $0x4000  }
0x41: {  	[sflag:s20] =	ssyncset.done $0x0  }
0x42: {  	s26 =	sadd.s32 $0x180, s26;
	[sflag:s20] =	ssyncadd.s32 $0xFFFFC000  }
0x43: {  	[tilespmem:s18], [sflag:$0x2] =	stream.indirect.gather [hbm4b:s4+s16], $0x80, s26, s16, $0xb8;
	[tilespmem:$0x1F800] =	vst v63  }
0x44: {  	s25 =	simm.s32 $0x0  }
0x45: {  	[tilespmem:s13], [sflag:$0x4] =	stream.linear.gather [hbm4b:s9+s25], $0x1400, $0x38;
	[tilespmem:$0x1F800] =	vst v63  }
0x46: {  	_ =	swait.ge [sflag:s20], $0x1400  }
0x47: {  	[sflag:s20] =	ssyncset.done $0x0  }
0x48: {  	[sflag:s20] =	ssyncadd.s32 $0xFFFFEC00  }
0x49: {  	_ =	swait.ge [sflag:s14], $0x4000  }
0x4a: {  	[sflag:s14] =	ssyncset.done $0x0  }
0x4b: {  	s29 =	simm.s32 $0x2800;
	[sflag:s14] =	ssyncadd.s32 $0xFFFFC000  }
0x4c: {  	[spmem:s2] =	stream.indirect.scatter.add.f32 [tilespmem:s17], [sflag:$0x4], $0x80, s29, s16, $0xb8;
	[tilespmem:$0x1F800] =	vst v63  }
0x4d: {  	_ =	swait.ge [sflag:s20], $0x4000  }
0x4e: {  	[sflag:s20] =	ssyncset.done $0x0  }
0x4f: {  	s30 =	simm.s32 $0x1500;
	[sflag:s20] =	ssyncadd.s32 $0xFFFFC000  }
0x50: {  	[tilespmem:s17], [sflag:$0x1] =	stream.indirect.gather [hbm4b:s4+s16], $0x80, s30, s16, $0xb8;
	[tilespmem:$0x1F800] =	vst v63  }
0x51: {  	_ =	swait.ge [sflag:s15], $0x4000  }
0x52: {  	[sflag:s15] =	ssyncset.done $0x0  }
0x53: {  	s31 =	simm.s32 $0x2880;
	[sflag:s15] =	ssyncadd.s32 $0xFFFFC000  }
0x54: {  	[spmem:s2] =	stream.indirect.scatter.add.f32 [tilespmem:s18], [sflag:$0x4], $0x80, s31, s16, $0xb8;
	[tilespmem:$0x1F800] =	vst v63  }
0x55: {  	_ =	swait.ge [sflag:s20], $0x4000  }
0x56: {  	[sflag:s20] =	ssyncset.done $0x0  }
0x57: {  	s26 =	simm.s32 $0x1580;
	s25 =	simm.s32 $0x400;
	[sflag:s20] =	ssyncadd.s32 $0xFFFFC000  }
.LBB2_4:
0x58: {  	[tilespmem:s18], [sflag:$0x2] =	stream.indirect.gather [hbm4b:s4+s16], $0x80, s26, s16, $0xb8;
	[tilespmem:$0x1F800] =	vst v63  }
0x59: {  	s26 =	smov.u32 s25  }
0x5a: {  	p0 =	sne.s32 s25, $0x4800;
	s25 =	sadd.s32 $0x400, s25;
	_ =	swait.ge [sflag:s14], $0x4000  }
0x5b: {  	s26 =	sshra.s32 s26, $0x2;
	[sflag:s14] =	ssyncset.done $0x0  }
0x5c: {  	s28 =	sadd.s32 $0x2800, s26;
	[sflag:s14] =	ssyncadd.s32 $0xFFFFC000  }
0x5d: {  	[spmem:s2] =	stream.indirect.scatter.add.f32 [tilespmem:s17], [sflag:$0x4], $0x80, s28, s16, $0xb8;
	[tilespmem:$0x1F800] =	vst v63  }
0x5e: {  	_ =	swait.ge [sflag:s20], $0x4000  }
0x5f: {  	[sflag:s20] =	ssyncset.done $0x0  }
0x60: {  	s28 =	sadd.s32 $0x1500, s26;
	[sflag:s20] =	ssyncadd.s32 $0xFFFFC000  }
0x61: {  	[tilespmem:s17], [sflag:$0x1] =	stream.indirect.gather [hbm4b:s4+s16], $0x80, s28, s16, $0xb8;
	[tilespmem:$0x1F800] =	vst v63  }
0x62: {  	_ =	swait.ge [sflag:s15], $0x4000  }
0x63: {  	[sflag:s15] =	ssyncset.done $0x0  }
.Ltmp1:
0x64: {  	s28 =	sadd.s32 $0x2880, s26;
	[sflag:s15] =	ssyncadd.s32 $0xFFFFC000;
	(pc) =	sbr.rel @p0 .LBB2_4-.Ltmp1, $4  }
0x65: {  	[spmem:s2] =	stream.indirect.scatter.add.f32 [tilespmem:s18], [sflag:$0x4], $0x80, s28, s16, $0xb8;
	[tilespmem:$0x1F800] =	vst v63  }
0x66: {  	_ =	swait.ge [sflag:s20], $0x4000  }
0x67: {  	[sflag:s20] =	ssyncset.done $0x0  }
0x68: {  	s26 =	sadd.s32 $0x1580, s26;
	[sflag:s20] =	ssyncadd.s32 $0xFFFFC000  }
0x69: {  	[tilespmem:s18], [sflag:$0x2] =	stream.indirect.gather [hbm4b:s4+s16], $0x80, s26, s16, $0xb8;
	[tilespmem:$0x1F800] =	vst v63  }
0x6a: {  	_ =	swait.ge [sflag:s14], $0x4000  }
0x6b: {  	[sflag:s14] =	ssyncset.done $0x0  }
0x6c: {  	[sflag:s14] =	ssyncadd.s32 $0xFFFFC000  }
0x6d: {  	[spmem:s2] =	stream.indirect.scatter.add.f32 [tilespmem:s17], [sflag:$0x4], $0x80, s21, s16, $0xb8;
	[tilespmem:$0x1F800] =	vst v63  }
0x6e: {  	_ =	swait.ge [sflag:s20], $0x4000  }
0x6f: {  	[sflag:s20] =	ssyncset.done $0x0  }
0x70: {  	[sflag:s20] =	ssyncadd.s32 $0xFFFFC000  }
0x71: {  	_ =	swait.ge [sflag:s15], $0x4000  }
0x72: {  	[sflag:s15] =	ssyncset.done $0x0  }
0x73: {  	[sflag:s15] =	ssyncadd.s32 $0xFFFFC000  }
0x74: {  	[spmem:s2] =	stream.indirect.scatter.add.f32 [tilespmem:s18], [sflag:$0x4], $0x80, s22, s16, $0xb8;
	[tilespmem:$0x1F800] =	vst v63  }
0x75: {  	_ =	swait.ge [sflag:s20], $0x4000  }
0x76: {  	s24 =	sadd.s32 $0x1, s24;
	[sflag:s20] =	ssyncset.done $0x0  }
0x77: {  	p0 =	sne.s32 s24, s11;
	[sflag:s20] =	ssyncadd.s32 $0xFFFFC000  }
.Ltmp2:
0x78: {  	[bflag:$0x0] =	sbarrier.arrive $0xFFFF;
	(pc) =	sbr.rel @p0 .LBB2_1-.Ltmp2, $4  }
0x79: {  	[hbm:s10], [sflag:s23] =	dma.local [spmem:s12], $0x2780  }
0x7a: {  	_ =	swait.ge [sflag:s20], $0x2780  }
0x7b: {  	[sflag:s20] =	ssyncset.done $0x0  }
0x7c: {  	[sflag:s20] =	ssyncadd.s32 $0xFFFFD880  }
0x7d: {  	_ =	sfence.sel $0x180000  }
0x7e: {  	[bflag:$0x0] =	sbarrier.arrive $0xFFFF  }
0x7f: {  	p0 =	sne.s32 s0, $0x0;
	_ =	strace $0x90000050  }
0x80: {  	s0 =	sadd.s32 @!p0 $0x100000, s1;
	[bflag:$0x2] =	sbarrier.arrive $0xFFFF  }
0x81: {  	[sflag:s0] =	ssyncadd.tile.s32 @!p0 $0x1;
	_ =	shalt  }
.Lfunc_end2:
_tile_overlayer_lowered:
.L_overlay_start_2:
0x82: {  	(tag) =	ssettag $0x2  }
0x83: {  	s0 =	rddreg [dreg:$0x0];
	s2 =	stileid.u32  }
0x84: {  	s1 =	rddreg [dreg:$0x1];
	p0 =	sne.s32 s2, $0x0  }
0x85: {  	s3 =	rddreg [dreg:$0x2];
	[bflag:$0x3] =	sbarrier.arrive $0xFFFF;
	s2 =	simm.s32 @!p0 $0x1C04  }
0x86: {  	[timem:s3], [sflag:s2] =	dma.local @!p0 [hbm:s0], s1  }
0x87: {  	s0 =	simm.s32 @!p0 $0x4  }
0x88: {  	_ =	swait.ge @!p0 [sflag:s0], s1  }
0x89: {  	s1 =	ssub.s32 @!p0 $0x0, s1;
	[sflag:s0] =	ssyncset.done @!p0 $0x0  }
0x8a: {  	[sflag:s0] =	ssyncadd.s32 @!p0 s1  }
0x8b: {  	[bflag:$0x3] =	sbarrier.arrive $0xFFFF  }
0x8c: {  	_ =	shalt  }

</sc_bundles>
